<compile_context>
chip_gen: v7x
topology: tpu7x:2x2x1
jax: 0.10.2.dev20260603
libtpu: 0.0.44.dev20260713+nightly
codegen_flags: <defaults>
</compile_context>

<pallas_src>
import functools

import jax
import jax.numpy as jnp
from jax import lax
from jax.experimental import pallas as pl
from jax.experimental.pallas import tpu as pltpu
from jax.experimental.pallas import tpu_sc as plsc

EMB = 64
CHUNK = 128
SLAB = 2
SROWS = CHUNK * SLAB
TPITCH = CHUNK + 5


def _gather_body(n_slabs, nc, table_hbm, idx_hbm, out_hbm,
                 idx_v, rows_v, tbuf, sem_g, sem_o, sem_i):
    wid = lax.axis_index("s") * nc + lax.axis_index("c")
    s0 = wid * n_slabs
    iota16 = lax.iota(jnp.int32, 16)

    def stage_idx(t, p):
        pltpu.async_copy(idx_hbm.at[pl.ds((s0 + t) * SLAB, SLAB)],
                         idx_v.at[p], sem_i.at[p])

    def wait_idx(t, p):
        pltpu.make_async_copy(idx_hbm.at[pl.ds((s0 + t) * SLAB, SLAB)],
                              idx_v.at[p], sem_i.at[p]).wait()

    def fire_gathers(p):
        for k in range(SLAB):
            pltpu.async_copy(table_hbm.at[idx_v.at[p, k]],
                             rows_v.at[p, pl.ds(k * CHUNK, CHUNK)],
                             sem_g.at[p])

    def drain_gathers(p):
        pltpu.make_async_copy(table_hbm.at[pl.ds(0, SROWS)], rows_v.at[p],
                              sem_g.at[p]).wait()

    def out_slice(t, k):
        g = (s0 + t) * SLAB + k
        return out_hbm.at[g // 128, :, g % 128]

    def start_write(t, p):
        for k in range(SLAB):
            pltpu.async_copy(tbuf.at[p, k, :, :, pl.ds(0, CHUNK)],
                             out_slice(t, k), sem_o.at[p])

    def drain_write(t, p):
        for k in range(SLAB):
            pltpu.make_async_copy(tbuf.at[p, k, :, :, pl.ds(0, CHUNK)],
                                  out_slice(t, k), sem_o.at[p]).wait()

    def transpose(p, pt):
        rows2d = rows_v.at[p]
        tb = tbuf.at[pt]
        segs = [((c0 + iota16) // 8, (c0 + iota16) % 8)
                for c0 in range(0, EMB, 16)]

        def tbody(r8, carry):
            for rr in range(8):
                r = r8 * 8 + rr
                at_vec = jnp.full((16,), r // CHUNK, jnp.int32)
                al_vec = jnp.full((16,), r % CHUNK, jnp.int32)
                row_ref = rows2d.at[r]
                for si, (ct_vec, cl_vec) in enumerate(segs):
                    v = row_ref[pl.ds(si * 16, 16)]
                    plsc.store_scatter(
                        tb, [at_vec, ct_vec, cl_vec, al_vec], v)
            return carry

        lax.fori_loop(0, SROWS // 8, tbody, 0)

    stage_idx(0, 0)
    stage_idx(1, 1)
    stage_idx(2, 2)
    wait_idx(0, 0)
    fire_gathers(0)
    wait_idx(1, 1)
    fire_gathers(1)

    def body(t, carry):
        pr = t % 3
        pt = t % 2
        drain_gathers(pr)

        @pl.when(t + 2 < n_slabs)
        def _next_gathers():
            pr2 = (t + 2) % 3
            wait_idx(t + 2, pr2)
            fire_gathers(pr2)

        @pl.when(t >= 2)
        def _free_tbuf():
            drain_write(t - 2, pt)

        transpose(pr, pt)
        start_write(t, pt)

        @pl.when(t + 3 < n_slabs)
        def _next_idx():
            stage_idx(t + 3, pr)
        return carry

    lax.fori_loop(0, n_slabs, body, 0)
    drain_write(n_slabs - 2, n_slabs % 2)
    drain_write(n_slabs - 1, (n_slabs - 1) % 2)


@jax.jit
def kernel(inputs, weight):
    n_a, n_b = inputs.shape
    n_idx = n_a * n_b
    idx2d = inputs.T.astype(jnp.int32).reshape(n_idx // CHUNK, CHUNK)
    table = weight

    info = plsc.get_sparse_core_info()
    nc, ns = info.num_cores, info.num_subcores
    nw = nc * ns
    n_slabs = n_idx // SROWS // nw

    mesh = plsc.VectorSubcoreMesh(core_axis_name="c", subcore_axis_name="s")
    out5 = pl.kernel(
        functools.partial(_gather_body, n_slabs, nc),
        out_type=jax.ShapeDtypeStruct(
            (n_b, EMB // 8, n_a // CHUNK, 8, CHUNK), jnp.float32),
        mesh=mesh,
        scratch_types=[
            pltpu.VMEM((3, SLAB, CHUNK), jnp.int32),
            pltpu.VMEM((3, SROWS, EMB), jnp.float32),
            pltpu.VMEM((2, SLAB, EMB // 8, 8, TPITCH), jnp.float32),
            pltpu.SemaphoreType.DMA((3,)),
            pltpu.SemaphoreType.DMA((2,)),
            pltpu.SemaphoreType.DMA((3,)),
        ],
        compiler_params=pltpu.CompilerParams(use_tc_tiling_on_sc=False,
                                             needs_layout_passes=False),
    )(table, idx2d)
    out = jnp.transpose(out5, (2, 4, 0, 1, 3)).reshape(n_a, n_b, EMB)
    return out

# --- scband reference (transcript-rebuilt; emitter-appended) ---
"""Pipeline reference for scband-tftransfo-embeddings-41497974014447 (READ-ONLY COPY).

The authoritative reference and input builder live on the scoring server;
editing this copy changes nothing except your own understanding.
"""

import jax, jax.numpy as jnp
import numpy as np

VOCAB = 1000000
EMB = 64
INIT_STD = 0.02


def setup_inputs(seed: int = 0) -> dict:
    key = jax.random.key(seed)
    k_idx, k_w = jax.random.split(key)
    inputs = jax.random.randint(k_idx, (16384, 50), 0, VOCAB, dtype=jnp.int64 if jax.config.jax_enable_x64 else jnp.int32)
    weight = jax.random.normal(k_w, (VOCAB, EMB), dtype=jnp.float32) * INIT_STD
    return {"inputs": inputs, "weight": weight}


def reference(inputs, weight):
    # Faithful translation of tf.gather(self.weight, inputs)
    return jnp.take(weight, inputs, axis=0)

if __name__ == "__main__":
    import jax
    _d = setup_inputs()
    print(jax.jit(kernel)(*tuple(_d.values())))

</pallas_src>

<mosaic_0001>
#map = affine_map<(d0, d1) -> (0, 0)>
#map1 = affine_map<(d0, d1) -> (0, 0, 0, 0, 0)>
module attributes {stable_mosaic.version = 14 : i64} {
  func.func @_gather_body(%arg0: i32, %arg1: i32, %arg2: memref<1000000x64xf32, #tpu.memory_space<hbm>>, %arg3: memref<6400x128xi32, #tpu.memory_space<hbm>>, %arg4: memref<50x8x128x8x128xf32, #tpu.memory_space<hbm>>, %arg5: memref<3x2x128xi32, #tpu.memory_space<vmem>>, %arg6: memref<3x256x64xf32, #tpu.memory_space<vmem>>, %arg7: memref<2x2x8x8x133xf32, #tpu.memory_space<vmem>>, %arg8: memref<3x!tpu.dma_semaphore, #tpu.memory_space<semaphore_mem>>, %arg9: memref<2x!tpu.dma_semaphore, #tpu.memory_space<semaphore_mem>>, %arg10: memref<3x!tpu.dma_semaphore, #tpu.memory_space<semaphore_mem>>) attributes {dimension_semantics = [#tpu.dimension_semantics<core_parallel>, #tpu.dimension_semantics<subcore_parallel>], iteration_bounds = array<i64: 2, 16>, scalar_prefetch = 0 : i64, scratch_operands = 6 : i64, tpu.core_type = #tpu.core_type<sc_vector_subcore>, window_params = [{transform_indices = #map}, {transform_indices = #map}, {transform_indices = #map1}]} {
    %mul3A = arith.constant 2 : i32
    %mul3A_0 = arith.muli %arg1, %mul3A : i32
    %add3A = arith.addi %mul3A_0, %arg0 : i32
    %mul3A_1 = arith.constant 100 : i32
    %mul3A_2 = arith.muli %add3A, %mul3A_1 : i32
    %iota3A = tpu.iota {dimensions = array<i32: 0>} : vector<16xi32>
    %add3A_3 = arith.constant 0 : i32
    %add3A_4 = arith.addi %mul3A_2, %add3A_3 : i32
    %mul3A_5 = arith.constant 2 : i32
    %mul3A_6 = arith.muli %add3A_4, %mul3A_5 : i32
    %dma_start3A = arith.constant 0 : i32
    %dma_start3A_7 = arith.constant 0 : i32
    %dma_start3A_8 = arith.constant 0 : i32
    %dma_start3A_9 = arith.constant 0 : i32
    %dma_start3A_10 = tpu.memref_slice %arg5[%dma_start3A, %dma_start3A_8, %dma_start3A_9] : memref<3x2x128xi32, #tpu.memory_space<vmem>> -> memref<1x2x128xi32, #tpu.memory_space<vmem>>
    %dma_start3A_11 = tpu.memref_squeeze %dma_start3A_10 : memref<1x2x128xi32, #tpu.memory_space<vmem>> -> memref<2x128xi32, #tpu.memory_space<vmem>>
    %dma_start3A_12 = arith.constant 0 : i32
    %dma_start3A_13 = tpu.memref_slice %arg3[%mul3A_6, %dma_start3A_12] : memref<6400x128xi32, #tpu.memory_space<hbm>> -> memref<2x128xi32, #tpu.memory_space<hbm>>
    %dma_start3A_14 = tpu.memref_slice %arg10[%dma_start3A_7] : memref<3x!tpu.dma_semaphore, #tpu.memory_space<semaphore_mem>> -> memref<1x!tpu.dma_semaphore, #tpu.memory_space<semaphore_mem>>
    %dma_start3A_15 = tpu.memref_squeeze %dma_start3A_14 : memref<1x!tpu.dma_semaphore, #tpu.memory_space<semaphore_mem>> -> memref<!tpu.dma_semaphore, #tpu.memory_space<semaphore_mem>>
    %dma_start3A_16 = arith.constant 0 : i32
    %dma_start3A_17 = arith.constant 0 : i32
    %dma_start3A_18 = tpu.memref_slice %arg5[%dma_start3A, %dma_start3A_16, %dma_start3A_17] : memref<3x2x128xi32, #tpu.memory_space<vmem>> -> memref<1x2x128xi32, #tpu.memory_space<vmem>>
    %dma_start3A_19 = tpu.memref_squeeze %dma_start3A_18 : memref<1x2x128xi32, #tpu.memory_space<vmem>> -> memref<2x128xi32, #tpu.memory_space<vmem>>
    %dma_start3A_20 = arith.constant 0 : i32
    %dma_start3A_21 = tpu.memref_slice %arg3[%mul3A_6, %dma_start3A_20] : memref<6400x128xi32, #tpu.memory_space<hbm>> -> memref<2x128xi32, #tpu.memory_space<hbm>>
    tpu.enqueue_dma source(%dma_start3A_21 : memref<2x128xi32, #tpu.memory_space<hbm>>) target(%dma_start3A_19 : memref<2x128xi32, #tpu.memory_space<vmem>>) target_semaphore(%dma_start3A_15 : memref<!tpu.dma_semaphore, #tpu.memory_space<semaphore_mem>>)
    %add3A_22 = arith.constant 1 : i32
    %add3A_23 = arith.addi %mul3A_2, %add3A_22 : i32
    %mul3A_24 = arith.constant 2 : i32
    %mul3A_25 = arith.muli %add3A_23, %mul3A_24 : i32
    %dma_start3A_26 = arith.constant 1 : i32
    %dma_start3A_27 = arith.constant 1 : i32
    %dma_start3A_28 = arith.constant 0 : i32
    %dma_start3A_29 = arith.constant 0 : i32
    %dma_start3A_30 = tpu.memref_slice %arg5[%dma_start3A_26, %dma_start3A_28, %dma_start3A_29] : memref<3x2x128xi32, #tpu.memory_space<vmem>> -> memref<1x2x128xi32, #tpu.memory_space<vmem>>
    %dma_start3A_31 = tpu.memref_squeeze %dma_start3A_30 : memref<1x2x128xi32, #tpu.memory_space<vmem>> -> memref<2x128xi32, #tpu.memory_space<vmem>>
    %dma_start3A_32 = arith.constant 0 : i32
    %dma_start3A_33 = tpu.memref_slice %arg3[%mul3A_25, %dma_start3A_32] : memref<6400x128xi32, #tpu.memory_space<hbm>> -> memref<2x128xi32, #tpu.memory_space<hbm>>
    %dma_start3A_34 = tpu.memref_slice %arg10[%dma_start3A_27] : memref<3x!tpu.dma_semaphore, #tpu.memory_space<semaphore_mem>> -> memref<1x!tpu.dma_semaphore, #tpu.memory_space<semaphore_mem>>
    %dma_start3A_35 = tpu.memref_squeeze %dma_start3A_34 : memref<1x!tpu.dma_semaphore, #tpu.memory_space<semaphore_mem>> -> memref<!tpu.dma_semaphore, #tpu.memory_space<semaphore_mem>>
    %dma_start3A_36 = arith.constant 0 : i32
    %dma_start3A_37 = arith.constant 0 : i32
    %dma_start3A_38 = tpu.memref_slice %arg5[%dma_start3A_26, %dma_start3A_36, %dma_start3A_37] : memref<3x2x128xi32, #tpu.memory_space<vmem>> -> memref<1x2x128xi32, #tpu.memory_space<vmem>>
    %dma_start3A_39 = tpu.memref_squeeze %dma_start3A_38 : memref<1x2x128xi32, #tpu.memory_space<vmem>> -> memref<2x128xi32, #tpu.memory_space<vmem>>
    %dma_start3A_40 = arith.constant 0 : i32
    %dma_start3A_41 = tpu.memref_slice %arg3[%mul3A_25, %dma_start3A_40] : memref<6400x128xi32, #tpu.memory_space<hbm>> -> memref<2x128xi32, #tpu.memory_space<hbm>>
    tpu.enqueue_dma source(%dma_start3A_41 : memref<2x128xi32, #tpu.memory_space<hbm>>) target(%dma_start3A_39 : memref<2x128xi32, #tpu.memory_space<vmem>>) target_semaphore(%dma_start3A_35 : memref<!tpu.dma_semaphore, #tpu.memory_space<semaphore_mem>>)
    %add3A_42 = arith.constant 2 : i32
    %add3A_43 = arith.addi %mul3A_2, %add3A_42 : i32
    %mul3A_44 = arith.constant 2 : i32
    %mul3A_45 = arith.muli %add3A_43, %mul3A_44 : i32
    %dma_start3A_46 = arith.constant 2 : i32
    %dma_start3A_47 = arith.constant 2 : i32
    %dma_start3A_48 = arith.constant 0 : i32
    %dma_start3A_49 = arith.constant 0 : i32
    %dma_start3A_50 = tpu.memref_slice %arg5[%dma_start3A_46, %dma_start3A_48, %dma_start3A_49] : memref<3x2x128xi32, #tpu.memory_space<vmem>> -> memref<1x2x128xi32, #tpu.memory_space<vmem>>
    %dma_start3A_51 = tpu.memref_squeeze %dma_start3A_50 : memref<1x2x128xi32, #tpu.memory_space<vmem>> -> memref<2x128xi32, #tpu.memory_space<vmem>>
    %dma_start3A_52 = arith.constant 0 : i32
    %dma_start3A_53 = tpu.memref_slice %arg3[%mul3A_45, %dma_start3A_52] : memref<6400x128xi32, #tpu.memory_space<hbm>> -> memref<2x128xi32, #tpu.memory_space<hbm>>
    %dma_start3A_54 = tpu.memref_slice %arg10[%dma_start3A_47] : memref<3x!tpu.dma_semaphore, #tpu.memory_space<semaphore_mem>> -> memref<1x!tpu.dma_semaphore, #tpu.memory_space<semaphore_mem>>
    %dma_start3A_55 = tpu.memref_squeeze %dma_start3A_54 : memref<1x!tpu.dma_semaphore, #tpu.memory_space<semaphore_mem>> -> memref<!tpu.dma_semaphore, #tpu.memory_space<semaphore_mem>>
    %dma_start3A_56 = arith.constant 0 : i32
    %dma_start3A_57 = arith.constant 0 : i32
    %dma_start3A_58 = tpu.memref_slice %arg5[%dma_start3A_46, %dma_start3A_56, %dma_start3A_57] : memref<3x2x128xi32, #tpu.memory_space<vmem>> -> memref<1x2x128xi32, #tpu.memory_space<vmem>>
    %dma_start3A_59 = tpu.memref_squeeze %dma_start3A_58 : memref<1x2x128xi32, #tpu.memory_space<vmem>> -> memref<2x128xi32, #tpu.memory_space<vmem>>
    %dma_start3A_60 = arith.constant 0 : i32
    %dma_start3A_61 = tpu.memref_slice %arg3[%mul3A_45, %dma_start3A_60] : memref<6400x128xi32, #tpu.memory_space<hbm>> -> memref<2x128xi32, #tpu.memory_space<hbm>>
    tpu.enqueue_dma source(%dma_start3A_61 : memref<2x128xi32, #tpu.memory_space<hbm>>) target(%dma_start3A_59 : memref<2x128xi32, #tpu.memory_space<vmem>>) target_semaphore(%dma_start3A_55 : memref<!tpu.dma_semaphore, #tpu.memory_space<semaphore_mem>>)
    %add3A_62 = arith.constant 0 : i32
    %add3A_63 = arith.addi %mul3A_2, %add3A_62 : i32
    %mul3A_64 = arith.constant 2 : i32
    %mul3A_65 = arith.muli %add3A_63, %mul3A_64 : i32
    %dma_wait3A = arith.constant 0 : i32
    %dma_wait3A_66 = arith.constant 0 : i32
    %dma_wait3A_67 = arith.constant 0 : i32
    %dma_wait3A_68 = arith.constant 0 : i32
    %dma_wait3A_69 = tpu.memref_slice %arg5[%dma_wait3A, %dma_wait3A_67, %dma_wait3A_68] : memref<3x2x128xi32, #tpu.memory_space<vmem>> -> memref<1x2x128xi32, #tpu.memory_space<vmem>>
    %dma_wait3A_70 = tpu.memref_squeeze %dma_wait3A_69 : memref<1x2x128xi32, #tpu.memory_space<vmem>> -> memref<2x128xi32, #tpu.memory_space<vmem>>
    %dma_wait3A_71 = arith.constant 0 : i32
    %dma_wait3A_72 = tpu.memref_slice %arg3[%mul3A_65, %dma_wait3A_71] : memref<6400x128xi32, #tpu.memory_space<hbm>> -> memref<2x128xi32, #tpu.memory_space<hbm>>
    %dma_wait3A_73 = tpu.memref_slice %arg10[%dma_wait3A_66] : memref<3x!tpu.dma_semaphore, #tpu.memory_space<semaphore_mem>> -> memref<1x!tpu.dma_semaphore, #tpu.memory_space<semaphore_mem>>
    %dma_wait3A_74 = tpu.memref_squeeze %dma_wait3A_73 : memref<1x!tpu.dma_semaphore, #tpu.memory_space<semaphore_mem>> -> memref<!tpu.dma_semaphore, #tpu.memory_space<semaphore_mem>>
    %dma_wait3A_75 = arith.constant 0 : i32
    %dma_wait3A_76 = arith.constant 0 : i32
    %dma_wait3A_77 = tpu.memref_slice %arg5[%dma_wait3A, %dma_wait3A_75, %dma_wait3A_76] : memref<3x2x128xi32, #tpu.memory_space<vmem>> -> memref<1x2x128xi32, #tpu.memory_space<vmem>>
    %dma_wait3A_78 = tpu.memref_squeeze %dma_wait3A_77 : memref<1x2x128xi32, #tpu.memory_space<vmem>> -> memref<2x128xi32, #tpu.memory_space<vmem>>
    %dma_wait3A_79 = arith.constant 0 : i32
    %dma_wait3A_80 = tpu.memref_slice %arg3[%mul3A_65, %dma_wait3A_79] : memref<6400x128xi32, #tpu.memory_space<hbm>> -> memref<2x128xi32, #tpu.memory_space<hbm>>
    tpu.wait_dma2 semaphore(%dma_wait3A_74 : memref<!tpu.dma_semaphore, #tpu.memory_space<semaphore_mem>>) src(%dma_wait3A_80 : memref<2x128xi32, #tpu.memory_space<hbm>>) dst(%dma_wait3A_78 : memref<2x128xi32, #tpu.memory_space<vmem>>)
    %dma_start3A_81 = arith.constant 0 : i32
    %dma_start3A_82 = arith.constant 0 : i32
    %dma_start3A_83 = arith.constant 0 : i32
    %dma_start3A_84 = arith.constant 0 : i32
    %dma_start3A_85 = arith.constant 0 : i32
    %dma_start3A_86 = arith.constant 0 : i32
    %dma_start3A_87 = tpu.memref_slice %arg6[%dma_start3A_83, %dma_start3A_85, %dma_start3A_86] : memref<3x256x64xf32, #tpu.memory_space<vmem>> -> memref<1x128x64xf32, #tpu.memory_space<vmem>>
    %dma_start3A_88 = tpu.memref_squeeze %dma_start3A_87 : memref<1x128x64xf32, #tpu.memory_space<vmem>> -> memref<128x64xf32, #tpu.memory_space<vmem>>
    %dma_start3A_89 = arith.constant 0 : i32
    %dma_start3A_90 = tpu.memref_slice %arg5[%dma_start3A_81, %dma_start3A_82, %dma_start3A_89] : memref<3x2x128xi32, #tpu.memory_space<vmem>> -> memref<1x1x128xi32, #tpu.memory_space<vmem>>
    %dma_start3A_91 = tpu.memref_squeeze %dma_start3A_90 : memref<1x1x128xi32, #tpu.memory_space<vmem>> -> memref<128xi32, #tpu.memory_space<vmem>>
    %dma_start3A_92 = arith.constant 0 : i32
    %dma_start3A_93 = arith.constant 0 : i32
    %dma_start3A_94 = tpu.memref_slice %arg2[%dma_start3A_92, %dma_start3A_93] : memref<1000000x64xf32, #tpu.memory_space<hbm>> -> memref<1000000x64xf32, #tpu.memory_space<hbm>>
    %dma_start3A_95 = tpu.memref_slice %arg8[%dma_start3A_84] : memref<3x!tpu.dma_semaphore, #tpu.memory_space<semaphore_mem>> -> memref<1x!tpu.dma_semaphore, #tpu.memory_space<semaphore_mem>>
    %dma_start3A_96 = tpu.memref_squeeze %dma_start3A_95 : memref<1x!tpu.dma_semaphore, #tpu.memory_space<semaphore_mem>> -> memref<!tpu.dma_semaphore, #tpu.memory_space<semaphore_mem>>
    tpu.enqueue_indirect_dma source(%dma_start3A_94 : memref<1000000x64xf32, #tpu.memory_space<hbm>>) target(%dma_start3A_88 : memref<128x64xf32, #tpu.memory_space<vmem>>) offsets(%dma_start3A_91 : memref<128xi32, #tpu.memory_space<vmem>>) semaphore(%dma_start3A_96 : memref<!tpu.dma_semaphore, #tpu.memory_space<semaphore_mem>>)
    %dma_start3A_97 = arith.constant 0 : i32
    %dma_start3A_98 = arith.constant 1 : i32
    %dma_start3A_99 = arith.constant 0 : i32
    %dma_start3A_100 = arith.constant 0 : i32
    %dma_start3A_101 = arith.constant 128 : i32
    %dma_start3A_102 = arith.constant 0 : i32
    %dma_start3A_103 = tpu.memref_slice %arg6[%dma_start3A_99, %dma_start3A_101, %dma_start3A_102] : memref<3x256x64xf32, #tpu.memory_space<vmem>> -> memref<1x128x64xf32, #tpu.memory_space<vmem>>
    %dma_start3A_104 = tpu.memref_squeeze %dma_start3A_103 : memref<1x128x64xf32, #tpu.memory_space<vmem>> -> memref<128x64xf32, #tpu.memory_space<vmem>>
    %dma_start3A_105 = arith.constant 0 : i32
    %dma_start3A_106 = tpu.memref_slice %arg5[%dma_start3A_97, %dma_start3A_98, %dma_start3A_105] : memref<3x2x128xi32, #tpu.memory_space<vmem>> -> memref<1x1x128xi32, #tpu.memory_space<vmem>>
    %dma_start3A_107 = tpu.memref_squeeze %dma_start3A_106 : memref<1x1x128xi32, #tpu.memory_space<vmem>> -> memref<128xi32, #tpu.memory_space<vmem>>
    %dma_start3A_108 = arith.constant 0 : i32
    %dma_start3A_109 = arith.constant 0 : i32
    %dma_start3A_110 = tpu.memref_slice %arg2[%dma_start3A_108, %dma_start3A_109] : memref<1000000x64xf32, #tpu.memory_space<hbm>> -> memref<1000000x64xf32, #tpu.memory_space<hbm>>
    %dma_start3A_111 = tpu.memref_slice %arg8[%dma_start3A_100] : memref<3x!tpu.dma_semaphore, #tpu.memory_space<semaphore_mem>> -> memref<1x!tpu.dma_semaphore, #tpu.memory_space<semaphore_mem>>
    %dma_start3A_112 = tpu.memref_squeeze %dma_start3A_111 : memref<1x!tpu.dma_semaphore, #tpu.memory_space<semaphore_mem>> -> memref<!tpu.dma_semaphore, #tpu.memory_space<semaphore_mem>>
    tpu.enqueue_indirect_dma source(%dma_start3A_110 : memref<1000000x64xf32, #tpu.memory_space<hbm>>) target(%dma_start3A_104 : memref<128x64xf32, #tpu.memory_space<vmem>>) offsets(%dma_start3A_107 : memref<128xi32, #tpu.memory_space<vmem>>) semaphore(%dma_start3A_112 : memref<!tpu.dma_semaphore, #tpu.memory_space<semaphore_mem>>)
    %add3A_113 = arith.constant 1 : i32
    %add3A_114 = arith.addi %mul3A_2, %add3A_113 : i32
    %mul3A_115 = arith.constant 2 : i32
    %mul3A_116 = arith.muli %add3A_114, %mul3A_115 : i32
    %dma_wait3A_117 = arith.constant 1 : i32
    %dma_wait3A_118 = arith.constant 1 : i32
    %dma_wait3A_119 = arith.constant 0 : i32
    %dma_wait3A_120 = arith.constant 0 : i32
    %dma_wait3A_121 = tpu.memref_slice %arg5[%dma_wait3A_117, %dma_wait3A_119, %dma_wait3A_120] : memref<3x2x128xi32, #tpu.memory_space<vmem>> -> memref<1x2x128xi32, #tpu.memory_space<vmem>>
    %dma_wait3A_122 = tpu.memref_squeeze %dma_wait3A_121 : memref<1x2x128xi32, #tpu.memory_space<vmem>> -> memref<2x128xi32, #tpu.memory_space<vmem>>
    %dma_wait3A_123 = arith.constant 0 : i32
    %dma_wait3A_124 = tpu.memref_slice %arg3[%mul3A_116, %dma_wait3A_123] : memref<6400x128xi32, #tpu.memory_space<hbm>> -> memref<2x128xi32, #tpu.memory_space<hbm>>
    %dma_wait3A_125 = tpu.memref_slice %arg10[%dma_wait3A_118] : memref<3x!tpu.dma_semaphore, #tpu.memory_space<semaphore_mem>> -> memref<1x!tpu.dma_semaphore, #tpu.memory_space<semaphore_mem>>
    %dma_wait3A_126 = tpu.memref_squeeze %dma_wait3A_125 : memref<1x!tpu.dma_semaphore, #tpu.memory_space<semaphore_mem>> -> memref<!tpu.dma_semaphore, #tpu.memory_space<semaphore_mem>>
    %dma_wait3A_127 = arith.constant 0 : i32
    %dma_wait3A_128 = arith.constant 0 : i32
    %dma_wait3A_129 = tpu.memref_slice %arg5[%dma_wait3A_117, %dma_wait3A_127, %dma_wait3A_128] : memref<3x2x128xi32, #tpu.memory_space<vmem>> -> memref<1x2x128xi32, #tpu.memory_space<vmem>>
    %dma_wait3A_130 = tpu.memref_squeeze %dma_wait3A_129 : memref<1x2x128xi32, #tpu.memory_space<vmem>> -> memref<2x128xi32, #tpu.memory_space<vmem>>
    %dma_wait3A_131 = arith.constant 0 : i32
    %dma_wait3A_132 = tpu.memref_slice %arg3[%mul3A_116, %dma_wait3A_131] : memref<6400x128xi32, #tpu.memory_space<hbm>> -> memref<2x128xi32, #tpu.memory_space<hbm>>
    tpu.wait_dma2 semaphore(%dma_wait3A_126 : memref<!tpu.dma_semaphore, #tpu.memory_space<semaphore_mem>>) src(%dma_wait3A_132 : memref<2x128xi32, #tpu.memory_space<hbm>>) dst(%dma_wait3A_130 : memref<2x128xi32, #tpu.memory_space<vmem>>)
    %dma_start3A_133 = arith.constant 1 : i32
    %dma_start3A_134 = arith.constant 0 : i32
    %dma_start3A_135 = arith.constant 1 : i32
    %dma_start3A_136 = arith.constant 1 : i32
    %dma_start3A_137 = arith.constant 0 : i32
    %dma_start3A_138 = arith.constant 0 : i32
    %dma_start3A_139 = tpu.memref_slice %arg6[%dma_start3A_135, %dma_start3A_137, %dma_start3A_138] : memref<3x256x64xf32, #tpu.memory_space<vmem>> -> memref<1x128x64xf32, #tpu.memory_space<vmem>>
    %dma_start3A_140 = tpu.memref_squeeze %dma_start3A_139 : memref<1x128x64xf32, #tpu.memory_space<vmem>> -> memref<128x64xf32, #tpu.memory_space<vmem>>
    %dma_start3A_141 = arith.constant 0 : i32
    %dma_start3A_142 = tpu.memref_slice %arg5[%dma_start3A_133, %dma_start3A_134, %dma_start3A_141] : memref<3x2x128xi32, #tpu.memory_space<vmem>> -> memref<1x1x128xi32, #tpu.memory_space<vmem>>
    %dma_start3A_143 = tpu.memref_squeeze %dma_start3A_142 : memref<1x1x128xi32, #tpu.memory_space<vmem>> -> memref<128xi32, #tpu.memory_space<vmem>>
    %dma_start3A_144 = arith.constant 0 : i32
    %dma_start3A_145 = arith.constant 0 : i32
    %dma_start3A_146 = tpu.memref_slice %arg2[%dma_start3A_144, %dma_start3A_145] : memref<1000000x64xf32, #tpu.memory_space<hbm>> -> memref<1000000x64xf32, #tpu.memory_space<hbm>>
    %dma_start3A_147 = tpu.memref_slice %arg8[%dma_start3A_136] : memref<3x!tpu.dma_semaphore, #tpu.memory_space<semaphore_mem>> -> memref<1x!tpu.dma_semaphore, #tpu.memory_space<semaphore_mem>>
    %dma_start3A_148 = tpu.memref_squeeze %dma_start3A_147 : memref<1x!tpu.dma_semaphore, #tpu.memory_space<semaphore_mem>> -> memref<!tpu.dma_semaphore, #tpu.memory_space<semaphore_mem>>
    tpu.enqueue_indirect_dma source(%dma_start3A_146 : memref<1000000x64xf32, #tpu.memory_space<hbm>>) target(%dma_start3A_140 : memref<128x64xf32, #tpu.memory_space<vmem>>) offsets(%dma_start3A_143 : memref<128xi32, #tpu.memory_space<vmem>>) semaphore(%dma_start3A_148 : memref<!tpu.dma_semaphore, #tpu.memory_space<semaphore_mem>>)
    %dma_start3A_149 = arith.constant 1 : i32
    %dma_start3A_150 = arith.constant 1 : i32
    %dma_start3A_151 = arith.constant 1 : i32
    %dma_start3A_152 = arith.constant 1 : i32
    %dma_start3A_153 = arith.constant 128 : i32
    %dma_start3A_154 = arith.constant 0 : i32
    %dma_start3A_155 = tpu.memref_slice %arg6[%dma_start3A_151, %dma_start3A_153, %dma_start3A_154] : memref<3x256x64xf32, #tpu.memory_space<vmem>> -> memref<1x128x64xf32, #tpu.memory_space<vmem>>
    %dma_start3A_156 = tpu.memref_squeeze %dma_start3A_155 : memref<1x128x64xf32, #tpu.memory_space<vmem>> -> memref<128x64xf32, #tpu.memory_space<vmem>>
    %dma_start3A_157 = arith.constant 0 : i32
    %dma_start3A_158 = tpu.memref_slice %arg5[%dma_start3A_149, %dma_start3A_150, %dma_start3A_157] : memref<3x2x128xi32, #tpu.memory_space<vmem>> -> memref<1x1x128xi32, #tpu.memory_space<vmem>>
    %dma_start3A_159 = tpu.memref_squeeze %dma_start3A_158 : memref<1x1x128xi32, #tpu.memory_space<vmem>> -> memref<128xi32, #tpu.memory_space<vmem>>
    %dma_start3A_160 = arith.constant 0 : i32
    %dma_start3A_161 = arith.constant 0 : i32
    %dma_start3A_162 = tpu.memref_slice %arg2[%dma_start3A_160, %dma_start3A_161] : memref<1000000x64xf32, #tpu.memory_space<hbm>> -> memref<1000000x64xf32, #tpu.memory_space<hbm>>
    %dma_start3A_163 = tpu.memref_slice %arg8[%dma_start3A_152] : memref<3x!tpu.dma_semaphore, #tpu.memory_space<semaphore_mem>> -> memref<1x!tpu.dma_semaphore, #tpu.memory_space<semaphore_mem>>
    %dma_start3A_164 = tpu.memref_squeeze %dma_start3A_163 : memref<1x!tpu.dma_semaphore, #tpu.memory_space<semaphore_mem>> -> memref<!tpu.dma_semaphore, #tpu.memory_space<semaphore_mem>>
    tpu.enqueue_indirect_dma source(%dma_start3A_162 : memref<1000000x64xf32, #tpu.memory_space<hbm>>) target(%dma_start3A_156 : memref<128x64xf32, #tpu.memory_space<vmem>>) offsets(%dma_start3A_159 : memref<128xi32, #tpu.memory_space<vmem>>) semaphore(%dma_start3A_164 : memref<!tpu.dma_semaphore, #tpu.memory_space<semaphore_mem>>)
    %scan3A = arith.constant 0 : i32
    %scan3A_165 = arith.constant 0 : i32
    %scan3A_166 = arith.constant 100 : i32
    %scan3A_167 = arith.addi %scan3A_165, %scan3A_166 : i32
    %scan3A_168 = arith.constant 1 : i32
    scf.for %scan3A_444 = %scan3A_165 to %scan3A_167 step %scan3A_168  : i32 {
      %jit3A_445 = arith.constant 3 : i32
      %eq3A_446 = arith.constant 0 : i32
      %eq3A_447 = arith.cmpi eq, %jit3A_445, %eq3A_446 : i32
      %jit3A_448 = arith.constant 1 : i32
      %select_n3A_449 = arith.select %eq3A_447, %jit3A_448, %jit3A_445 : i32
      %rem3A_450 = arith.remsi %scan3A_444, %select_n3A_449 : i32
      %ne3A_451 = arith.constant 0 : i32
      %ne3A_452 = arith.cmpi ne, %rem3A_450, %ne3A_451 : i32
      %lt3A_453 = arith.constant 0 : i32
      %lt3A_454 = arith.cmpi slt, %rem3A_450, %lt3A_453 : i32
      %lt3A_455 = arith.constant 0 : i32
      %lt3A_456 = arith.cmpi slt, %select_n3A_449, %lt3A_455 : i32
      %ne3A_457 = arith.xori %lt3A_454, %lt3A_456 : i1
      %and3A_458 = arith.andi %ne3A_457, %ne3A_452 : i1
      %add3A_459 = arith.addi %rem3A_450, %select_n3A_449 : i32
      %select_n3A_460 = arith.select %and3A_458, %add3A_459, %rem3A_450 : i32
      %jit3A_461 = arith.constant 2 : i32
      %eq3A_462 = arith.constant 0 : i32
      %eq3A_463 = arith.cmpi eq, %jit3A_461, %eq3A_462 : i32
      %jit3A_464 = arith.constant 1 : i32
      %select_n3A_465 = arith.select %eq3A_463, %jit3A_464, %jit3A_461 : i32
      %rem3A_466 = arith.remsi %scan3A_444, %select_n3A_465 : i32
      %ne3A_467 = arith.constant 0 : i32
      %ne3A_468 = arith.cmpi ne, %rem3A_466, %ne3A_467 : i32
      %lt3A_469 = arith.constant 0 : i32
      %lt3A_470 = arith.cmpi slt, %rem3A_466, %lt3A_469 : i32
      %lt3A_471 = arith.constant 0 : i32
      %lt3A_472 = arith.cmpi slt, %select_n3A_465, %lt3A_471 : i32
      %ne3A_473 = arith.xori %lt3A_470, %lt3A_472 : i1
      %and3A_474 = arith.andi %ne3A_473, %ne3A_468 : i1
      %add3A_475 = arith.addi %rem3A_466, %select_n3A_465 : i32
      %select_n3A_476 = arith.select %and3A_474, %add3A_475, %rem3A_466 : i32
      %dma_wait3A_477 = arith.constant 0 : i32
      %dma_wait3A_478 = arith.constant 0 : i32
      %dma_wait3A_479 = tpu.memref_slice %arg6[%select_n3A_460, %dma_wait3A_477, %dma_wait3A_478] : memref<3x256x64xf32, #tpu.memory_space<vmem>> -> memref<1x256x64xf32, #tpu.memory_space<vmem>>
      %dma_wait3A_480 = tpu.memref_squeeze %dma_wait3A_479 : memref<1x256x64xf32, #tpu.memory_space<vmem>> -> memref<256x64xf32, #tpu.memory_space<vmem>>
      %dma_wait3A_481 = arith.constant 0 : i32
      %dma_wait3A_482 = arith.constant 0 : i32
      %dma_wait3A_483 = tpu.memref_slice %arg2[%dma_wait3A_481, %dma_wait3A_482] : memref<1000000x64xf32, #tpu.memory_space<hbm>> -> memref<256x64xf32, #tpu.memory_space<hbm>>
      %dma_wait3A_484 = tpu.memref_slice %arg8[%select_n3A_460] : memref<3x!tpu.dma_semaphore, #tpu.memory_space<semaphore_mem>> -> memref<1x!tpu.dma_semaphore, #tpu.memory_space<semaphore_mem>>
      %dma_wait3A_485 = tpu.memref_squeeze %dma_wait3A_484 : memref<1x!tpu.dma_semaphore, #tpu.memory_space<semaphore_mem>> -> memref<!tpu.dma_semaphore, #tpu.memory_space<semaphore_mem>>
      %dma_wait3A_486 = arith.constant 0 : i32
      %dma_wait3A_487 = arith.constant 0 : i32
      %dma_wait3A_488 = tpu.memref_slice %arg6[%select_n3A_460, %dma_wait3A_486, %dma_wait3A_487] : memref<3x256x64xf32, #tpu.memory_space<vmem>> -> memref<1x256x64xf32, #tpu.memory_space<vmem>>
      %dma_wait3A_489 = tpu.memref_squeeze %dma_wait3A_488 : memref<1x256x64xf32, #tpu.memory_space<vmem>> -> memref<256x64xf32, #tpu.memory_space<vmem>>
      %dma_wait3A_490 = arith.constant 0 : i32
      %dma_wait3A_491 = arith.constant 0 : i32
      %dma_wait3A_492 = tpu.memref_slice %arg2[%dma_wait3A_490, %dma_wait3A_491] : memref<1000000x64xf32, #tpu.memory_space<hbm>> -> memref<256x64xf32, #tpu.memory_space<hbm>>
      tpu.wait_dma2 semaphore(%dma_wait3A_485 : memref<!tpu.dma_semaphore, #tpu.memory_space<semaphore_mem>>) src(%dma_wait3A_492 : memref<256x64xf32, #tpu.memory_space<hbm>>) dst(%dma_wait3A_489 : memref<256x64xf32, #tpu.memory_space<vmem>>)
      %add3A_493 = arith.constant 2 : i32
      %add3A_494 = arith.addi %scan3A_444, %add3A_493 : i32
      %lt3A_495 = arith.constant 100 : i32
      %lt3A_496 = arith.cmpi slt, %add3A_494, %lt3A_495 : i32
      %convert_element_type3A = arith.extui %lt3A_496 : i1 to i32
      %cond3A = arith.constant 0 : i32
      %cond3A_497 = arith.cmpi ne, %convert_element_type3A, %cond3A : i32
      scf.if %cond3A_497 {
        %add3A_887 = arith.constant 2 : i32
        %add3A_888 = arith.addi %scan3A_444, %add3A_887 : i32
        %jit3A_889 = arith.constant 3 : i32
        %eq3A_890 = arith.constant 0 : i32
        %eq3A_891 = arith.cmpi eq, %jit3A_889, %eq3A_890 : i32
        %jit3A_892 = arith.constant 1 : i32
        %select_n3A_893 = arith.select %eq3A_891, %jit3A_892, %jit3A_889 : i32
        %rem3A_894 = arith.remsi %add3A_888, %select_n3A_893 : i32
        %ne3A_895 = arith.constant 0 : i32
        %ne3A_896 = arith.cmpi ne, %rem3A_894, %ne3A_895 : i32
        %lt3A_897 = arith.constant 0 : i32
        %lt3A_898 = arith.cmpi slt, %rem3A_894, %lt3A_897 : i32
        %lt3A_899 = arith.constant 0 : i32
        %lt3A_900 = arith.cmpi slt, %select_n3A_893, %lt3A_899 : i32
        %ne3A_901 = arith.xori %lt3A_898, %lt3A_900 : i1
        %and3A_902 = arith.andi %ne3A_901, %ne3A_896 : i1
        %add3A_903 = arith.addi %rem3A_894, %select_n3A_893 : i32
        %select_n3A_904 = arith.select %and3A_902, %add3A_903, %rem3A_894 : i32
        %add3A_905 = arith.constant 2 : i32
        %add3A_906 = arith.addi %scan3A_444, %add3A_905 : i32
        %add3A_907 = arith.addi %mul3A_2, %add3A_906 : i32
        %mul3A_908 = arith.constant 2 : i32
        %mul3A_909 = arith.muli %add3A_907, %mul3A_908 : i32
        %dma_wait3A_910 = arith.constant 0 : i32
        %dma_wait3A_911 = arith.constant 0 : i32
        %dma_wait3A_912 = tpu.memref_slice %arg5[%select_n3A_904, %dma_wait3A_910, %dma_wait3A_911] : memref<3x2x128xi32, #tpu.memory_space<vmem>> -> memref<1x2x128xi32, #tpu.memory_space<vmem>>
        %dma_wait3A_913 = tpu.memref_squeeze %dma_wait3A_912 : memref<1x2x128xi32, #tpu.memory_space<vmem>> -> memref<2x128xi32, #tpu.memory_space<vmem>>
        %dma_wait3A_914 = arith.constant 0 : i32
        %dma_wait3A_915 = tpu.memref_slice %arg3[%mul3A_909, %dma_wait3A_914] : memref<6400x128xi32, #tpu.memory_space<hbm>> -> memref<2x128xi32, #tpu.memory_space<hbm>>
        %dma_wait3A_916 = tpu.memref_slice %arg10[%select_n3A_904] : memref<3x!tpu.dma_semaphore, #tpu.memory_space<semaphore_mem>> -> memref<1x!tpu.dma_semaphore, #tpu.memory_space<semaphore_mem>>
        %dma_wait3A_917 = tpu.memref_squeeze %dma_wait3A_916 : memref<1x!tpu.dma_semaphore, #tpu.memory_space<semaphore_mem>> -> memref<!tpu.dma_semaphore, #tpu.memory_space<semaphore_mem>>
        %dma_wait3A_918 = arith.constant 0 : i32
        %dma_wait3A_919 = arith.constant 0 : i32
        %dma_wait3A_920 = tpu.memref_slice %arg5[%select_n3A_904, %dma_wait3A_918, %dma_wait3A_919] : memref<3x2x128xi32, #tpu.memory_space<vmem>> -> memref<1x2x128xi32, #tpu.memory_space<vmem>>
        %dma_wait3A_921 = tpu.memref_squeeze %dma_wait3A_920 : memref<1x2x128xi32, #tpu.memory_space<vmem>> -> memref<2x128xi32, #tpu.memory_space<vmem>>
        %dma_wait3A_922 = arith.constant 0 : i32
        %dma_wait3A_923 = tpu.memref_slice %arg3[%mul3A_909, %dma_wait3A_922] : memref<6400x128xi32, #tpu.memory_space<hbm>> -> memref<2x128xi32, #tpu.memory_space<hbm>>
        tpu.wait_dma2 semaphore(%dma_wait3A_917 : memref<!tpu.dma_semaphore, #tpu.memory_space<semaphore_mem>>) src(%dma_wait3A_923 : memref<2x128xi32, #tpu.memory_space<hbm>>) dst(%dma_wait3A_921 : memref<2x128xi32, #tpu.memory_space<vmem>>)
        %dma_start3A_924 = arith.constant 0 : i32
        %dma_start3A_925 = arith.constant 0 : i32
        %dma_start3A_926 = arith.constant 0 : i32
        %dma_start3A_927 = tpu.memref_slice %arg6[%select_n3A_904, %dma_start3A_925, %dma_start3A_926] : memref<3x256x64xf32, #tpu.memory_space<vmem>> -> memref<1x128x64xf32, #tpu.memory_space<vmem>>
        %dma_start3A_928 = tpu.memref_squeeze %dma_start3A_927 : memref<1x128x64xf32, #tpu.memory_space<vmem>> -> memref<128x64xf32, #tpu.memory_space<vmem>>
        %dma_start3A_929 = arith.constant 0 : i32
        %dma_start3A_930 = tpu.memref_slice %arg5[%select_n3A_904, %dma_start3A_924, %dma_start3A_929] : memref<3x2x128xi32, #tpu.memory_space<vmem>> -> memref<1x1x128xi32, #tpu.memory_space<vmem>>
        %dma_start3A_931 = tpu.memref_squeeze %dma_start3A_930 : memref<1x1x128xi32, #tpu.memory_space<vmem>> -> memref<128xi32, #tpu.memory_space<vmem>>
        %dma_start3A_932 = arith.constant 0 : i32
        %dma_start3A_933 = arith.constant 0 : i32
        %dma_start3A_934 = tpu.memref_slice %arg2[%dma_start3A_932, %dma_start3A_933] : memref<1000000x64xf32, #tpu.memory_space<hbm>> -> memref<1000000x64xf32, #tpu.memory_space<hbm>>
        %dma_start3A_935 = tpu.memref_slice %arg8[%select_n3A_904] : memref<3x!tpu.dma_semaphore, #tpu.memory_space<semaphore_mem>> -> memref<1x!tpu.dma_semaphore, #tpu.memory_space<semaphore_mem>>
        %dma_start3A_936 = tpu.memref_squeeze %dma_start3A_935 : memref<1x!tpu.dma_semaphore, #tpu.memory_space<semaphore_mem>> -> memref<!tpu.dma_semaphore, #tpu.memory_space<semaphore_mem>>
        tpu.enqueue_indirect_dma source(%dma_start3A_934 : memref<1000000x64xf32, #tpu.memory_space<hbm>>) target(%dma_start3A_928 : memref<128x64xf32, #tpu.memory_space<vmem>>) offsets(%dma_start3A_931 : memref<128xi32, #tpu.memory_space<vmem>>) semaphore(%dma_start3A_936 : memref<!tpu.dma_semaphore, #tpu.memory_space<semaphore_mem>>)
        %dma_start3A_937 = arith.constant 1 : i32
        %dma_start3A_938 = arith.constant 128 : i32
        %dma_start3A_939 = arith.constant 0 : i32
        %dma_start3A_940 = tpu.memref_slice %arg6[%select_n3A_904, %dma_start3A_938, %dma_start3A_939] : memref<3x256x64xf32, #tpu.memory_space<vmem>> -> memref<1x128x64xf32, #tpu.memory_space<vmem>>
        %dma_start3A_941 = tpu.memref_squeeze %dma_start3A_940 : memref<1x128x64xf32, #tpu.memory_space<vmem>> -> memref<128x64xf32, #tpu.memory_space<vmem>>
        %dma_start3A_942 = arith.constant 0 : i32
        %dma_start3A_943 = tpu.memref_slice %arg5[%select_n3A_904, %dma_start3A_937, %dma_start3A_942] : memref<3x2x128xi32, #tpu.memory_space<vmem>> -> memref<1x1x128xi32, #tpu.memory_space<vmem>>
        %dma_start3A_944 = tpu.memref_squeeze %dma_start3A_943 : memref<1x1x128xi32, #tpu.memory_space<vmem>> -> memref<128xi32, #tpu.memory_space<vmem>>
        %dma_start3A_945 = arith.constant 0 : i32
        %dma_start3A_946 = arith.constant 0 : i32
        %dma_start3A_947 = tpu.memref_slice %arg2[%dma_start3A_945, %dma_start3A_946] : memref<1000000x64xf32, #tpu.memory_space<hbm>> -> memref<1000000x64xf32, #tpu.memory_space<hbm>>
        %dma_start3A_948 = tpu.memref_slice %arg8[%select_n3A_904] : memref<3x!tpu.dma_semaphore, #tpu.memory_space<semaphore_mem>> -> memref<1x!tpu.dma_semaphore, #tpu.memory_space<semaphore_mem>>
        %dma_start3A_949 = tpu.memref_squeeze %dma_start3A_948 : memref<1x!tpu.dma_semaphore, #tpu.memory_space<semaphore_mem>> -> memref<!tpu.dma_semaphore, #tpu.memory_space<semaphore_mem>>
        tpu.enqueue_indirect_dma source(%dma_start3A_947 : memref<1000000x64xf32, #tpu.memory_space<hbm>>) target(%dma_start3A_941 : memref<128x64xf32, #tpu.memory_space<vmem>>) offsets(%dma_start3A_944 : memref<128xi32, #tpu.memory_space<vmem>>) semaphore(%dma_start3A_949 : memref<!tpu.dma_semaphore, #tpu.memory_space<semaphore_mem>>)
      } else {
      }
      %ge3A = arith.constant 2 : i32
      %ge3A_498 = arith.cmpi sge, %scan3A_444, %ge3A : i32
      %convert_element_type3A_499 = arith.extui %ge3A_498 : i1 to i32
      %cond3A_500 = arith.constant 0 : i32
      %cond3A_501 = arith.cmpi ne, %convert_element_type3A_499, %cond3A_500 : i32
      scf.if %cond3A_501 {
        %sub3A_887 = arith.constant 2 : i32
        %sub3A_888 = arith.subi %scan3A_444, %sub3A_887 : i32
        %add3A_889 = arith.addi %mul3A_2, %sub3A_888 : i32
        %mul3A_890 = arith.constant 2 : i32
        %mul3A_891 = arith.muli %add3A_889, %mul3A_890 : i32
        %add3A_892 = arith.constant 0 : i32
        %add3A_893 = arith.addi %mul3A_891, %add3A_892 : i32
        %jit3A_894 = arith.constant 128 : i32
        %div3A_895 = arith.divsi %add3A_893, %jit3A_894 : i32
        %sign3A_896 = arith.constant 0 : i32
        %sign3A_897 = arith.cmpi sgt, %add3A_893, %sign3A_896 : i32
        %sign3A_898 = arith.extui %sign3A_897 : i1 to i32
        %sign3A_899 = arith.constant 0 : i32
        %sign3A_900 = arith.cmpi slt, %add3A_893, %sign3A_899 : i32
        %sign3A_901 = arith.extui %sign3A_900 : i1 to i32
        %sign3A_902 = arith.subi %sign3A_898, %sign3A_901 : i32
        %sign3A_903 = arith.constant 0 : i32
        %sign3A_904 = arith.cmpi sgt, %jit3A_894, %sign3A_903 : i32
        %sign3A_905 = arith.extui %sign3A_904 : i1 to i32
        %sign3A_906 = arith.constant 0 : i32
        %sign3A_907 = arith.cmpi slt, %jit3A_894, %sign3A_906 : i32
        %sign3A_908 = arith.extui %sign3A_907 : i1 to i32
        %sign3A_909 = arith.subi %sign3A_905, %sign3A_908 : i32
        %ne3A_910 = arith.cmpi ne, %sign3A_902, %sign3A_909 : i32
        %rem3A_911 = arith.remsi %add3A_893, %jit3A_894 : i32
        %ne3A_912 = arith.constant 0 : i32
        %ne3A_913 = arith.cmpi ne, %rem3A_911, %ne3A_912 : i32
        %and3A_914 = arith.andi %ne3A_910, %ne3A_913 : i1
        %sub3A_915 = arith.constant 1 : i32
        %sub3A_916 = arith.subi %div3A_895, %sub3A_915 : i32
        %select_n3A_917 = arith.select %and3A_914, %sub3A_916, %div3A_895 : i32
        %jit3A_918 = arith.constant 128 : i32
        %eq3A_919 = arith.constant 0 : i32
        %eq3A_920 = arith.cmpi eq, %jit3A_918, %eq3A_919 : i32
        %jit3A_921 = arith.constant 1 : i32
        %select_n3A_922 = arith.select %eq3A_920, %jit3A_921, %jit3A_918 : i32
        %rem3A_923 = arith.remsi %add3A_893, %select_n3A_922 : i32
        %ne3A_924 = arith.constant 0 : i32
        %ne3A_925 = arith.cmpi ne, %rem3A_923, %ne3A_924 : i32
        %lt3A_926 = arith.constant 0 : i32
        %lt3A_927 = arith.cmpi slt, %rem3A_923, %lt3A_926 : i32
        %lt3A_928 = arith.constant 0 : i32
        %lt3A_929 = arith.cmpi slt, %select_n3A_922, %lt3A_928 : i32
        %ne3A_930 = arith.xori %lt3A_927, %lt3A_929 : i1
        %and3A_931 = arith.andi %ne3A_930, %ne3A_925 : i1
        %add3A_932 = arith.addi %rem3A_923, %select_n3A_922 : i32
        %select_n3A_933 = arith.select %and3A_931, %add3A_932, %rem3A_923 : i32
        %dma_wait3A_934 = arith.constant 0 : i32
        %dma_wait3A_935 = arith.constant 0 : i32
        %dma_wait3A_936 = arith.constant 0 : i32
        %dma_wait3A_937 = arith.constant 0 : i32
        %dma_wait3A_938 = tpu.memref_slice %arg7[%select_n3A_476, %dma_wait3A_934, %dma_wait3A_935, %dma_wait3A_936, %dma_wait3A_937] : memref<2x2x8x8x133xf32, #tpu.memory_space<vmem>> -> memref<1x1x8x8x128xf32, #tpu.memory_space<vmem>>
        %dma_wait3A_939 = tpu.memref_squeeze %dma_wait3A_938 : memref<1x1x8x8x128xf32, #tpu.memory_space<vmem>> -> memref<8x8x128xf32, #tpu.memory_space<vmem>>
        %dma_wait3A_940 = arith.constant 0 : i32
        %dma_wait3A_941 = arith.constant 0 : i32
        %dma_wait3A_942 = arith.constant 0 : i32
        %dma_wait3A_943 = tpu.memref_slice %arg4[%select_n3A_917, %dma_wait3A_940, %select_n3A_933, %dma_wait3A_941, %dma_wait3A_942] : memref<50x8x128x8x128xf32, #tpu.memory_space<hbm>> -> memref<1x8x1x8x128xf32, #tpu.memory_space<hbm>>
        %dma_wait3A_944 = tpu.memref_squeeze %dma_wait3A_943 : memref<1x8x1x8x128xf32, #tpu.memory_space<hbm>> -> memref<8x8x128xf32, #tpu.memory_space<hbm>>
        %dma_wait3A_945 = tpu.memref_slice %arg9[%select_n3A_476] : memref<2x!tpu.dma_semaphore, #tpu.memory_space<semaphore_mem>> -> memref<1x!tpu.dma_semaphore, #tpu.memory_space<semaphore_mem>>
        %dma_wait3A_946 = tpu.memref_squeeze %dma_wait3A_945 : memref<1x!tpu.dma_semaphore, #tpu.memory_space<semaphore_mem>> -> memref<!tpu.dma_semaphore, #tpu.memory_space<semaphore_mem>>
        %dma_wait3A_947 = arith.constant 0 : i32
        %dma_wait3A_948 = arith.constant 0 : i32
        %dma_wait3A_949 = arith.constant 0 : i32
        %dma_wait3A_950 = tpu.memref_slice %arg4[%select_n3A_917, %dma_wait3A_947, %select_n3A_933, %dma_wait3A_948, %dma_wait3A_949] : memref<50x8x128x8x128xf32, #tpu.memory_space<hbm>> -> memref<1x8x1x8x128xf32, #tpu.memory_space<hbm>>
        %dma_wait3A_951 = tpu.memref_squeeze %dma_wait3A_950 : memref<1x8x1x8x128xf32, #tpu.memory_space<hbm>> -> memref<8x8x128xf32, #tpu.memory_space<hbm>>
        %dma_wait3A_952 = arith.constant 0 : i32
        %dma_wait3A_953 = arith.constant 0 : i32
        %dma_wait3A_954 = arith.constant 0 : i32
        %dma_wait3A_955 = tpu.memref_slice %arg7[%select_n3A_476, %dma_wait3A_934, %dma_wait3A_952, %dma_wait3A_953, %dma_wait3A_954] : memref<2x2x8x8x133xf32, #tpu.memory_space<vmem>> -> memref<1x1x8x8x128xf32, #tpu.memory_space<vmem>>
        %dma_wait3A_956 = tpu.memref_squeeze %dma_wait3A_955 : memref<1x1x8x8x128xf32, #tpu.memory_space<vmem>> -> memref<8x8x128xf32, #tpu.memory_space<vmem>>
        tpu.wait_dma2 semaphore(%dma_wait3A_946 : memref<!tpu.dma_semaphore, #tpu.memory_space<semaphore_mem>>) src(%dma_wait3A_956 : memref<8x8x128xf32, #tpu.memory_space<vmem>>) dst(%dma_wait3A_951 : memref<8x8x128xf32, #tpu.memory_space<hbm>>)
        %add3A_957 = arith.addi %mul3A_2, %sub3A_888 : i32
        %mul3A_958 = arith.constant 2 : i32
        %mul3A_959 = arith.muli %add3A_957, %mul3A_958 : i32
        %add3A_960 = arith.constant 1 : i32
        %add3A_961 = arith.addi %mul3A_959, %add3A_960 : i32
        %jit3A_962 = arith.constant 128 : i32
        %div3A_963 = arith.divsi %add3A_961, %jit3A_962 : i32
        %sign3A_964 = arith.constant 0 : i32
        %sign3A_965 = arith.cmpi sgt, %add3A_961, %sign3A_964 : i32
        %sign3A_966 = arith.extui %sign3A_965 : i1 to i32
        %sign3A_967 = arith.constant 0 : i32
        %sign3A_968 = arith.cmpi slt, %add3A_961, %sign3A_967 : i32
        %sign3A_969 = arith.extui %sign3A_968 : i1 to i32
        %sign3A_970 = arith.subi %sign3A_966, %sign3A_969 : i32
        %sign3A_971 = arith.constant 0 : i32
        %sign3A_972 = arith.cmpi sgt, %jit3A_962, %sign3A_971 : i32
        %sign3A_973 = arith.extui %sign3A_972 : i1 to i32
        %sign3A_974 = arith.constant 0 : i32
        %sign3A_975 = arith.cmpi slt, %jit3A_962, %sign3A_974 : i32
        %sign3A_976 = arith.extui %sign3A_975 : i1 to i32
        %sign3A_977 = arith.subi %sign3A_973, %sign3A_976 : i32
        %ne3A_978 = arith.cmpi ne, %sign3A_970, %sign3A_977 : i32
        %rem3A_979 = arith.remsi %add3A_961, %jit3A_962 : i32
        %ne3A_980 = arith.constant 0 : i32
        %ne3A_981 = arith.cmpi ne, %rem3A_979, %ne3A_980 : i32
        %and3A_982 = arith.andi %ne3A_978, %ne3A_981 : i1
        %sub3A_983 = arith.constant 1 : i32
        %sub3A_984 = arith.subi %div3A_963, %sub3A_983 : i32
        %select_n3A_985 = arith.select %and3A_982, %sub3A_984, %div3A_963 : i32
        %jit3A_986 = arith.constant 128 : i32
        %eq3A_987 = arith.constant 0 : i32
        %eq3A_988 = arith.cmpi eq, %jit3A_986, %eq3A_987 : i32
        %jit3A_989 = arith.constant 1 : i32
        %select_n3A_990 = arith.select %eq3A_988, %jit3A_989, %jit3A_986 : i32
        %rem3A_991 = arith.remsi %add3A_961, %select_n3A_990 : i32
        %ne3A_992 = arith.constant 0 : i32
        %ne3A_993 = arith.cmpi ne, %rem3A_991, %ne3A_992 : i32
        %lt3A_994 = arith.constant 0 : i32
        %lt3A_995 = arith.cmpi slt, %rem3A_991, %lt3A_994 : i32
        %lt3A_996 = arith.constant 0 : i32
        %lt3A_997 = arith.cmpi slt, %select_n3A_990, %lt3A_996 : i32
        %ne3A_998 = arith.xori %lt3A_995, %lt3A_997 : i1
        %and3A_999 = arith.andi %ne3A_998, %ne3A_993 : i1
        %add3A_1000 = arith.addi %rem3A_991, %select_n3A_990 : i32
        %select_n3A_1001 = arith.select %and3A_999, %add3A_1000, %rem3A_991 : i32
        %dma_wait3A_1002 = arith.constant 1 : i32
        %dma_wait3A_1003 = arith.constant 0 : i32
        %dma_wait3A_1004 = arith.constant 0 : i32
        %dma_wait3A_1005 = arith.constant 0 : i32
        %dma_wait3A_1006 = tpu.memref_slice %arg7[%select_n3A_476, %dma_wait3A_1002, %dma_wait3A_1003, %dma_wait3A_1004, %dma_wait3A_1005] : memref<2x2x8x8x133xf32, #tpu.memory_space<vmem>> -> memref<1x1x8x8x128xf32, #tpu.memory_space<vmem>>
        %dma_wait3A_1007 = tpu.memref_squeeze %dma_wait3A_1006 : memref<1x1x8x8x128xf32, #tpu.memory_space<vmem>> -> memref<8x8x128xf32, #tpu.memory_space<vmem>>
        %dma_wait3A_1008 = arith.constant 0 : i32
        %dma_wait3A_1009 = arith.constant 0 : i32
        %dma_wait3A_1010 = arith.constant 0 : i32
        %dma_wait3A_1011 = tpu.memref_slice %arg4[%select_n3A_985, %dma_wait3A_1008, %select_n3A_1001, %dma_wait3A_1009, %dma_wait3A_1010] : memref<50x8x128x8x128xf32, #tpu.memory_space<hbm>> -> memref<1x8x1x8x128xf32, #tpu.memory_space<hbm>>
        %dma_wait3A_1012 = tpu.memref_squeeze %dma_wait3A_1011 : memref<1x8x1x8x128xf32, #tpu.memory_space<hbm>> -> memref<8x8x128xf32, #tpu.memory_space<hbm>>
        %dma_wait3A_1013 = tpu.memref_slice %arg9[%select_n3A_476] : memref<2x!tpu.dma_semaphore, #tpu.memory_space<semaphore_mem>> -> memref<1x!tpu.dma_semaphore, #tpu.memory_space<semaphore_mem>>
        %dma_wait3A_1014 = tpu.memref_squeeze %dma_wait3A_1013 : memref<1x!tpu.dma_semaphore, #tpu.memory_space<semaphore_mem>> -> memref<!tpu.dma_semaphore, #tpu.memory_space<semaphore_mem>>
        %dma_wait3A_1015 = arith.constant 0 : i32
        %dma_wait3A_1016 = arith.constant 0 : i32
        %dma_wait3A_1017 = arith.constant 0 : i32
        %dma_wait3A_1018 = tpu.memref_slice %arg4[%select_n3A_985, %dma_wait3A_1015, %select_n3A_1001, %dma_wait3A_1016, %dma_wait3A_1017] : memref<50x8x128x8x128xf32, #tpu.memory_space<hbm>> -> memref<1x8x1x8x128xf32, #tpu.memory_space<hbm>>
        %dma_wait3A_1019 = tpu.memref_squeeze %dma_wait3A_1018 : memref<1x8x1x8x128xf32, #tpu.memory_space<hbm>> -> memref<8x8x128xf32, #tpu.memory_space<hbm>>
        %dma_wait3A_1020 = arith.constant 0 : i32
        %dma_wait3A_1021 = arith.constant 0 : i32
        %dma_wait3A_1022 = arith.constant 0 : i32
        %dma_wait3A_1023 = tpu.memref_slice %arg7[%select_n3A_476, %dma_wait3A_1002, %dma_wait3A_1020, %dma_wait3A_1021, %dma_wait3A_1022] : memref<2x2x8x8x133xf32, #tpu.memory_space<vmem>> -> memref<1x1x8x8x128xf32, #tpu.memory_space<vmem>>
        %dma_wait3A_1024 = tpu.memref_squeeze %dma_wait3A_1023 : memref<1x1x8x8x128xf32, #tpu.memory_space<vmem>> -> memref<8x8x128xf32, #tpu.memory_space<vmem>>
        tpu.wait_dma2 semaphore(%dma_wait3A_1014 : memref<!tpu.dma_semaphore, #tpu.memory_space<semaphore_mem>>) src(%dma_wait3A_1024 : memref<8x8x128xf32, #tpu.memory_space<vmem>>) dst(%dma_wait3A_1019 : memref<8x8x128xf32, #tpu.memory_space<hbm>>)
      } else {
      }
      %add3A_502 = arith.constant 0 : i32
      %add3A_503 = vector.broadcast %add3A_502 : i32 to vector<16xi32>
      %add3A_504 = arith.addi %add3A_503, %iota3A : vector<16xi32>
      %jit3A_505 = arith.constant 8 : i32
      %div3A_506 = vector.broadcast %jit3A_505 : i32 to vector<16xi32>
      %div3A_507 = arith.divsi %add3A_504, %div3A_506 : vector<16xi32>
      %sign3A_508 = arith.constant 0 : i32
      %sign3A_509 = vector.broadcast %sign3A_508 : i32 to vector<16xi32>
      %sign3A_510 = arith.cmpi sgt, %add3A_504, %sign3A_509 : vector<16xi32>
      %sign3A_511 = arith.extui %sign3A_510 : vector<16xi1> to vector<16xi32>
      %sign3A_512 = arith.constant 0 : i32
      %sign3A_513 = vector.broadcast %sign3A_512 : i32 to vector<16xi32>
      %sign3A_514 = arith.cmpi slt, %add3A_504, %sign3A_513 : vector<16xi32>
      %sign3A_515 = arith.extui %sign3A_514 : vector<16xi1> to vector<16xi32>
      %sign3A_516 = arith.subi %sign3A_511, %sign3A_515 : vector<16xi32>
      %sign3A_517 = arith.constant 0 : i32
      %sign3A_518 = arith.cmpi sgt, %jit3A_505, %sign3A_517 : i32
      %sign3A_519 = arith.extui %sign3A_518 : i1 to i32
      %sign3A_520 = arith.constant 0 : i32
      %sign3A_521 = arith.cmpi slt, %jit3A_505, %sign3A_520 : i32
      %sign3A_522 = arith.extui %sign3A_521 : i1 to i32
      %sign3A_523 = arith.subi %sign3A_519, %sign3A_522 : i32
      %ne3A_524 = vector.broadcast %sign3A_523 : i32 to vector<16xi32>
      %ne3A_525 = arith.cmpi ne, %sign3A_516, %ne3A_524 : vector<16xi32>
      %rem3A_526 = vector.broadcast %jit3A_505 : i32 to vector<16xi32>
      %rem3A_527 = arith.remsi %add3A_504, %rem3A_526 : vector<16xi32>
      %ne3A_528 = arith.constant 0 : i32
      %ne3A_529 = vector.broadcast %ne3A_528 : i32 to vector<16xi32>
      %ne3A_530 = arith.cmpi ne, %rem3A_527, %ne3A_529 : vector<16xi32>
      %and3A_531 = arith.andi %ne3A_525, %ne3A_530 : vector<16xi1>
      %sub3A_532 = arith.constant 1 : i32
      %sub3A_533 = vector.broadcast %sub3A_532 : i32 to vector<16xi32>
      %sub3A_534 = arith.subi %div3A_507, %sub3A_533 : vector<16xi32>
      %select_n3A_535 = arith.select %and3A_531, %sub3A_534, %div3A_507 : vector<16xi1>, vector<16xi32>
      %add3A_536 = arith.constant 0 : i32
      %add3A_537 = vector.broadcast %add3A_536 : i32 to vector<16xi32>
      %add3A_538 = arith.addi %add3A_537, %iota3A : vector<16xi32>
      %jit3A_539 = arith.constant 8 : i32
      %eq3A_540 = arith.constant 0 : i32
      %eq3A_541 = arith.cmpi eq, %jit3A_539, %eq3A_540 : i32
      %jit3A_542 = arith.constant 1 : i32
      %select_n3A_543 = arith.select %eq3A_541, %jit3A_542, %jit3A_539 : i32
      %rem3A_544 = vector.broadcast %select_n3A_543 : i32 to vector<16xi32>
      %rem3A_545 = arith.remsi %add3A_538, %rem3A_544 : vector<16xi32>
      %ne3A_546 = arith.constant 0 : i32
      %ne3A_547 = vector.broadcast %ne3A_546 : i32 to vector<16xi32>
      %ne3A_548 = arith.cmpi ne, %rem3A_545, %ne3A_547 : vector<16xi32>
      %lt3A_549 = arith.constant 0 : i32
      %lt3A_550 = vector.broadcast %lt3A_549 : i32 to vector<16xi32>
      %lt3A_551 = arith.cmpi slt, %rem3A_545, %lt3A_550 : vector<16xi32>
      %lt3A_552 = arith.constant 0 : i32
      %lt3A_553 = arith.cmpi slt, %select_n3A_543, %lt3A_552 : i32
      %ne3A_554 = vector.broadcast %lt3A_553 : i1 to vector<16xi1>
      %ne3A_555 = vector.broadcast %ne3A_554 : vector<16xi1> to vector<16xi1>
      %ne3A_556 = arith.xori %lt3A_551, %ne3A_555 : vector<16xi1>
      %and3A_557 = arith.andi %ne3A_556, %ne3A_548 : vector<16xi1>
      %add3A_558 = vector.broadcast %select_n3A_543 : i32 to vector<16xi32>
      %add3A_559 = arith.addi %rem3A_545, %add3A_558 : vector<16xi32>
      %select_n3A_560 = arith.select %and3A_557, %add3A_559, %rem3A_545 : vector<16xi1>, vector<16xi32>
      %add3A_561 = arith.constant 16 : i32
      %add3A_562 = vector.broadcast %add3A_561 : i32 to vector<16xi32>
      %add3A_563 = arith.addi %add3A_562, %iota3A : vector<16xi32>
      %jit3A_564 = arith.constant 8 : i32
      %div3A_565 = vector.broadcast %jit3A_564 : i32 to vector<16xi32>
      %div3A_566 = arith.divsi %add3A_563, %div3A_565 : vector<16xi32>
      %sign3A_567 = arith.constant 0 : i32
      %sign3A_568 = vector.broadcast %sign3A_567 : i32 to vector<16xi32>
      %sign3A_569 = arith.cmpi sgt, %add3A_563, %sign3A_568 : vector<16xi32>
      %sign3A_570 = arith.extui %sign3A_569 : vector<16xi1> to vector<16xi32>
      %sign3A_571 = arith.constant 0 : i32
      %sign3A_572 = vector.broadcast %sign3A_571 : i32 to vector<16xi32>
      %sign3A_573 = arith.cmpi slt, %add3A_563, %sign3A_572 : vector<16xi32>
      %sign3A_574 = arith.extui %sign3A_573 : vector<16xi1> to vector<16xi32>
      %sign3A_575 = arith.subi %sign3A_570, %sign3A_574 : vector<16xi32>
      %sign3A_576 = arith.constant 0 : i32
      %sign3A_577 = arith.cmpi sgt, %jit3A_564, %sign3A_576 : i32
      %sign3A_578 = arith.extui %sign3A_577 : i1 to i32
      %sign3A_579 = arith.constant 0 : i32
      %sign3A_580 = arith.cmpi slt, %jit3A_564, %sign3A_579 : i32
      %sign3A_581 = arith.extui %sign3A_580 : i1 to i32
      %sign3A_582 = arith.subi %sign3A_578, %sign3A_581 : i32
      %ne3A_583 = vector.broadcast %sign3A_582 : i32 to vector<16xi32>
      %ne3A_584 = arith.cmpi ne, %sign3A_575, %ne3A_583 : vector<16xi32>
      %rem3A_585 = vector.broadcast %jit3A_564 : i32 to vector<16xi32>
      %rem3A_586 = arith.remsi %add3A_563, %rem3A_585 : vector<16xi32>
      %ne3A_587 = arith.constant 0 : i32
      %ne3A_588 = vector.broadcast %ne3A_587 : i32 to vector<16xi32>
      %ne3A_589 = arith.cmpi ne, %rem3A_586, %ne3A_588 : vector<16xi32>
      %and3A_590 = arith.andi %ne3A_584, %ne3A_589 : vector<16xi1>
      %sub3A_591 = arith.constant 1 : i32
      %sub3A_592 = vector.broadcast %sub3A_591 : i32 to vector<16xi32>
      %sub3A_593 = arith.subi %div3A_566, %sub3A_592 : vector<16xi32>
      %select_n3A_594 = arith.select %and3A_590, %sub3A_593, %div3A_566 : vector<16xi1>, vector<16xi32>
      %add3A_595 = arith.constant 16 : i32
      %add3A_596 = vector.broadcast %add3A_595 : i32 to vector<16xi32>
      %add3A_597 = arith.addi %add3A_596, %iota3A : vector<16xi32>
      %jit3A_598 = arith.constant 8 : i32
      %eq3A_599 = arith.constant 0 : i32
      %eq3A_600 = arith.cmpi eq, %jit3A_598, %eq3A_599 : i32
      %jit3A_601 = arith.constant 1 : i32
      %select_n3A_602 = arith.select %eq3A_600, %jit3A_601, %jit3A_598 : i32
      %rem3A_603 = vector.broadcast %select_n3A_602 : i32 to vector<16xi32>
      %rem3A_604 = arith.remsi %add3A_597, %rem3A_603 : vector<16xi32>
      %ne3A_605 = arith.constant 0 : i32
      %ne3A_606 = vector.broadcast %ne3A_605 : i32 to vector<16xi32>
      %ne3A_607 = arith.cmpi ne, %rem3A_604, %ne3A_606 : vector<16xi32>
      %lt3A_608 = arith.constant 0 : i32
      %lt3A_609 = vector.broadcast %lt3A_608 : i32 to vector<16xi32>
      %lt3A_610 = arith.cmpi slt, %rem3A_604, %lt3A_609 : vector<16xi32>
      %lt3A_611 = arith.constant 0 : i32
      %lt3A_612 = arith.cmpi slt, %select_n3A_602, %lt3A_611 : i32
      %ne3A_613 = vector.broadcast %lt3A_612 : i1 to vector<16xi1>
      %ne3A_614 = vector.broadcast %ne3A_613 : vector<16xi1> to vector<16xi1>
      %ne3A_615 = arith.xori %lt3A_610, %ne3A_614 : vector<16xi1>
      %and3A_616 = arith.andi %ne3A_615, %ne3A_607 : vector<16xi1>
      %add3A_617 = vector.broadcast %select_n3A_602 : i32 to vector<16xi32>
      %add3A_618 = arith.addi %rem3A_604, %add3A_617 : vector<16xi32>
      %select_n3A_619 = arith.select %and3A_616, %add3A_618, %rem3A_604 : vector<16xi1>, vector<16xi32>
      %add3A_620 = arith.constant 32 : i32
      %add3A_621 = vector.broadcast %add3A_620 : i32 to vector<16xi32>
      %add3A_622 = arith.addi %add3A_621, %iota3A : vector<16xi32>
      %jit3A_623 = arith.constant 8 : i32
      %div3A_624 = vector.broadcast %jit3A_623 : i32 to vector<16xi32>
      %div3A_625 = arith.divsi %add3A_622, %div3A_624 : vector<16xi32>
      %sign3A_626 = arith.constant 0 : i32
      %sign3A_627 = vector.broadcast %sign3A_626 : i32 to vector<16xi32>
      %sign3A_628 = arith.cmpi sgt, %add3A_622, %sign3A_627 : vector<16xi32>
      %sign3A_629 = arith.extui %sign3A_628 : vector<16xi1> to vector<16xi32>
      %sign3A_630 = arith.constant 0 : i32
      %sign3A_631 = vector.broadcast %sign3A_630 : i32 to vector<16xi32>
      %sign3A_632 = arith.cmpi slt, %add3A_622, %sign3A_631 : vector<16xi32>
      %sign3A_633 = arith.extui %sign3A_632 : vector<16xi1> to vector<16xi32>
      %sign3A_634 = arith.subi %sign3A_629, %sign3A_633 : vector<16xi32>
      %sign3A_635 = arith.constant 0 : i32
      %sign3A_636 = arith.cmpi sgt, %jit3A_623, %sign3A_635 : i32
      %sign3A_637 = arith.extui %sign3A_636 : i1 to i32
      %sign3A_638 = arith.constant 0 : i32
      %sign3A_639 = arith.cmpi slt, %jit3A_623, %sign3A_638 : i32
      %sign3A_640 = arith.extui %sign3A_639 : i1 to i32
      %sign3A_641 = arith.subi %sign3A_637, %sign3A_640 : i32
      %ne3A_642 = vector.broadcast %sign3A_641 : i32 to vector<16xi32>
      %ne3A_643 = arith.cmpi ne, %sign3A_634, %ne3A_642 : vector<16xi32>
      %rem3A_644 = vector.broadcast %jit3A_623 : i32 to vector<16xi32>
      %rem3A_645 = arith.remsi %add3A_622, %rem3A_644 : vector<16xi32>
      %ne3A_646 = arith.constant 0 : i32
      %ne3A_647 = vector.broadcast %ne3A_646 : i32 to vector<16xi32>
      %ne3A_648 = arith.cmpi ne, %rem3A_645, %ne3A_647 : vector<16xi32>
      %and3A_649 = arith.andi %ne3A_643, %ne3A_648 : vector<16xi1>
      %sub3A_650 = arith.constant 1 : i32
      %sub3A_651 = vector.broadcast %sub3A_650 : i32 to vector<16xi32>
      %sub3A_652 = arith.subi %div3A_625, %sub3A_651 : vector<16xi32>
      %select_n3A_653 = arith.select %and3A_649, %sub3A_652, %div3A_625 : vector<16xi1>, vector<16xi32>
      %add3A_654 = arith.constant 32 : i32
      %add3A_655 = vector.broadcast %add3A_654 : i32 to vector<16xi32>
      %add3A_656 = arith.addi %add3A_655, %iota3A : vector<16xi32>
      %jit3A_657 = arith.constant 8 : i32
      %eq3A_658 = arith.constant 0 : i32
      %eq3A_659 = arith.cmpi eq, %jit3A_657, %eq3A_658 : i32
      %jit3A_660 = arith.constant 1 : i32
      %select_n3A_661 = arith.select %eq3A_659, %jit3A_660, %jit3A_657 : i32
      %rem3A_662 = vector.broadcast %select_n3A_661 : i32 to vector<16xi32>
      %rem3A_663 = arith.remsi %add3A_656, %rem3A_662 : vector<16xi32>
      %ne3A_664 = arith.constant 0 : i32
      %ne3A_665 = vector.broadcast %ne3A_664 : i32 to vector<16xi32>
      %ne3A_666 = arith.cmpi ne, %rem3A_663, %ne3A_665 : vector<16xi32>
      %lt3A_667 = arith.constant 0 : i32
      %lt3A_668 = vector.broadcast %lt3A_667 : i32 to vector<16xi32>
      %lt3A_669 = arith.cmpi slt, %rem3A_663, %lt3A_668 : vector<16xi32>
      %lt3A_670 = arith.constant 0 : i32
      %lt3A_671 = arith.cmpi slt, %select_n3A_661, %lt3A_670 : i32
      %ne3A_672 = vector.broadcast %lt3A_671 : i1 to vector<16xi1>
      %ne3A_673 = vector.broadcast %ne3A_672 : vector<16xi1> to vector<16xi1>
      %ne3A_674 = arith.xori %lt3A_669, %ne3A_673 : vector<16xi1>
      %and3A_675 = arith.andi %ne3A_674, %ne3A_666 : vector<16xi1>
      %add3A_676 = vector.broadcast %select_n3A_661 : i32 to vector<16xi32>
      %add3A_677 = arith.addi %rem3A_663, %add3A_676 : vector<16xi32>
      %select_n3A_678 = arith.select %and3A_675, %add3A_677, %rem3A_663 : vector<16xi1>, vector<16xi32>
      %add3A_679 = arith.constant 48 : i32
      %add3A_680 = vector.broadcast %add3A_679 : i32 to vector<16xi32>
      %add3A_681 = arith.addi %add3A_680, %iota3A : vector<16xi32>
      %jit3A_682 = arith.constant 8 : i32
      %div3A_683 = vector.broadcast %jit3A_682 : i32 to vector<16xi32>
      %div3A_684 = arith.divsi %add3A_681, %div3A_683 : vector<16xi32>
      %sign3A_685 = arith.constant 0 : i32
      %sign3A_686 = vector.broadcast %sign3A_685 : i32 to vector<16xi32>
      %sign3A_687 = arith.cmpi sgt, %add3A_681, %sign3A_686 : vector<16xi32>
      %sign3A_688 = arith.extui %sign3A_687 : vector<16xi1> to vector<16xi32>
      %sign3A_689 = arith.constant 0 : i32
      %sign3A_690 = vector.broadcast %sign3A_689 : i32 to vector<16xi32>
      %sign3A_691 = arith.cmpi slt, %add3A_681, %sign3A_690 : vector<16xi32>
      %sign3A_692 = arith.extui %sign3A_691 : vector<16xi1> to vector<16xi32>
      %sign3A_693 = arith.subi %sign3A_688, %sign3A_692 : vector<16xi32>
      %sign3A_694 = arith.constant 0 : i32
      %sign3A_695 = arith.cmpi sgt, %jit3A_682, %sign3A_694 : i32
      %sign3A_696 = arith.extui %sign3A_695 : i1 to i32
      %sign3A_697 = arith.constant 0 : i32
      %sign3A_698 = arith.cmpi slt, %jit3A_682, %sign3A_697 : i32
      %sign3A_699 = arith.extui %sign3A_698 : i1 to i32
      %sign3A_700 = arith.subi %sign3A_696, %sign3A_699 : i32
      %ne3A_701 = vector.broadcast %sign3A_700 : i32 to vector<16xi32>
      %ne3A_702 = arith.cmpi ne, %sign3A_693, %ne3A_701 : vector<16xi32>
      %rem3A_703 = vector.broadcast %jit3A_682 : i32 to vector<16xi32>
      %rem3A_704 = arith.remsi %add3A_681, %rem3A_703 : vector<16xi32>
      %ne3A_705 = arith.constant 0 : i32
      %ne3A_706 = vector.broadcast %ne3A_705 : i32 to vector<16xi32>
      %ne3A_707 = arith.cmpi ne, %rem3A_704, %ne3A_706 : vector<16xi32>
      %and3A_708 = arith.andi %ne3A_702, %ne3A_707 : vector<16xi1>
      %sub3A_709 = arith.constant 1 : i32
      %sub3A_710 = vector.broadcast %sub3A_709 : i32 to vector<16xi32>
      %sub3A_711 = arith.subi %div3A_684, %sub3A_710 : vector<16xi32>
      %select_n3A_712 = arith.select %and3A_708, %sub3A_711, %div3A_684 : vector<16xi1>, vector<16xi32>
      %add3A_713 = arith.constant 48 : i32
      %add3A_714 = vector.broadcast %add3A_713 : i32 to vector<16xi32>
      %add3A_715 = arith.addi %add3A_714, %iota3A : vector<16xi32>
      %jit3A_716 = arith.constant 8 : i32
      %eq3A_717 = arith.constant 0 : i32
      %eq3A_718 = arith.cmpi eq, %jit3A_716, %eq3A_717 : i32
      %jit3A_719 = arith.constant 1 : i32
      %select_n3A_720 = arith.select %eq3A_718, %jit3A_719, %jit3A_716 : i32
      %rem3A_721 = vector.broadcast %select_n3A_720 : i32 to vector<16xi32>
      %rem3A_722 = arith.remsi %add3A_715, %rem3A_721 : vector<16xi32>
      %ne3A_723 = arith.constant 0 : i32
      %ne3A_724 = vector.broadcast %ne3A_723 : i32 to vector<16xi32>
      %ne3A_725 = arith.cmpi ne, %rem3A_722, %ne3A_724 : vector<16xi32>
      %lt3A_726 = arith.constant 0 : i32
      %lt3A_727 = vector.broadcast %lt3A_726 : i32 to vector<16xi32>
      %lt3A_728 = arith.cmpi slt, %rem3A_722, %lt3A_727 : vector<16xi32>
      %lt3A_729 = arith.constant 0 : i32
      %lt3A_730 = arith.cmpi slt, %select_n3A_720, %lt3A_729 : i32
      %ne3A_731 = vector.broadcast %lt3A_730 : i1 to vector<16xi1>
      %ne3A_732 = vector.broadcast %ne3A_731 : vector<16xi1> to vector<16xi1>
      %ne3A_733 = arith.xori %lt3A_728, %ne3A_732 : vector<16xi1>
      %and3A_734 = arith.andi %ne3A_733, %ne3A_725 : vector<16xi1>
      %add3A_735 = vector.broadcast %select_n3A_720 : i32 to vector<16xi32>
      %add3A_736 = arith.addi %rem3A_722, %add3A_735 : vector<16xi32>
      %select_n3A_737 = arith.select %and3A_734, %add3A_736, %rem3A_722 : vector<16xi1>, vector<16xi32>
      %scan3A_738 = arith.constant 0 : i32
      %scan3A_739 = arith.constant 0 : i32
      %scan3A_740 = arith.constant 32 : i32
      %scan3A_741 = arith.addi %scan3A_739, %scan3A_740 : i32
      %scan3A_742 = arith.constant 1 : i32
      scf.for %scan3A_887 = %scan3A_739 to %scan3A_741 step %scan3A_742  : i32 {
        %mul3A_888 = arith.constant 8 : i32
        %mul3A_889 = arith.muli %scan3A_887, %mul3A_888 : i32
        %add3A_890 = arith.constant 0 : i32
        %add3A_891 = arith.addi %mul3A_889, %add3A_890 : i32
        %jit3A_892 = arith.constant 128 : i32
        %div3A_893 = arith.divsi %add3A_891, %jit3A_892 : i32
        %sign3A_894 = arith.constant 0 : i32
        %sign3A_895 = arith.cmpi sgt, %add3A_891, %sign3A_894 : i32
        %sign3A_896 = arith.extui %sign3A_895 : i1 to i32
        %sign3A_897 = arith.constant 0 : i32
        %sign3A_898 = arith.cmpi slt, %add3A_891, %sign3A_897 : i32
        %sign3A_899 = arith.extui %sign3A_898 : i1 to i32
        %sign3A_900 = arith.subi %sign3A_896, %sign3A_899 : i32
        %sign3A_901 = arith.constant 0 : i32
        %sign3A_902 = arith.cmpi sgt, %jit3A_892, %sign3A_901 : i32
        %sign3A_903 = arith.extui %sign3A_902 : i1 to i32
        %sign3A_904 = arith.constant 0 : i32
        %sign3A_905 = arith.cmpi slt, %jit3A_892, %sign3A_904 : i32
        %sign3A_906 = arith.extui %sign3A_905 : i1 to i32
        %sign3A_907 = arith.subi %sign3A_903, %sign3A_906 : i32
        %ne3A_908 = arith.cmpi ne, %sign3A_900, %sign3A_907 : i32
        %rem3A_909 = arith.remsi %add3A_891, %jit3A_892 : i32
        %ne3A_910 = arith.constant 0 : i32
        %ne3A_911 = arith.cmpi ne, %rem3A_909, %ne3A_910 : i32
        %and3A_912 = arith.andi %ne3A_908, %ne3A_911 : i1
        %sub3A_913 = arith.constant 1 : i32
        %sub3A_914 = arith.subi %div3A_893, %sub3A_913 : i32
        %select_n3A_915 = arith.select %and3A_912, %sub3A_914, %div3A_893 : i32
        %broadcast_in_dim3A = vector.broadcast %select_n3A_915 : i32 to vector<16xi32>
        %jit3A_916 = arith.constant 128 : i32
        %eq3A_917 = arith.constant 0 : i32
        %eq3A_918 = arith.cmpi eq, %jit3A_916, %eq3A_917 : i32
        %jit3A_919 = arith.constant 1 : i32
        %select_n3A_920 = arith.select %eq3A_918, %jit3A_919, %jit3A_916 : i32
        %rem3A_921 = arith.remsi %add3A_891, %select_n3A_920 : i32
        %ne3A_922 = arith.constant 0 : i32
        %ne3A_923 = arith.cmpi ne, %rem3A_921, %ne3A_922 : i32
        %lt3A_924 = arith.constant 0 : i32
        %lt3A_925 = arith.cmpi slt, %rem3A_921, %lt3A_924 : i32
        %lt3A_926 = arith.constant 0 : i32
        %lt3A_927 = arith.cmpi slt, %select_n3A_920, %lt3A_926 : i32
        %ne3A_928 = arith.xori %lt3A_925, %lt3A_927 : i1
        %and3A_929 = arith.andi %ne3A_928, %ne3A_923 : i1
        %add3A_930 = arith.addi %rem3A_921, %select_n3A_920 : i32
        %select_n3A_931 = arith.select %and3A_929, %add3A_930, %rem3A_921 : i32
        %broadcast_in_dim3A_932 = vector.broadcast %select_n3A_931 : i32 to vector<16xi32>
        %get3A = arith.constant 0 : i32
        %get3A_933 = arith.constant 0 : i32
        %get3A_934 = tpu.memref_slice %arg6[%select_n3A_460, %get3A, %get3A_933] : memref<3x256x64xf32, #tpu.memory_space<vmem>> -> memref<1x256x64xf32, #tpu.memory_space<vmem>>
        %get3A_935 = tpu.memref_squeeze %get3A_934 : memref<1x256x64xf32, #tpu.memory_space<vmem>> -> memref<256x64xf32, #tpu.memory_space<vmem>>
        %get3A_936 = arith.constant 0 : i32
        %get3A_937 = tpu.memref_slice %get3A_935[%add3A_891, %get3A_936] : memref<256x64xf32, #tpu.memory_space<vmem>> -> memref<1x64xf32, #tpu.memory_space<vmem>>
        %get3A_938 = tpu.memref_squeeze %get3A_937 : memref<1x64xf32, #tpu.memory_space<vmem>> -> memref<64xf32, #tpu.memory_space<vmem>>
        %get3A_939 = arith.constant 0 : index
        %get3A_940 = tpu.vector_load %get3A_938[%get3A_939] {strides = array<i32>} : memref<64xf32, #tpu.memory_space<vmem>>, vector<16xf32>,
        %scatter3A = arith.constant 0 : i32
        %scatter3A_941 = arith.constant 0 : i32
        %scatter3A_942 = arith.constant 0 : i32
        %scatter3A_943 = arith.constant 0 : i32
        %scatter3A_944 = tpu.memref_slice %arg7[%select_n3A_476, %scatter3A, %scatter3A_941, %scatter3A_942, %scatter3A_943] : memref<2x2x8x8x133xf32, #tpu.memory_space<vmem>> -> memref<1x2x8x8x133xf32, #tpu.memory_space<vmem>>
        %scatter3A_945 = tpu.memref_squeeze %scatter3A_944 : memref<1x2x8x8x133xf32, #tpu.memory_space<vmem>> -> memref<2x8x8x133xf32, #tpu.memory_space<vmem>>
        tpu.vector_store_idx %scatter3A_945[%broadcast_in_dim3A, %select_n3A_535, %select_n3A_560, %broadcast_in_dim3A_932], %get3A_940 : memref<2x8x8x133xf32, #tpu.memory_space<vmem>>[vector<16xi32>, vector<16xi32>, vector<16xi32>, vector<16xi32>], vector<16xf32>,
        %get3A_946 = arith.constant 0 : i32
        %get3A_947 = arith.constant 0 : i32
        %get3A_948 = tpu.memref_slice %arg6[%select_n3A_460, %get3A_946, %get3A_947] : memref<3x256x64xf32, #tpu.memory_space<vmem>> -> memref<1x256x64xf32, #tpu.memory_space<vmem>>
        %get3A_949 = tpu.memref_squeeze %get3A_948 : memref<1x256x64xf32, #tpu.memory_space<vmem>> -> memref<256x64xf32, #tpu.memory_space<vmem>>
        %get3A_950 = arith.constant 0 : i32
        %get3A_951 = tpu.memref_slice %get3A_949[%add3A_891, %get3A_950] : memref<256x64xf32, #tpu.memory_space<vmem>> -> memref<1x64xf32, #tpu.memory_space<vmem>>
        %get3A_952 = tpu.memref_squeeze %get3A_951 : memref<1x64xf32, #tpu.memory_space<vmem>> -> memref<64xf32, #tpu.memory_space<vmem>>
        %get3A_953 = arith.constant 16 : index
        %get3A_954 = tpu.vector_load %get3A_952[%get3A_953] {strides = array<i32>} : memref<64xf32, #tpu.memory_space<vmem>>, vector<16xf32>,
        %scatter3A_955 = arith.constant 0 : i32
        %scatter3A_956 = arith.constant 0 : i32
        %scatter3A_957 = arith.constant 0 : i32
        %scatter3A_958 = arith.constant 0 : i32
        %scatter3A_959 = tpu.memref_slice %arg7[%select_n3A_476, %scatter3A_955, %scatter3A_956, %scatter3A_957, %scatter3A_958] : memref<2x2x8x8x133xf32, #tpu.memory_space<vmem>> -> memref<1x2x8x8x133xf32, #tpu.memory_space<vmem>>
        %scatter3A_960 = tpu.memref_squeeze %scatter3A_959 : memref<1x2x8x8x133xf32, #tpu.memory_space<vmem>> -> memref<2x8x8x133xf32, #tpu.memory_space<vmem>>
        tpu.vector_store_idx %scatter3A_960[%broadcast_in_dim3A, %select_n3A_594, %select_n3A_619, %broadcast_in_dim3A_932], %get3A_954 : memref<2x8x8x133xf32, #tpu.memory_space<vmem>>[vector<16xi32>, vector<16xi32>, vector<16xi32>, vector<16xi32>], vector<16xf32>,
        %get3A_961 = arith.constant 0 : i32
        %get3A_962 = arith.constant 0 : i32
        %get3A_963 = tpu.memref_slice %arg6[%select_n3A_460, %get3A_961, %get3A_962] : memref<3x256x64xf32, #tpu.memory_space<vmem>> -> memref<1x256x64xf32, #tpu.memory_space<vmem>>
        %get3A_964 = tpu.memref_squeeze %get3A_963 : memref<1x256x64xf32, #tpu.memory_space<vmem>> -> memref<256x64xf32, #tpu.memory_space<vmem>>
        %get3A_965 = arith.constant 0 : i32
        %get3A_966 = tpu.memref_slice %get3A_964[%add3A_891, %get3A_965] : memref<256x64xf32, #tpu.memory_space<vmem>> -> memref<1x64xf32, #tpu.memory_space<vmem>>
        %get3A_967 = tpu.memref_squeeze %get3A_966 : memref<1x64xf32, #tpu.memory_space<vmem>> -> memref<64xf32, #tpu.memory_space<vmem>>
        %get3A_968 = arith.constant 32 : index
        %get3A_969 = tpu.vector_load %get3A_967[%get3A_968] {strides = array<i32>} : memref<64xf32, #tpu.memory_space<vmem>>, vector<16xf32>,
        %scatter3A_970 = arith.constant 0 : i32
        %scatter3A_971 = arith.constant 0 : i32
        %scatter3A_972 = arith.constant 0 : i32
        %scatter3A_973 = arith.constant 0 : i32
        %scatter3A_974 = tpu.memref_slice %arg7[%select_n3A_476, %scatter3A_970, %scatter3A_971, %scatter3A_972, %scatter3A_973] : memref<2x2x8x8x133xf32, #tpu.memory_space<vmem>> -> memref<1x2x8x8x133xf32, #tpu.memory_space<vmem>>
        %scatter3A_975 = tpu.memref_squeeze %scatter3A_974 : memref<1x2x8x8x133xf32, #tpu.memory_space<vmem>> -> memref<2x8x8x133xf32, #tpu.memory_space<vmem>>
        tpu.vector_store_idx %scatter3A_975[%broadcast_in_dim3A, %select_n3A_653, %select_n3A_678, %broadcast_in_dim3A_932], %get3A_969 : memref<2x8x8x133xf32, #tpu.memory_space<vmem>>[vector<16xi32>, vector<16xi32>, vector<16xi32>, vector<16xi32>], vector<16xf32>,
        %get3A_976 = arith.constant 0 : i32
        %get3A_977 = arith.constant 0 : i32
        %get3A_978 = tpu.memref_slice %arg6[%select_n3A_460, %get3A_976, %get3A_977] : memref<3x256x64xf32, #tpu.memory_space<vmem>> -> memref<1x256x64xf32, #tpu.memory_space<vmem>>
        %get3A_979 = tpu.memref_squeeze %get3A_978 : memref<1x256x64xf32, #tpu.memory_space<vmem>> -> memref<256x64xf32, #tpu.memory_space<vmem>>
        %get3A_980 = arith.constant 0 : i32
        %get3A_981 = tpu.memref_slice %get3A_979[%add3A_891, %get3A_980] : memref<256x64xf32, #tpu.memory_space<vmem>> -> memref<1x64xf32, #tpu.memory_space<vmem>>
        %get3A_982 = tpu.memref_squeeze %get3A_981 : memref<1x64xf32, #tpu.memory_space<vmem>> -> memref<64xf32, #tpu.memory_space<vmem>>
        %get3A_983 = arith.constant 48 : index
        %get3A_984 = tpu.vector_load %get3A_982[%get3A_983] {strides = array<i32>} : memref<64xf32, #tpu.memory_space<vmem>>, vector<16xf32>,
        %scatter3A_985 = arith.constant 0 : i32
        %scatter3A_986 = arith.constant 0 : i32
        %scatter3A_987 = arith.constant 0 : i32
        %scatter3A_988 = arith.constant 0 : i32
        %scatter3A_989 = tpu.memref_slice %arg7[%select_n3A_476, %scatter3A_985, %scatter3A_986, %scatter3A_987, %scatter3A_988] : memref<2x2x8x8x133xf32, #tpu.memory_space<vmem>> -> memref<1x2x8x8x133xf32, #tpu.memory_space<vmem>>
        %scatter3A_990 = tpu.memref_squeeze %scatter3A_989 : memref<1x2x8x8x133xf32, #tpu.memory_space<vmem>> -> memref<2x8x8x133xf32, #tpu.memory_space<vmem>>
        tpu.vector_store_idx %scatter3A_990[%broadcast_in_dim3A, %select_n3A_712, %select_n3A_737, %broadcast_in_dim3A_932], %get3A_984 : memref<2x8x8x133xf32, #tpu.memory_space<vmem>>[vector<16xi32>, vector<16xi32>, vector<16xi32>, vector<16xi32>], vector<16xf32>,
        %mul3A_991 = arith.constant 8 : i32
        %mul3A_992 = arith.muli %scan3A_887, %mul3A_991 : i32
        %add3A_993 = arith.constant 1 : i32
        %add3A_994 = arith.addi %mul3A_992, %add3A_993 : i32
        %jit3A_995 = arith.constant 128 : i32
        %div3A_996 = arith.divsi %add3A_994, %jit3A_995 : i32
        %sign3A_997 = arith.constant 0 : i32
        %sign3A_998 = arith.cmpi sgt, %add3A_994, %sign3A_997 : i32
        %sign3A_999 = arith.extui %sign3A_998 : i1 to i32
        %sign3A_1000 = arith.constant 0 : i32
        %sign3A_1001 = arith.cmpi slt, %add3A_994, %sign3A_1000 : i32
        %sign3A_1002 = arith.extui %sign3A_1001 : i1 to i32
        %sign3A_1003 = arith.subi %sign3A_999, %sign3A_1002 : i32
        %sign3A_1004 = arith.constant 0 : i32
        %sign3A_1005 = arith.cmpi sgt, %jit3A_995, %sign3A_1004 : i32
        %sign3A_1006 = arith.extui %sign3A_1005 : i1 to i32
        %sign3A_1007 = arith.constant 0 : i32
        %sign3A_1008 = arith.cmpi slt, %jit3A_995, %sign3A_1007 : i32
        %sign3A_1009 = arith.extui %sign3A_1008 : i1 to i32
        %sign3A_1010 = arith.subi %sign3A_1006, %sign3A_1009 : i32
        %ne3A_1011 = arith.cmpi ne, %sign3A_1003, %sign3A_1010 : i32
        %rem3A_1012 = arith.remsi %add3A_994, %jit3A_995 : i32
        %ne3A_1013 = arith.constant 0 : i32
        %ne3A_1014 = arith.cmpi ne, %rem3A_1012, %ne3A_1013 : i32
        %and3A_1015 = arith.andi %ne3A_1011, %ne3A_1014 : i1
        %sub3A_1016 = arith.constant 1 : i32
        %sub3A_1017 = arith.subi %div3A_996, %sub3A_1016 : i32
        %select_n3A_1018 = arith.select %and3A_1015, %sub3A_1017, %div3A_996 : i32
        %broadcast_in_dim3A_1019 = vector.broadcast %select_n3A_1018 : i32 to vector<16xi32>
        %jit3A_1020 = arith.constant 128 : i32
        %eq3A_1021 = arith.constant 0 : i32
        %eq3A_1022 = arith.cmpi eq, %jit3A_1020, %eq3A_1021 : i32
        %jit3A_1023 = arith.constant 1 : i32
        %select_n3A_1024 = arith.select %eq3A_1022, %jit3A_1023, %jit3A_1020 : i32
        %rem3A_1025 = arith.remsi %add3A_994, %select_n3A_1024 : i32
        %ne3A_1026 = arith.constant 0 : i32
        %ne3A_1027 = arith.cmpi ne, %rem3A_1025, %ne3A_1026 : i32
        %lt3A_1028 = arith.constant 0 : i32
        %lt3A_1029 = arith.cmpi slt, %rem3A_1025, %lt3A_1028 : i32
        %lt3A_1030 = arith.constant 0 : i32
        %lt3A_1031 = arith.cmpi slt, %select_n3A_1024, %lt3A_1030 : i32
        %ne3A_1032 = arith.xori %lt3A_1029, %lt3A_1031 : i1
        %and3A_1033 = arith.andi %ne3A_1032, %ne3A_1027 : i1
        %add3A_1034 = arith.addi %rem3A_1025, %select_n3A_1024 : i32
        %select_n3A_1035 = arith.select %and3A_1033, %add3A_1034, %rem3A_1025 : i32
        %broadcast_in_dim3A_1036 = vector.broadcast %select_n3A_1035 : i32 to vector<16xi32>
        %get3A_1037 = arith.constant 0 : i32
        %get3A_1038 = arith.constant 0 : i32
        %get3A_1039 = tpu.memref_slice %arg6[%select_n3A_460, %get3A_1037, %get3A_1038] : memref<3x256x64xf32, #tpu.memory_space<vmem>> -> memref<1x256x64xf32, #tpu.memory_space<vmem>>
        %get3A_1040 = tpu.memref_squeeze %get3A_1039 : memref<1x256x64xf32, #tpu.memory_space<vmem>> -> memref<256x64xf32, #tpu.memory_space<vmem>>
        %get3A_1041 = arith.constant 0 : i32
        %get3A_1042 = tpu.memref_slice %get3A_1040[%add3A_994, %get3A_1041] : memref<256x64xf32, #tpu.memory_space<vmem>> -> memref<1x64xf32, #tpu.memory_space<vmem>>
        %get3A_1043 = tpu.memref_squeeze %get3A_1042 : memref<1x64xf32, #tpu.memory_space<vmem>> -> memref<64xf32, #tpu.memory_space<vmem>>
        %get3A_1044 = arith.constant 0 : index
        %get3A_1045 = tpu.vector_load %get3A_1043[%get3A_1044] {strides = array<i32>} : memref<64xf32, #tpu.memory_space<vmem>>, vector<16xf32>,
        %scatter3A_1046 = arith.constant 0 : i32
        %scatter3A_1047 = arith.constant 0 : i32
        %scatter3A_1048 = arith.constant 0 : i32
        %scatter3A_1049 = arith.constant 0 : i32
        %scatter3A_1050 = tpu.memref_slice %arg7[%select_n3A_476, %scatter3A_1046, %scatter3A_1047, %scatter3A_1048, %scatter3A_1049] : memref<2x2x8x8x133xf32, #tpu.memory_space<vmem>> -> memref<1x2x8x8x133xf32, #tpu.memory_space<vmem>>
        %scatter3A_1051 = tpu.memref_squeeze %scatter3A_1050 : memref<1x2x8x8x133xf32, #tpu.memory_space<vmem>> -> memref<2x8x8x133xf32, #tpu.memory_space<vmem>>
        tpu.vector_store_idx %scatter3A_1051[%broadcast_in_dim3A_1019, %select_n3A_535, %select_n3A_560, %broadcast_in_dim3A_1036], %get3A_1045 : memref<2x8x8x133xf32, #tpu.memory_space<vmem>>[vector<16xi32>, vector<16xi32>, vector<16xi32>, vector<16xi32>], vector<16xf32>,
        %get3A_1052 = arith.constant 0 : i32
        %get3A_1053 = arith.constant 0 : i32
        %get3A_1054 = tpu.memref_slice %arg6[%select_n3A_460, %get3A_1052, %get3A_1053] : memref<3x256x64xf32, #tpu.memory_space<vmem>> -> memref<1x256x64xf32, #tpu.memory_space<vmem>>
        %get3A_1055 = tpu.memref_squeeze %get3A_1054 : memref<1x256x64xf32, #tpu.memory_space<vmem>> -> memref<256x64xf32, #tpu.memory_space<vmem>>
        %get3A_1056 = arith.constant 0 : i32
        %get3A_1057 = tpu.memref_slice %get3A_1055[%add3A_994, %get3A_1056] : memref<256x64xf32, #tpu.memory_space<vmem>> -> memref<1x64xf32, #tpu.memory_space<vmem>>
        %get3A_1058 = tpu.memref_squeeze %get3A_1057 : memref<1x64xf32, #tpu.memory_space<vmem>> -> memref<64xf32, #tpu.memory_space<vmem>>
        %get3A_1059 = arith.constant 16 : index
        %get3A_1060 = tpu.vector_load %get3A_1058[%get3A_1059] {strides = array<i32>} : memref<64xf32, #tpu.memory_space<vmem>>, vector<16xf32>,
        %scatter3A_1061 = arith.constant 0 : i32
        %scatter3A_1062 = arith.constant 0 : i32
        %scatter3A_1063 = arith.constant 0 : i32
        %scatter3A_1064 = arith.constant 0 : i32
        %scatter3A_1065 = tpu.memref_slice %arg7[%select_n3A_476, %scatter3A_1061, %scatter3A_1062, %scatter3A_1063, %scatter3A_1064] : memref<2x2x8x8x133xf32, #tpu.memory_space<vmem>> -> memref<1x2x8x8x133xf32, #tpu.memory_space<vmem>>
        %scatter3A_1066 = tpu.memref_squeeze %scatter3A_1065 : memref<1x2x8x8x133xf32, #tpu.memory_space<vmem>> -> memref<2x8x8x133xf32, #tpu.memory_space<vmem>>
        tpu.vector_store_idx %scatter3A_1066[%broadcast_in_dim3A_1019, %select_n3A_594, %select_n3A_619, %broadcast_in_dim3A_1036], %get3A_1060 : memref<2x8x8x133xf32, #tpu.memory_space<vmem>>[vector<16xi32>, vector<16xi32>, vector<16xi32>, vector<16xi32>], vector<16xf32>,
        %get3A_1067 = arith.constant 0 : i32
        %get3A_1068 = arith.constant 0 : i32
        %get3A_1069 = tpu.memref_slice %arg6[%select_n3A_460, %get3A_1067, %get3A_1068] : memref<3x256x64xf32, #tpu.memory_space<vmem>> -> memref<1x256x64xf32, #tpu.memory_space<vmem>>
        %get3A_1070 = tpu.memref_squeeze %get3A_1069 : memref<1x256x64xf32, #tpu.memory_space<vmem>> -> memref<256x64xf32, #tpu.memory_space<vmem>>
        %get3A_1071 = arith.constant 0 : i32
        %get3A_1072 = tpu.memref_slice %get3A_1070[%add3A_994, %get3A_1071] : memref<256x64xf32, #tpu.memory_space<vmem>> -> memref<1x64xf32, #tpu.memory_space<vmem>>
        %get3A_1073 = tpu.memref_squeeze %get3A_1072 : memref<1x64xf32, #tpu.memory_space<vmem>> -> memref<64xf32, #tpu.memory_space<vmem>>
        %get3A_1074 = arith.constant 32 : index
        %get3A_1075 = tpu.vector_load %get3A_1073[%get3A_1074] {strides = array<i32>} : memref<64xf32, #tpu.memory_space<vmem>>, vector<16xf32>,
        %scatter3A_1076 = arith.constant 0 : i32
        %scatter3A_1077 = arith.constant 0 : i32
        %scatter3A_1078 = arith.constant 0 : i32
        %scatter3A_1079 = arith.constant 0 : i32
        %scatter3A_1080 = tpu.memref_slice %arg7[%select_n3A_476, %scatter3A_1076, %scatter3A_1077, %scatter3A_1078, %scatter3A_1079] : memref<2x2x8x8x133xf32, #tpu.memory_space<vmem>> -> memref<1x2x8x8x133xf32, #tpu.memory_space<vmem>>
        %scatter3A_1081 = tpu.memref_squeeze %scatter3A_1080 : memref<1x2x8x8x133xf32, #tpu.memory_space<vmem>> -> memref<2x8x8x133xf32, #tpu.memory_space<vmem>>
        tpu.vector_store_idx %scatter3A_1081[%broadcast_in_dim3A_1019, %select_n3A_653, %select_n3A_678, %broadcast_in_dim3A_1036], %get3A_1075 : memref<2x8x8x133xf32, #tpu.memory_space<vmem>>[vector<16xi32>, vector<16xi32>, vector<16xi32>, vector<16xi32>], vector<16xf32>,
        %get3A_1082 = arith.constant 0 : i32
        %get3A_1083 = arith.constant 0 : i32
        %get3A_1084 = tpu.memref_slice %arg6[%select_n3A_460, %get3A_1082, %get3A_1083] : memref<3x256x64xf32, #tpu.memory_space<vmem>> -> memref<1x256x64xf32, #tpu.memory_space<vmem>>
        %get3A_1085 = tpu.memref_squeeze %get3A_1084 : memref<1x256x64xf32, #tpu.memory_space<vmem>> -> memref<256x64xf32, #tpu.memory_space<vmem>>
        %get3A_1086 = arith.constant 0 : i32
        %get3A_1087 = tpu.memref_slice %get3A_1085[%add3A_994, %get3A_1086] : memref<256x64xf32, #tpu.memory_space<vmem>> -> memref<1x64xf32, #tpu.memory_space<vmem>>
        %get3A_1088 = tpu.memref_squeeze %get3A_1087 : memref<1x64xf32, #tpu.memory_space<vmem>> -> memref<64xf32, #tpu.memory_space<vmem>>
        %get3A_1089 = arith.constant 48 : index
        %get3A_1090 = tpu.vector_load %get3A_1088[%get3A_1089] {strides = array<i32>} : memref<64xf32, #tpu.memory_space<vmem>>, vector<16xf32>,
        %scatter3A_1091 = arith.constant 0 : i32
        %scatter3A_1092 = arith.constant 0 : i32
        %scatter3A_1093 = arith.constant 0 : i32
        %scatter3A_1094 = arith.constant 0 : i32
        %scatter3A_1095 = tpu.memref_slice %arg7[%select_n3A_476, %scatter3A_1091, %scatter3A_1092, %scatter3A_1093, %scatter3A_1094] : memref<2x2x8x8x133xf32, #tpu.memory_space<vmem>> -> memref<1x2x8x8x133xf32, #tpu.memory_space<vmem>>
        %scatter3A_1096 = tpu.memref_squeeze %scatter3A_1095 : memref<1x2x8x8x133xf32, #tpu.memory_space<vmem>> -> memref<2x8x8x133xf32, #tpu.memory_space<vmem>>
        tpu.vector_store_idx %scatter3A_1096[%broadcast_in_dim3A_1019, %select_n3A_712, %select_n3A_737, %broadcast_in_dim3A_1036], %get3A_1090 : memref<2x8x8x133xf32, #tpu.memory_space<vmem>>[vector<16xi32>, vector<16xi32>, vector<16xi32>, vector<16xi32>], vector<16xf32>,
        %mul3A_1097 = arith.constant 8 : i32
        %mul3A_1098 = arith.muli %scan3A_887, %mul3A_1097 : i32
        %add3A_1099 = arith.constant 2 : i32
        %add3A_1100 = arith.addi %mul3A_1098, %add3A_1099 : i32
        %jit3A_1101 = arith.constant 128 : i32
        %div3A_1102 = arith.divsi %add3A_1100, %jit3A_1101 : i32
        %sign3A_1103 = arith.constant 0 : i32
        %sign3A_1104 = arith.cmpi sgt, %add3A_1100, %sign3A_1103 : i32
        %sign3A_1105 = arith.extui %sign3A_1104 : i1 to i32
        %sign3A_1106 = arith.constant 0 : i32
        %sign3A_1107 = arith.cmpi slt, %add3A_1100, %sign3A_1106 : i32
        %sign3A_1108 = arith.extui %sign3A_1107 : i1 to i32
        %sign3A_1109 = arith.subi %sign3A_1105, %sign3A_1108 : i32
        %sign3A_1110 = arith.constant 0 : i32
        %sign3A_1111 = arith.cmpi sgt, %jit3A_1101, %sign3A_1110 : i32
        %sign3A_1112 = arith.extui %sign3A_1111 : i1 to i32
        %sign3A_1113 = arith.constant 0 : i32
        %sign3A_1114 = arith.cmpi slt, %jit3A_1101, %sign3A_1113 : i32
        %sign3A_1115 = arith.extui %sign3A_1114 : i1 to i32
        %sign3A_1116 = arith.subi %sign3A_1112, %sign3A_1115 : i32
        %ne3A_1117 = arith.cmpi ne, %sign3A_1109, %sign3A_1116 : i32
        %rem3A_1118 = arith.remsi %add3A_1100, %jit3A_1101 : i32
        %ne3A_1119 = arith.constant 0 : i32
        %ne3A_1120 = arith.cmpi ne, %rem3A_1118, %ne3A_1119 : i32
        %and3A_1121 = arith.andi %ne3A_1117, %ne3A_1120 : i1
        %sub3A_1122 = arith.constant 1 : i32
        %sub3A_1123 = arith.subi %div3A_1102, %sub3A_1122 : i32
        %select_n3A_1124 = arith.select %and3A_1121, %sub3A_1123, %div3A_1102 : i32
        %broadcast_in_dim3A_1125 = vector.broadcast %select_n3A_1124 : i32 to vector<16xi32>
        %jit3A_1126 = arith.constant 128 : i32
        %eq3A_1127 = arith.constant 0 : i32
        %eq3A_1128 = arith.cmpi eq, %jit3A_1126, %eq3A_1127 : i32
        %jit3A_1129 = arith.constant 1 : i32
        %select_n3A_1130 = arith.select %eq3A_1128, %jit3A_1129, %jit3A_1126 : i32
        %rem3A_1131 = arith.remsi %add3A_1100, %select_n3A_1130 : i32
        %ne3A_1132 = arith.constant 0 : i32
        %ne3A_1133 = arith.cmpi ne, %rem3A_1131, %ne3A_1132 : i32
        %lt3A_1134 = arith.constant 0 : i32
        %lt3A_1135 = arith.cmpi slt, %rem3A_1131, %lt3A_1134 : i32
        %lt3A_1136 = arith.constant 0 : i32
        %lt3A_1137 = arith.cmpi slt, %select_n3A_1130, %lt3A_1136 : i32
        %ne3A_1138 = arith.xori %lt3A_1135, %lt3A_1137 : i1
        %and3A_1139 = arith.andi %ne3A_1138, %ne3A_1133 : i1
        %add3A_1140 = arith.addi %rem3A_1131, %select_n3A_1130 : i32
        %select_n3A_1141 = arith.select %and3A_1139, %add3A_1140, %rem3A_1131 : i32
        %broadcast_in_dim3A_1142 = vector.broadcast %select_n3A_1141 : i32 to vector<16xi32>
        %get3A_1143 = arith.constant 0 : i32
        %get3A_1144 = arith.constant 0 : i32
        %get3A_1145 = tpu.memref_slice %arg6[%select_n3A_460, %get3A_1143, %get3A_1144] : memref<3x256x64xf32, #tpu.memory_space<vmem>> -> memref<1x256x64xf32, #tpu.memory_space<vmem>>
        %get3A_1146 = tpu.memref_squeeze %get3A_1145 : memref<1x256x64xf32, #tpu.memory_space<vmem>> -> memref<256x64xf32, #tpu.memory_space<vmem>>
        %get3A_1147 = arith.constant 0 : i32
        %get3A_1148 = tpu.memref_slice %get3A_1146[%add3A_1100, %get3A_1147] : memref<256x64xf32, #tpu.memory_space<vmem>> -> memref<1x64xf32, #tpu.memory_space<vmem>>
        %get3A_1149 = tpu.memref_squeeze %get3A_1148 : memref<1x64xf32, #tpu.memory_space<vmem>> -> memref<64xf32, #tpu.memory_space<vmem>>
        %get3A_1150 = arith.constant 0 : index
        %get3A_1151 = tpu.vector_load %get3A_1149[%get3A_1150] {strides = array<i32>} : memref<64xf32, #tpu.memory_space<vmem>>, vector<16xf32>,
        %scatter3A_1152 = arith.constant 0 : i32
        %scatter3A_1153 = arith.constant 0 : i32
        %scatter3A_1154 = arith.constant 0 : i32
        %scatter3A_1155 = arith.constant 0 : i32
        %scatter3A_1156 = tpu.memref_slice %arg7[%select_n3A_476, %scatter3A_1152, %scatter3A_1153, %scatter3A_1154, %scatter3A_1155] : memref<2x2x8x8x133xf32, #tpu.memory_space<vmem>> -> memref<1x2x8x8x133xf32, #tpu.memory_space<vmem>>
        %scatter3A_1157 = tpu.memref_squeeze %scatter3A_1156 : memref<1x2x8x8x133xf32, #tpu.memory_space<vmem>> -> memref<2x8x8x133xf32, #tpu.memory_space<vmem>>
        tpu.vector_store_idx %scatter3A_1157[%broadcast_in_dim3A_1125, %select_n3A_535, %select_n3A_560, %broadcast_in_dim3A_1142], %get3A_1151 : memref<2x8x8x133xf32, #tpu.memory_space<vmem>>[vector<16xi32>, vector<16xi32>, vector<16xi32>, vector<16xi32>], vector<16xf32>,
        %get3A_1158 = arith.constant 0 : i32
        %get3A_1159 = arith.constant 0 : i32
        %get3A_1160 = tpu.memref_slice %arg6[%select_n3A_460, %get3A_1158, %get3A_1159] : memref<3x256x64xf32, #tpu.memory_space<vmem>> -> memref<1x256x64xf32, #tpu.memory_space<vmem>>
        %get3A_1161 = tpu.memref_squeeze %get3A_1160 : memref<1x256x64xf32, #tpu.memory_space<vmem>> -> memref<256x64xf32, #tpu.memory_space<vmem>>
        %get3A_1162 = arith.constant 0 : i32
        %get3A_1163 = tpu.memref_slice %get3A_1161[%add3A_1100, %get3A_1162] : memref<256x64xf32, #tpu.memory_space<vmem>> -> memref<1x64xf32, #tpu.memory_space<vmem>>
        %get3A_1164 = tpu.memref_squeeze %get3A_1163 : memref<1x64xf32, #tpu.memory_space<vmem>> -> memref<64xf32, #tpu.memory_space<vmem>>
        %get3A_1165 = arith.constant 16 : index
        %get3A_1166 = tpu.vector_load %get3A_1164[%get3A_1165] {strides = array<i32>} : memref<64xf32, #tpu.memory_space<vmem>>, vector<16xf32>,
        %scatter3A_1167 = arith.constant 0 : i32
        %scatter3A_1168 = arith.constant 0 : i32
        %scatter3A_1169 = arith.constant 0 : i32
        %scatter3A_1170 = arith.constant 0 : i32
        %scatter3A_1171 = tpu.memref_slice %arg7[%select_n3A_476, %scatter3A_1167, %scatter3A_1168, %scatter3A_1169, %scatter3A_1170] : memref<2x2x8x8x133xf32, #tpu.memory_space<vmem>> -> memref<1x2x8x8x133xf32, #tpu.memory_space<vmem>>
        %scatter3A_1172 = tpu.memref_squeeze %scatter3A_1171 : memref<1x2x8x8x133xf32, #tpu.memory_space<vmem>> -> memref<2x8x8x133xf32, #tpu.memory_space<vmem>>
        tpu.vector_store_idx %scatter3A_1172[%broadcast_in_dim3A_1125, %select_n3A_594, %select_n3A_619, %broadcast_in_dim3A_1142], %get3A_1166 : memref<2x8x8x133xf32, #tpu.memory_space<vmem>>[vector<16xi32>, vector<16xi32>, vector<16xi32>, vector<16xi32>], vector<16xf32>,
        %get3A_1173 = arith.constant 0 : i32
        %get3A_1174 = arith.constant 0 : i32
        %get3A_1175 = tpu.memref_slice %arg6[%select_n3A_460, %get3A_1173, %get3A_1174] : memref<3x256x64xf32, #tpu.memory_space<vmem>> -> memref<1x256x64xf32, #tpu.memory_space<vmem>>
        %get3A_1176 = tpu.memref_squeeze %get3A_1175 : memref<1x256x64xf32, #tpu.memory_space<vmem>> -> memref<256x64xf32, #tpu.memory_space<vmem>>
        %get3A_1177 = arith.constant 0 : i32
        %get3A_1178 = tpu.memref_slice %get3A_1176[%add3A_1100, %get3A_1177] : memref<256x64xf32, #tpu.memory_space<vmem>> -> memref<1x64xf32, #tpu.memory_space<vmem>>
        %get3A_1179 = tpu.memref_squeeze %get3A_1178 : memref<1x64xf32, #tpu.memory_space<vmem>> -> memref<64xf32, #tpu.memory_space<vmem>>
        %get3A_1180 = arith.constant 32 : index
        %get3A_1181 = tpu.vector_load %get3A_1179[%get3A_1180] {strides = array<i32>} : memref<64xf32, #tpu.memory_space<vmem>>, vector<16xf32>,
        %scatter3A_1182 = arith.constant 0 : i32
        %scatter3A_1183 = arith.constant 0 : i32
        %scatter3A_1184 = arith.constant 0 : i32
        %scatter3A_1185 = arith.constant 0 : i32
        %scatter3A_1186 = tpu.memref_slice %arg7[%select_n3A_476, %scatter3A_1182, %scatter3A_1183, %scatter3A_1184, %scatter3A_1185] : memref<2x2x8x8x133xf32, #tpu.memory_space<vmem>> -> memref<1x2x8x8x133xf32, #tpu.memory_space<vmem>>
        %scatter3A_1187 = tpu.memref_squeeze %scatter3A_1186 : memref<1x2x8x8x133xf32, #tpu.memory_space<vmem>> -> memref<2x8x8x133xf32, #tpu.memory_space<vmem>>
        tpu.vector_store_idx %scatter3A_1187[%broadcast_in_dim3A_1125, %select_n3A_653, %select_n3A_678, %broadcast_in_dim3A_1142], %get3A_1181 : memref<2x8x8x133xf32, #tpu.memory_space<vmem>>[vector<16xi32>, vector<16xi32>, vector<16xi32>, vector<16xi32>], vector<16xf32>,
        %get3A_1188 = arith.constant 0 : i32
        %get3A_1189 = arith.constant 0 : i32
        %get3A_1190 = tpu.memref_slice %arg6[%select_n3A_460, %get3A_1188, %get3A_1189] : memref<3x256x64xf32, #tpu.memory_space<vmem>> -> memref<1x256x64xf32, #tpu.memory_space<vmem>>
        %get3A_1191 = tpu.memref_squeeze %get3A_1190 : memref<1x256x64xf32, #tpu.memory_space<vmem>> -> memref<256x64xf32, #tpu.memory_space<vmem>>
        %get3A_1192 = arith.constant 0 : i32
        %get3A_1193 = tpu.memref_slice %get3A_1191[%add3A_1100, %get3A_1192] : memref<256x64xf32, #tpu.memory_space<vmem>> -> memref<1x64xf32, #tpu.memory_space<vmem>>
        %get3A_1194 = tpu.memref_squeeze %get3A_1193 : memref<1x64xf32, #tpu.memory_space<vmem>> -> memref<64xf32, #tpu.memory_space<vmem>>
        %get3A_1195 = arith.constant 48 : index
        %get3A_1196 = tpu.vector_load %get3A_1194[%get3A_1195] {strides = array<i32>} : memref<64xf32, #tpu.memory_space<vmem>>, vector<16xf32>,
        %scatter3A_1197 = arith.constant 0 : i32
        %scatter3A_1198 = arith.constant 0 : i32
        %scatter3A_1199 = arith.constant 0 : i32
        %scatter3A_1200 = arith.constant 0 : i32
        %scatter3A_1201 = tpu.memref_slice %arg7[%select_n3A_476, %scatter3A_1197, %scatter3A_1198, %scatter3A_1199, %scatter3A_1200] : memref<2x2x8x8x133xf32, #tpu.memory_space<vmem>> -> memref<1x2x8x8x133xf32, #tpu.memory_space<vmem>>
        %scatter3A_1202 = tpu.memref_squeeze %scatter3A_1201 : memref<1x2x8x8x133xf32, #tpu.memory_space<vmem>> -> memref<2x8x8x133xf32, #tpu.memory_space<vmem>>
        tpu.vector_store_idx %scatter3A_1202[%broadcast_in_dim3A_1125, %select_n3A_712, %select_n3A_737, %broadcast_in_dim3A_1142], %get3A_1196 : memref<2x8x8x133xf32, #tpu.memory_space<vmem>>[vector<16xi32>, vector<16xi32>, vector<16xi32>, vector<16xi32>], vector<16xf32>,
        %mul3A_1203 = arith.constant 8 : i32
        %mul3A_1204 = arith.muli %scan3A_887, %mul3A_1203 : i32
        %add3A_1205 = arith.constant 3 : i32
        %add3A_1206 = arith.addi %mul3A_1204, %add3A_1205 : i32
        %jit3A_1207 = arith.constant 128 : i32
        %div3A_1208 = arith.divsi %add3A_1206, %jit3A_1207 : i32
        %sign3A_1209 = arith.constant 0 : i32
        %sign3A_1210 = arith.cmpi sgt, %add3A_1206, %sign3A_1209 : i32
        %sign3A_1211 = arith.extui %sign3A_1210 : i1 to i32
        %sign3A_1212 = arith.constant 0 : i32
        %sign3A_1213 = arith.cmpi slt, %add3A_1206, %sign3A_1212 : i32
        %sign3A_1214 = arith.extui %sign3A_1213 : i1 to i32
        %sign3A_1215 = arith.subi %sign3A_1211, %sign3A_1214 : i32
        %sign3A_1216 = arith.constant 0 : i32
        %sign3A_1217 = arith.cmpi sgt, %jit3A_1207, %sign3A_1216 : i32
        %sign3A_1218 = arith.extui %sign3A_1217 : i1 to i32
        %sign3A_1219 = arith.constant 0 : i32
        %sign3A_1220 = arith.cmpi slt, %jit3A_1207, %sign3A_1219 : i32
        %sign3A_1221 = arith.extui %sign3A_1220 : i1 to i32
        %sign3A_1222 = arith.subi %sign3A_1218, %sign3A_1221 : i32
        %ne3A_1223 = arith.cmpi ne, %sign3A_1215, %sign3A_1222 : i32
        %rem3A_1224 = arith.remsi %add3A_1206, %jit3A_1207 : i32
        %ne3A_1225 = arith.constant 0 : i32
        %ne3A_1226 = arith.cmpi ne, %rem3A_1224, %ne3A_1225 : i32
        %and3A_1227 = arith.andi %ne3A_1223, %ne3A_1226 : i1
        %sub3A_1228 = arith.constant 1 : i32
        %sub3A_1229 = arith.subi %div3A_1208, %sub3A_1228 : i32
        %select_n3A_1230 = arith.select %and3A_1227, %sub3A_1229, %div3A_1208 : i32
        %broadcast_in_dim3A_1231 = vector.broadcast %select_n3A_1230 : i32 to vector<16xi32>
        %jit3A_1232 = arith.constant 128 : i32
        %eq3A_1233 = arith.constant 0 : i32
        %eq3A_1234 = arith.cmpi eq, %jit3A_1232, %eq3A_1233 : i32
        %jit3A_1235 = arith.constant 1 : i32
        %select_n3A_1236 = arith.select %eq3A_1234, %jit3A_1235, %jit3A_1232 : i32
        %rem3A_1237 = arith.remsi %add3A_1206, %select_n3A_1236 : i32
        %ne3A_1238 = arith.constant 0 : i32
        %ne3A_1239 = arith.cmpi ne, %rem3A_1237, %ne3A_1238 : i32
        %lt3A_1240 = arith.constant 0 : i32
        %lt3A_1241 = arith.cmpi slt, %rem3A_1237, %lt3A_1240 : i32
        %lt3A_1242 = arith.constant 0 : i32
        %lt3A_1243 = arith.cmpi slt, %select_n3A_1236, %lt3A_1242 : i32
        %ne3A_1244 = arith.xori %lt3A_1241, %lt3A_1243 : i1
        %and3A_1245 = arith.andi %ne3A_1244, %ne3A_1239 : i1
        %add3A_1246 = arith.addi %rem3A_1237, %select_n3A_1236 : i32
        %select_n3A_1247 = arith.select %and3A_1245, %add3A_1246, %rem3A_1237 : i32
        %broadcast_in_dim3A_1248 = vector.broadcast %select_n3A_1247 : i32 to vector<16xi32>
        %get3A_1249 = arith.constant 0 : i32
        %get3A_1250 = arith.constant 0 : i32
        %get3A_1251 = tpu.memref_slice %arg6[%select_n3A_460, %get3A_1249, %get3A_1250] : memref<3x256x64xf32, #tpu.memory_space<vmem>> -> memref<1x256x64xf32, #tpu.memory_space<vmem>>
        %get3A_1252 = tpu.memref_squeeze %get3A_1251 : memref<1x256x64xf32, #tpu.memory_space<vmem>> -> memref<256x64xf32, #tpu.memory_space<vmem>>
        %get3A_1253 = arith.constant 0 : i32
        %get3A_1254 = tpu.memref_slice %get3A_1252[%add3A_1206, %get3A_1253] : memref<256x64xf32, #tpu.memory_space<vmem>> -> memref<1x64xf32, #tpu.memory_space<vmem>>
        %get3A_1255 = tpu.memref_squeeze %get3A_1254 : memref<1x64xf32, #tpu.memory_space<vmem>> -> memref<64xf32, #tpu.memory_space<vmem>>
        %get3A_1256 = arith.constant 0 : index
        %get3A_1257 = tpu.vector_load %get3A_1255[%get3A_1256] {strides = array<i32>} : memref<64xf32, #tpu.memory_space<vmem>>, vector<16xf32>,
        %scatter3A_1258 = arith.constant 0 : i32
        %scatter3A_1259 = arith.constant 0 : i32
        %scatter3A_1260 = arith.constant 0 : i32
        %scatter3A_1261 = arith.constant 0 : i32
        %scatter3A_1262 = tpu.memref_slice %arg7[%select_n3A_476, %scatter3A_1258, %scatter3A_1259, %scatter3A_1260, %scatter3A_1261] : memref<2x2x8x8x133xf32, #tpu.memory_space<vmem>> -> memref<1x2x8x8x133xf32, #tpu.memory_space<vmem>>
        %scatter3A_1263 = tpu.memref_squeeze %scatter3A_1262 : memref<1x2x8x8x133xf32, #tpu.memory_space<vmem>> -> memref<2x8x8x133xf32, #tpu.memory_space<vmem>>
        tpu.vector_store_idx %scatter3A_1263[%broadcast_in_dim3A_1231, %select_n3A_535, %select_n3A_560, %broadcast_in_dim3A_1248], %get3A_1257 : memref<2x8x8x133xf32, #tpu.memory_space<vmem>>[vector<16xi32>, vector<16xi32>, vector<16xi32>, vector<16xi32>], vector<16xf32>,
        %get3A_1264 = arith.constant 0 : i32
        %get3A_1265 = arith.constant 0 : i32
        %get3A_1266 = tpu.memref_slice %arg6[%select_n3A_460, %get3A_1264, %get3A_1265] : memref<3x256x64xf32, #tpu.memory_space<vmem>> -> memref<1x256x64xf32, #tpu.memory_space<vmem>>
        %get3A_1267 = tpu.memref_squeeze %get3A_1266 : memref<1x256x64xf32, #tpu.memory_space<vmem>> -> memref<256x64xf32, #tpu.memory_space<vmem>>
        %get3A_1268 = arith.constant 0 : i32
        %get3A_1269 = tpu.memref_slice %get3A_1267[%add3A_1206, %get3A_1268] : memref<256x64xf32, #tpu.memory_space<vmem>> -> memref<1x64xf32, #tpu.memory_space<vmem>>
        %get3A_1270 = tpu.memref_squeeze %get3A_1269 : memref<1x64xf32, #tpu.memory_space<vmem>> -> memref<64xf32, #tpu.memory_space<vmem>>
        %get3A_1271 = arith.constant 16 : index
        %get3A_1272 = tpu.vector_load %get3A_1270[%get3A_1271] {strides = array<i32>} : memref<64xf32, #tpu.memory_space<vmem>>, vector<16xf32>,
        %scatter3A_1273 = arith.constant 0 : i32
        %scatter3A_1274 = arith.constant 0 : i32
        %scatter3A_1275 = arith.constant 0 : i32
        %scatter3A_1276 = arith.constant 0 : i32
        %scatter3A_1277 = tpu.memref_slice %arg7[%select_n3A_476, %scatter3A_1273, %scatter3A_1274, %scatter3A_1275, %scatter3A_1276] : memref<2x2x8x8x133xf32, #tpu.memory_space<vmem>> -> memref<1x2x8x8x133xf32, #tpu.memory_space<vmem>>
        %scatter3A_1278 = tpu.memref_squeeze %scatter3A_1277 : memref<1x2x8x8x133xf32, #tpu.memory_space<vmem>> -> memref<2x8x8x133xf32, #tpu.memory_space<vmem>>
        tpu.vector_store_idx %scatter3A_1278[%broadcast_in_dim3A_1231, %select_n3A_594, %select_n3A_619, %broadcast_in_dim3A_1248], %get3A_1272 : memref<2x8x8x133xf32, #tpu.memory_space<vmem>>[vector<16xi32>, vector<16xi32>, vector<16xi32>, vector<16xi32>], vector<16xf32>,
        %get3A_1279 = arith.constant 0 : i32
        %get3A_1280 = arith.constant 0 : i32
        %get3A_1281 = tpu.memref_slice %arg6[%select_n3A_460, %get3A_1279, %get3A_1280] : memref<3x256x64xf32, #tpu.memory_space<vmem>> -> memref<1x256x64xf32, #tpu.memory_space<vmem>>
        %get3A_1282 = tpu.memref_squeeze %get3A_1281 : memref<1x256x64xf32, #tpu.memory_space<vmem>> -> memref<256x64xf32, #tpu.memory_space<vmem>>
        %get3A_1283 = arith.constant 0 : i32
        %get3A_1284 = tpu.memref_slice %get3A_1282[%add3A_1206, %get3A_1283] : memref<256x64xf32, #tpu.memory_space<vmem>> -> memref<1x64xf32, #tpu.memory_space<vmem>>
        %get3A_1285 = tpu.memref_squeeze %get3A_1284 : memref<1x64xf32, #tpu.memory_space<vmem>> -> memref<64xf32, #tpu.memory_space<vmem>>
        %get3A_1286 = arith.constant 32 : index
        %get3A_1287 = tpu.vector_load %get3A_1285[%get3A_1286] {strides = array<i32>} : memref<64xf32, #tpu.memory_space<vmem>>, vector<16xf32>,
        %scatter3A_1288 = arith.constant 0 : i32
        %scatter3A_1289 = arith.constant 0 : i32
        %scatter3A_1290 = arith.constant 0 : i32
        %scatter3A_1291 = arith.constant 0 : i32
        %scatter3A_1292 = tpu.memref_slice %arg7[%select_n3A_476, %scatter3A_1288, %scatter3A_1289, %scatter3A_1290, %scatter3A_1291] : memref<2x2x8x8x133xf32, #tpu.memory_space<vmem>> -> memref<1x2x8x8x133xf32, #tpu.memory_space<vmem>>
        %scatter3A_1293 = tpu.memref_squeeze %scatter3A_1292 : memref<1x2x8x8x133xf32, #tpu.memory_space<vmem>> -> memref<2x8x8x133xf32, #tpu.memory_space<vmem>>
        tpu.vector_store_idx %scatter3A_1293[%broadcast_in_dim3A_1231, %select_n3A_653, %select_n3A_678, %broadcast_in_dim3A_1248], %get3A_1287 : memref<2x8x8x133xf32, #tpu.memory_space<vmem>>[vector<16xi32>, vector<16xi32>, vector<16xi32>, vector<16xi32>], vector<16xf32>,
        %get3A_1294 = arith.constant 0 : i32
        %get3A_1295 = arith.constant 0 : i32
        %get3A_1296 = tpu.memref_slice %arg6[%select_n3A_460, %get3A_1294, %get3A_1295] : memref<3x256x64xf32, #tpu.memory_space<vmem>> -> memref<1x256x64xf32, #tpu.memory_space<vmem>>
        %get3A_1297 = tpu.memref_squeeze %get3A_1296 : memref<1x256x64xf32, #tpu.memory_space<vmem>> -> memref<256x64xf32, #tpu.memory_space<vmem>>
        %get3A_1298 = arith.constant 0 : i32
        %get3A_1299 = tpu.memref_slice %get3A_1297[%add3A_1206, %get3A_1298] : memref<256x64xf32, #tpu.memory_space<vmem>> -> memref<1x64xf32, #tpu.memory_space<vmem>>
        %get3A_1300 = tpu.memref_squeeze %get3A_1299 : memref<1x64xf32, #tpu.memory_space<vmem>> -> memref<64xf32, #tpu.memory_space<vmem>>
        %get3A_1301 = arith.constant 48 : index
        %get3A_1302 = tpu.vector_load %get3A_1300[%get3A_1301] {strides = array<i32>} : memref<64xf32, #tpu.memory_space<vmem>>, vector<16xf32>,
        %scatter3A_1303 = arith.constant 0 : i32
        %scatter3A_1304 = arith.constant 0 : i32
        %scatter3A_1305 = arith.constant 0 : i32
        %scatter3A_1306 = arith.constant 0 : i32
        %scatter3A_1307 = tpu.memref_slice %arg7[%select_n3A_476, %scatter3A_1303, %scatter3A_1304, %scatter3A_1305, %scatter3A_1306] : memref<2x2x8x8x133xf32, #tpu.memory_space<vmem>> -> memref<1x2x8x8x133xf32, #tpu.memory_space<vmem>>
        %scatter3A_1308 = tpu.memref_squeeze %scatter3A_1307 : memref<1x2x8x8x133xf32, #tpu.memory_space<vmem>> -> memref<2x8x8x133xf32, #tpu.memory_space<vmem>>
        tpu.vector_store_idx %scatter3A_1308[%broadcast_in_dim3A_1231, %select_n3A_712, %select_n3A_737, %broadcast_in_dim3A_1248], %get3A_1302 : memref<2x8x8x133xf32, #tpu.memory_space<vmem>>[vector<16xi32>, vector<16xi32>, vector<16xi32>, vector<16xi32>], vector<16xf32>,
        %mul3A_1309 = arith.constant 8 : i32
        %mul3A_1310 = arith.muli %scan3A_887, %mul3A_1309 : i32
        %add3A_1311 = arith.constant 4 : i32
        %add3A_1312 = arith.addi %mul3A_1310, %add3A_1311 : i32
        %jit3A_1313 = arith.constant 128 : i32
        %div3A_1314 = arith.divsi %add3A_1312, %jit3A_1313 : i32
        %sign3A_1315 = arith.constant 0 : i32
        %sign3A_1316 = arith.cmpi sgt, %add3A_1312, %sign3A_1315 : i32
        %sign3A_1317 = arith.extui %sign3A_1316 : i1 to i32
        %sign3A_1318 = arith.constant 0 : i32
        %sign3A_1319 = arith.cmpi slt, %add3A_1312, %sign3A_1318 : i32
        %sign3A_1320 = arith.extui %sign3A_1319 : i1 to i32
        %sign3A_1321 = arith.subi %sign3A_1317, %sign3A_1320 : i32
        %sign3A_1322 = arith.constant 0 : i32
        %sign3A_1323 = arith.cmpi sgt, %jit3A_1313, %sign3A_1322 : i32
        %sign3A_1324 = arith.extui %sign3A_1323 : i1 to i32
        %sign3A_1325 = arith.constant 0 : i32
        %sign3A_1326 = arith.cmpi slt, %jit3A_1313, %sign3A_1325 : i32
        %sign3A_1327 = arith.extui %sign3A_1326 : i1 to i32
        %sign3A_1328 = arith.subi %sign3A_1324, %sign3A_1327 : i32
        %ne3A_1329 = arith.cmpi ne, %sign3A_1321, %sign3A_1328 : i32
        %rem3A_1330 = arith.remsi %add3A_1312, %jit3A_1313 : i32
        %ne3A_1331 = arith.constant 0 : i32
        %ne3A_1332 = arith.cmpi ne, %rem3A_1330, %ne3A_1331 : i32
        %and3A_1333 = arith.andi %ne3A_1329, %ne3A_1332 : i1
        %sub3A_1334 = arith.constant 1 : i32
        %sub3A_1335 = arith.subi %div3A_1314, %sub3A_1334 : i32
        %select_n3A_1336 = arith.select %and3A_1333, %sub3A_1335, %div3A_1314 : i32
        %broadcast_in_dim3A_1337 = vector.broadcast %select_n3A_1336 : i32 to vector<16xi32>
        %jit3A_1338 = arith.constant 128 : i32
        %eq3A_1339 = arith.constant 0 : i32
        %eq3A_1340 = arith.cmpi eq, %jit3A_1338, %eq3A_1339 : i32
        %jit3A_1341 = arith.constant 1 : i32
        %select_n3A_1342 = arith.select %eq3A_1340, %jit3A_1341, %jit3A_1338 : i32
        %rem3A_1343 = arith.remsi %add3A_1312, %select_n3A_1342 : i32
        %ne3A_1344 = arith.constant 0 : i32
        %ne3A_1345 = arith.cmpi ne, %rem3A_1343, %ne3A_1344 : i32
        %lt3A_1346 = arith.constant 0 : i32
        %lt3A_1347 = arith.cmpi slt, %rem3A_1343, %lt3A_1346 : i32
        %lt3A_1348 = arith.constant 0 : i32
        %lt3A_1349 = arith.cmpi slt, %select_n3A_1342, %lt3A_1348 : i32
        %ne3A_1350 = arith.xori %lt3A_1347, %lt3A_1349 : i1
        %and3A_1351 = arith.andi %ne3A_1350, %ne3A_1345 : i1
        %add3A_1352 = arith.addi %rem3A_1343, %select_n3A_1342 : i32
        %select_n3A_1353 = arith.select %and3A_1351, %add3A_1352, %rem3A_1343 : i32
        %broadcast_in_dim3A_1354 = vector.broadcast %select_n3A_1353 : i32 to vector<16xi32>
        %get3A_1355 = arith.constant 0 : i32
        %get3A_1356 = arith.constant 0 : i32
        %get3A_1357 = tpu.memref_slice %arg6[%select_n3A_460, %get3A_1355, %get3A_1356] : memref<3x256x64xf32, #tpu.memory_space<vmem>> -> memref<1x256x64xf32, #tpu.memory_space<vmem>>
        %get3A_1358 = tpu.memref_squeeze %get3A_1357 : memref<1x256x64xf32, #tpu.memory_space<vmem>> -> memref<256x64xf32, #tpu.memory_space<vmem>>
        %get3A_1359 = arith.constant 0 : i32
        %get3A_1360 = tpu.memref_slice %get3A_1358[%add3A_1312, %get3A_1359] : memref<256x64xf32, #tpu.memory_space<vmem>> -> memref<1x64xf32, #tpu.memory_space<vmem>>
        %get3A_1361 = tpu.memref_squeeze %get3A_1360 : memref<1x64xf32, #tpu.memory_space<vmem>> -> memref<64xf32, #tpu.memory_space<vmem>>
        %get3A_1362 = arith.constant 0 : index
        %get3A_1363 = tpu.vector_load %get3A_1361[%get3A_1362] {strides = array<i32>} : memref<64xf32, #tpu.memory_space<vmem>>, vector<16xf32>,
        %scatter3A_1364 = arith.constant 0 : i32
        %scatter3A_1365 = arith.constant 0 : i32
        %scatter3A_1366 = arith.constant 0 : i32
        %scatter3A_1367 = arith.constant 0 : i32
        %scatter3A_1368 = tpu.memref_slice %arg7[%select_n3A_476, %scatter3A_1364, %scatter3A_1365, %scatter3A_1366, %scatter3A_1367] : memref<2x2x8x8x133xf32, #tpu.memory_space<vmem>> -> memref<1x2x8x8x133xf32, #tpu.memory_space<vmem>>
        %scatter3A_1369 = tpu.memref_squeeze %scatter3A_1368 : memref<1x2x8x8x133xf32, #tpu.memory_space<vmem>> -> memref<2x8x8x133xf32, #tpu.memory_space<vmem>>
        tpu.vector_store_idx %scatter3A_1369[%broadcast_in_dim3A_1337, %select_n3A_535, %select_n3A_560, %broadcast_in_dim3A_1354], %get3A_1363 : memref<2x8x8x133xf32, #tpu.memory_space<vmem>>[vector<16xi32>, vector<16xi32>, vector<16xi32>, vector<16xi32>], vector<16xf32>,
        %get3A_1370 = arith.constant 0 : i32
        %get3A_1371 = arith.constant 0 : i32
        %get3A_1372 = tpu.memref_slice %arg6[%select_n3A_460, %get3A_1370, %get3A_1371] : memref<3x256x64xf32, #tpu.memory_space<vmem>> -> memref<1x256x64xf32, #tpu.memory_space<vmem>>
        %get3A_1373 = tpu.memref_squeeze %get3A_1372 : memref<1x256x64xf32, #tpu.memory_space<vmem>> -> memref<256x64xf32, #tpu.memory_space<vmem>>
        %get3A_1374 = arith.constant 0 : i32
        %get3A_1375 = tpu.memref_slice %get3A_1373[%add3A_1312, %get3A_1374] : memref<256x64xf32, #tpu.memory_space<vmem>> -> memref<1x64xf32, #tpu.memory_space<vmem>>
        %get3A_1376 = tpu.memref_squeeze %get3A_1375 : memref<1x64xf32, #tpu.memory_space<vmem>> -> memref<64xf32, #tpu.memory_space<vmem>>
        %get3A_1377 = arith.constant 16 : index
        %get3A_1378 = tpu.vector_load %get3A_1376[%get3A_1377] {strides = array<i32>} : memref<64xf32, #tpu.memory_space<vmem>>, vector<16xf32>,
        %scatter3A_1379 = arith.constant 0 : i32
        %scatter3A_1380 = arith.constant 0 : i32
        %scatter3A_1381 = arith.constant 0 : i32
        %scatter3A_1382 = arith.constant 0 : i32
        %scatter3A_1383 = tpu.memref_slice %arg7[%select_n3A_476, %scatter3A_1379, %scatter3A_1380, %scatter3A_1381, %scatter3A_1382] : memref<2x2x8x8x133xf32, #tpu.memory_space<vmem>> -> memref<1x2x8x8x133xf32, #tpu.memory_space<vmem>>
        %scatter3A_1384 = tpu.memref_squeeze %scatter3A_1383 : memref<1x2x8x8x133xf32, #tpu.memory_space<vmem>> -> memref<2x8x8x133xf32, #tpu.memory_space<vmem>>
        tpu.vector_store_idx %scatter3A_1384[%broadcast_in_dim3A_1337, %select_n3A_594, %select_n3A_619, %broadcast_in_dim3A_1354], %get3A_1378 : memref<2x8x8x133xf32, #tpu.memory_space<vmem>>[vector<16xi32>, vector<16xi32>, vector<16xi32>, vector<16xi32>], vector<16xf32>,
        %get3A_1385 = arith.constant 0 : i32
        %get3A_1386 = arith.constant 0 : i32
        %get3A_1387 = tpu.memref_slice %arg6[%select_n3A_460, %get3A_1385, %get3A_1386] : memref<3x256x64xf32, #tpu.memory_space<vmem>> -> memref<1x256x64xf32, #tpu.memory_space<vmem>>
        %get3A_1388 = tpu.memref_squeeze %get3A_1387 : memref<1x256x64xf32, #tpu.memory_space<vmem>> -> memref<256x64xf32, #tpu.memory_space<vmem>>
        %get3A_1389 = arith.constant 0 : i32
        %get3A_1390 = tpu.memref_slice %get3A_1388[%add3A_1312, %get3A_1389] : memref<256x64xf32, #tpu.memory_space<vmem>> -> memref<1x64xf32, #tpu.memory_space<vmem>>
        %get3A_1391 = tpu.memref_squeeze %get3A_1390 : memref<1x64xf32, #tpu.memory_space<vmem>> -> memref<64xf32, #tpu.memory_space<vmem>>
        %get3A_1392 = arith.constant 32 : index
        %get3A_1393 = tpu.vector_load %get3A_1391[%get3A_1392] {strides = array<i32>} : memref<64xf32, #tpu.memory_space<vmem>>, vector<16xf32>,
        %scatter3A_1394 = arith.constant 0 : i32
        %scatter3A_1395 = arith.constant 0 : i32
        %scatter3A_1396 = arith.constant 0 : i32
        %scatter3A_1397 = arith.constant 0 : i32
        %scatter3A_1398 = tpu.memref_slice %arg7[%select_n3A_476, %scatter3A_1394, %scatter3A_1395, %scatter3A_1396, %scatter3A_1397] : memref<2x2x8x8x133xf32, #tpu.memory_space<vmem>> -> memref<1x2x8x8x133xf32, #tpu.memory_space<vmem>>
        %scatter3A_1399 = tpu.memref_squeeze %scatter3A_1398 : memref<1x2x8x8x133xf32, #tpu.memory_space<vmem>> -> memref<2x8x8x133xf32, #tpu.memory_space<vmem>>
        tpu.vector_store_idx %scatter3A_1399[%broadcast_in_dim3A_1337, %select_n3A_653, %select_n3A_678, %broadcast_in_dim3A_1354], %get3A_1393 : memref<2x8x8x133xf32, #tpu.memory_space<vmem>>[vector<16xi32>, vector<16xi32>, vector<16xi32>, vector<16xi32>], vector<16xf32>,
        %get3A_1400 = arith.constant 0 : i32
        %get3A_1401 = arith.constant 0 : i32
        %get3A_1402 = tpu.memref_slice %arg6[%select_n3A_460, %get3A_1400, %get3A_1401] : memref<3x256x64xf32, #tpu.memory_space<vmem>> -> memref<1x256x64xf32, #tpu.memory_space<vmem>>
        %get3A_1403 = tpu.memref_squeeze %get3A_1402 : memref<1x256x64xf32, #tpu.memory_space<vmem>> -> memref<256x64xf32, #tpu.memory_space<vmem>>
        %get3A_1404 = arith.constant 0 : i32
        %get3A_1405 = tpu.memref_slice %get3A_1403[%add3A_1312, %get3A_1404] : memref<256x64xf32, #tpu.memory_space<vmem>> -> memref<1x64xf32, #tpu.memory_space<vmem>>
        %get3A_1406 = tpu.memref_squeeze %get3A_1405 : memref<1x64xf32, #tpu.memory_space<vmem>> -> memref<64xf32, #tpu.memory_space<vmem>>
        %get3A_1407 = arith.constant 48 : index
        %get3A_1408 = tpu.vector_load %get3A_1406[%get3A_1407] {strides = array<i32>} : memref<64xf32, #tpu.memory_space<vmem>>, vector<16xf32>,
        %scatter3A_1409 = arith.constant 0 : i32
        %scatter3A_1410 = arith.constant 0 : i32
        %scatter3A_1411 = arith.constant 0 : i32
        %scatter3A_1412 = arith.constant 0 : i32
        %scatter3A_1413 = tpu.memref_slice %arg7[%select_n3A_476, %scatter3A_1409, %scatter3A_1410, %scatter3A_1411, %scatter3A_1412] : memref<2x2x8x8x133xf32, #tpu.memory_space<vmem>> -> memref<1x2x8x8x133xf32, #tpu.memory_space<vmem>>
        %scatter3A_1414 = tpu.memref_squeeze %scatter3A_1413 : memref<1x2x8x8x133xf32, #tpu.memory_space<vmem>> -> memref<2x8x8x133xf32, #tpu.memory_space<vmem>>
        tpu.vector_store_idx %scatter3A_1414[%broadcast_in_dim3A_1337, %select_n3A_712, %select_n3A_737, %broadcast_in_dim3A_1354], %get3A_1408 : memref<2x8x8x133xf32, #tpu.memory_space<vmem>>[vector<16xi32>, vector<16xi32>, vector<16xi32>, vector<16xi32>], vector<16xf32>,
        %mul3A_1415 = arith.constant 8 : i32
        %mul3A_1416 = arith.muli %scan3A_887, %mul3A_1415 : i32
        %add3A_1417 = arith.constant 5 : i32
        %add3A_1418 = arith.addi %mul3A_1416, %add3A_1417 : i32
        %jit3A_1419 = arith.constant 128 : i32
        %div3A_1420 = arith.divsi %add3A_1418, %jit3A_1419 : i32
        %sign3A_1421 = arith.constant 0 : i32
        %sign3A_1422 = arith.cmpi sgt, %add3A_1418, %sign3A_1421 : i32
        %sign3A_1423 = arith.extui %sign3A_1422 : i1 to i32
        %sign3A_1424 = arith.constant 0 : i32
        %sign3A_1425 = arith.cmpi slt, %add3A_1418, %sign3A_1424 : i32
        %sign3A_1426 = arith.extui %sign3A_1425 : i1 to i32
        %sign3A_1427 = arith.subi %sign3A_1423, %sign3A_1426 : i32
        %sign3A_1428 = arith.constant 0 : i32
        %sign3A_1429 = arith.cmpi sgt, %jit3A_1419, %sign3A_1428 : i32
        %sign3A_1430 = arith.extui %sign3A_1429 : i1 to i32
        %sign3A_1431 = arith.constant 0 : i32
        %sign3A_1432 = arith.cmpi slt, %jit3A_1419, %sign3A_1431 : i32
        %sign3A_1433 = arith.extui %sign3A_1432 : i1 to i32
        %sign3A_1434 = arith.subi %sign3A_1430, %sign3A_1433 : i32
        %ne3A_1435 = arith.cmpi ne, %sign3A_1427, %sign3A_1434 : i32
        %rem3A_1436 = arith.remsi %add3A_1418, %jit3A_1419 : i32
        %ne3A_1437 = arith.constant 0 : i32
        %ne3A_1438 = arith.cmpi ne, %rem3A_1436, %ne3A_1437 : i32
        %and3A_1439 = arith.andi %ne3A_1435, %ne3A_1438 : i1
        %sub3A_1440 = arith.constant 1 : i32
        %sub3A_1441 = arith.subi %div3A_1420, %sub3A_1440 : i32
        %select_n3A_1442 = arith.select %and3A_1439, %sub3A_1441, %div3A_1420 : i32
        %broadcast_in_dim3A_1443 = vector.broadcast %select_n3A_1442 : i32 to vector<16xi32>
        %jit3A_1444 = arith.constant 128 : i32
        %eq3A_1445 = arith.constant 0 : i32
        %eq3A_1446 = arith.cmpi eq, %jit3A_1444, %eq3A_1445 : i32
        %jit3A_1447 = arith.constant 1 : i32
        %select_n3A_1448 = arith.select %eq3A_1446, %jit3A_1447, %jit3A_1444 : i32
        %rem3A_1449 = arith.remsi %add3A_1418, %select_n3A_1448 : i32
        %ne3A_1450 = arith.constant 0 : i32
        %ne3A_1451 = arith.cmpi ne, %rem3A_1449, %ne3A_1450 : i32
        %lt3A_1452 = arith.constant 0 : i32
        %lt3A_1453 = arith.cmpi slt, %rem3A_1449, %lt3A_1452 : i32
        %lt3A_1454 = arith.constant 0 : i32
        %lt3A_1455 = arith.cmpi slt, %select_n3A_1448, %lt3A_1454 : i32
        %ne3A_1456 = arith.xori %lt3A_1453, %lt3A_1455 : i1
        %and3A_1457 = arith.andi %ne3A_1456, %ne3A_1451 : i1
        %add3A_1458 = arith.addi %rem3A_1449, %select_n3A_1448 : i32
        %select_n3A_1459 = arith.select %and3A_1457, %add3A_1458, %rem3A_1449 : i32
        %broadcast_in_dim3A_1460 = vector.broadcast %select_n3A_1459 : i32 to vector<16xi32>
        %get3A_1461 = arith.constant 0 : i32
        %get3A_1462 = arith.constant 0 : i32
        %get3A_1463 = tpu.memref_slice %arg6[%select_n3A_460, %get3A_1461, %get3A_1462] : memref<3x256x64xf32, #tpu.memory_space<vmem>> -> memref<1x256x64xf32, #tpu.memory_space<vmem>>
        %get3A_1464 = tpu.memref_squeeze %get3A_1463 : memref<1x256x64xf32, #tpu.memory_space<vmem>> -> memref<256x64xf32, #tpu.memory_space<vmem>>
        %get3A_1465 = arith.constant 0 : i32
        %get3A_1466 = tpu.memref_slice %get3A_1464[%add3A_1418, %get3A_1465] : memref<256x64xf32, #tpu.memory_space<vmem>> -> memref<1x64xf32, #tpu.memory_space<vmem>>
        %get3A_1467 = tpu.memref_squeeze %get3A_1466 : memref<1x64xf32, #tpu.memory_space<vmem>> -> memref<64xf32, #tpu.memory_space<vmem>>
        %get3A_1468 = arith.constant 0 : index
        %get3A_1469 = tpu.vector_load %get3A_1467[%get3A_1468] {strides = array<i32>} : memref<64xf32, #tpu.memory_space<vmem>>, vector<16xf32>,
        %scatter3A_1470 = arith.constant 0 : i32
        %scatter3A_1471 = arith.constant 0 : i32
        %scatter3A_1472 = arith.constant 0 : i32
        %scatter3A_1473 = arith.constant 0 : i32
        %scatter3A_1474 = tpu.memref_slice %arg7[%select_n3A_476, %scatter3A_1470, %scatter3A_1471, %scatter3A_1472, %scatter3A_1473] : memref<2x2x8x8x133xf32, #tpu.memory_space<vmem>> -> memref<1x2x8x8x133xf32, #tpu.memory_space<vmem>>
        %scatter3A_1475 = tpu.memref_squeeze %scatter3A_1474 : memref<1x2x8x8x133xf32, #tpu.memory_space<vmem>> -> memref<2x8x8x133xf32, #tpu.memory_space<vmem>>
        tpu.vector_store_idx %scatter3A_1475[%broadcast_in_dim3A_1443, %select_n3A_535, %select_n3A_560, %broadcast_in_dim3A_1460], %get3A_1469 : memref<2x8x8x133xf32, #tpu.memory_space<vmem>>[vector<16xi32>, vector<16xi32>, vector<16xi32>, vector<16xi32>], vector<16xf32>,
        %get3A_1476 = arith.constant 0 : i32
        %get3A_1477 = arith.constant 0 : i32
        %get3A_1478 = tpu.memref_slice %arg6[%select_n3A_460, %get3A_1476, %get3A_1477] : memref<3x256x64xf32, #tpu.memory_space<vmem>> -> memref<1x256x64xf32, #tpu.memory_space<vmem>>
        %get3A_1479 = tpu.memref_squeeze %get3A_1478 : memref<1x256x64xf32, #tpu.memory_space<vmem>> -> memref<256x64xf32, #tpu.memory_space<vmem>>
        %get3A_1480 = arith.constant 0 : i32
        %get3A_1481 = tpu.memref_slice %get3A_1479[%add3A_1418, %get3A_1480] : memref<256x64xf32, #tpu.memory_space<vmem>> -> memref<1x64xf32, #tpu.memory_space<vmem>>
        %get3A_1482 = tpu.memref_squeeze %get3A_1481 : memref<1x64xf32, #tpu.memory_space<vmem>> -> memref<64xf32, #tpu.memory_space<vmem>>
        %get3A_1483 = arith.constant 16 : index
        %get3A_1484 = tpu.vector_load %get3A_1482[%get3A_1483] {strides = array<i32>} : memref<64xf32, #tpu.memory_space<vmem>>, vector<16xf32>,
        %scatter3A_1485 = arith.constant 0 : i32
        %scatter3A_1486 = arith.constant 0 : i32
        %scatter3A_1487 = arith.constant 0 : i32
        %scatter3A_1488 = arith.constant 0 : i32
        %scatter3A_1489 = tpu.memref_slice %arg7[%select_n3A_476, %scatter3A_1485, %scatter3A_1486, %scatter3A_1487, %scatter3A_1488] : memref<2x2x8x8x133xf32, #tpu.memory_space<vmem>> -> memref<1x2x8x8x133xf32, #tpu.memory_space<vmem>>
        %scatter3A_1490 = tpu.memref_squeeze %scatter3A_1489 : memref<1x2x8x8x133xf32, #tpu.memory_space<vmem>> -> memref<2x8x8x133xf32, #tpu.memory_space<vmem>>
        tpu.vector_store_idx %scatter3A_1490[%broadcast_in_dim3A_1443, %select_n3A_594, %select_n3A_619, %broadcast_in_dim3A_1460], %get3A_1484 : memref<2x8x8x133xf32, #tpu.memory_space<vmem>>[vector<16xi32>, vector<16xi32>, vector<16xi32>, vector<16xi32>], vector<16xf32>,
        %get3A_1491 = arith.constant 0 : i32
        %get3A_1492 = arith.constant 0 : i32
        %get3A_1493 = tpu.memref_slice %arg6[%select_n3A_460, %get3A_1491, %get3A_1492] : memref<3x256x64xf32, #tpu.memory_space<vmem>> -> memref<1x256x64xf32, #tpu.memory_space<vmem>>
        %get3A_1494 = tpu.memref_squeeze %get3A_1493 : memref<1x256x64xf32, #tpu.memory_space<vmem>> -> memref<256x64xf32, #tpu.memory_space<vmem>>
        %get3A_1495 = arith.constant 0 : i32
        %get3A_1496 = tpu.memref_slice %get3A_1494[%add3A_1418, %get3A_1495] : memref<256x64xf32, #tpu.memory_space<vmem>> -> memref<1x64xf32, #tpu.memory_space<vmem>>
        %get3A_1497 = tpu.memref_squeeze %get3A_1496 : memref<1x64xf32, #tpu.memory_space<vmem>> -> memref<64xf32, #tpu.memory_space<vmem>>
        %get3A_1498 = arith.constant 32 : index
        %get3A_1499 = tpu.vector_load %get3A_1497[%get3A_1498] {strides = array<i32>} : memref<64xf32, #tpu.memory_space<vmem>>, vector<16xf32>,
        %scatter3A_1500 = arith.constant 0 : i32
        %scatter3A_1501 = arith.constant 0 : i32
        %scatter3A_1502 = arith.constant 0 : i32
        %scatter3A_1503 = arith.constant 0 : i32
        %scatter3A_1504 = tpu.memref_slice %arg7[%select_n3A_476, %scatter3A_1500, %scatter3A_1501, %scatter3A_1502, %scatter3A_1503] : memref<2x2x8x8x133xf32, #tpu.memory_space<vmem>> -> memref<1x2x8x8x133xf32, #tpu.memory_space<vmem>>
        %scatter3A_1505 = tpu.memref_squeeze %scatter3A_1504 : memref<1x2x8x8x133xf32, #tpu.memory_space<vmem>> -> memref<2x8x8x133xf32, #tpu.memory_space<vmem>>
        tpu.vector_store_idx %scatter3A_1505[%broadcast_in_dim3A_1443, %select_n3A_653, %select_n3A_678, %broadcast_in_dim3A_1460], %get3A_1499 : memref<2x8x8x133xf32, #tpu.memory_space<vmem>>[vector<16xi32>, vector<16xi32>, vector<16xi32>, vector<16xi32>], vector<16xf32>,
        %get3A_1506 = arith.constant 0 : i32
        %get3A_1507 = arith.constant 0 : i32
        %get3A_1508 = tpu.memref_slice %arg6[%select_n3A_460, %get3A_1506, %get3A_1507] : memref<3x256x64xf32, #tpu.memory_space<vmem>> -> memref<1x256x64xf32, #tpu.memory_space<vmem>>
        %get3A_1509 = tpu.memref_squeeze %get3A_1508 : memref<1x256x64xf32, #tpu.memory_space<vmem>> -> memref<256x64xf32, #tpu.memory_space<vmem>>
        %get3A_1510 = arith.constant 0 : i32
        %get3A_1511 = tpu.memref_slice %get3A_1509[%add3A_1418, %get3A_1510] : memref<256x64xf32, #tpu.memory_space<vmem>> -> memref<1x64xf32, #tpu.memory_space<vmem>>
        %get3A_1512 = tpu.memref_squeeze %get3A_1511 : memref<1x64xf32, #tpu.memory_space<vmem>> -> memref<64xf32, #tpu.memory_space<vmem>>
        %get3A_1513 = arith.constant 48 : index
        %get3A_1514 = tpu.vector_load %get3A_1512[%get3A_1513] {strides = array<i32>} : memref<64xf32, #tpu.memory_space<vmem>>, vector<16xf32>,
        %scatter3A_1515 = arith.constant 0 : i32
        %scatter3A_1516 = arith.constant 0 : i32
        %scatter3A_1517 = arith.constant 0 : i32
        %scatter3A_1518 = arith.constant 0 : i32
        %scatter3A_1519 = tpu.memref_slice %arg7[%select_n3A_476, %scatter3A_1515, %scatter3A_1516, %scatter3A_1517, %scatter3A_1518] : memref<2x2x8x8x133xf32, #tpu.memory_space<vmem>> -> memref<1x2x8x8x133xf32, #tpu.memory_space<vmem>>
        %scatter3A_1520 = tpu.memref_squeeze %scatter3A_1519 : memref<1x2x8x8x133xf32, #tpu.memory_space<vmem>> -> memref<2x8x8x133xf32, #tpu.memory_space<vmem>>
        tpu.vector_store_idx %scatter3A_1520[%broadcast_in_dim3A_1443, %select_n3A_712, %select_n3A_737, %broadcast_in_dim3A_1460], %get3A_1514 : memref<2x8x8x133xf32, #tpu.memory_space<vmem>>[vector<16xi32>, vector<16xi32>, vector<16xi32>, vector<16xi32>], vector<16xf32>,
        %mul3A_1521 = arith.constant 8 : i32
        %mul3A_1522 = arith.muli %scan3A_887, %mul3A_1521 : i32
        %add3A_1523 = arith.constant 6 : i32
        %add3A_1524 = arith.addi %mul3A_1522, %add3A_1523 : i32
        %jit3A_1525 = arith.constant 128 : i32
        %div3A_1526 = arith.divsi %add3A_1524, %jit3A_1525 : i32
        %sign3A_1527 = arith.constant 0 : i32
        %sign3A_1528 = arith.cmpi sgt, %add3A_1524, %sign3A_1527 : i32
        %sign3A_1529 = arith.extui %sign3A_1528 : i1 to i32
        %sign3A_1530 = arith.constant 0 : i32
        %sign3A_1531 = arith.cmpi slt, %add3A_1524, %sign3A_1530 : i32
        %sign3A_1532 = arith.extui %sign3A_1531 : i1 to i32
        %sign3A_1533 = arith.subi %sign3A_1529, %sign3A_1532 : i32
        %sign3A_1534 = arith.constant 0 : i32
        %sign3A_1535 = arith.cmpi sgt, %jit3A_1525, %sign3A_1534 : i32
        %sign3A_1536 = arith.extui %sign3A_1535 : i1 to i32
        %sign3A_1537 = arith.constant 0 : i32
        %sign3A_1538 = arith.cmpi slt, %jit3A_1525, %sign3A_1537 : i32
        %sign3A_1539 = arith.extui %sign3A_1538 : i1 to i32
        %sign3A_1540 = arith.subi %sign3A_1536, %sign3A_1539 : i32
        %ne3A_1541 = arith.cmpi ne, %sign3A_1533, %sign3A_1540 : i32
        %rem3A_1542 = arith.remsi %add3A_1524, %jit3A_1525 : i32
        %ne3A_1543 = arith.constant 0 : i32
        %ne3A_1544 = arith.cmpi ne, %rem3A_1542, %ne3A_1543 : i32
        %and3A_1545 = arith.andi %ne3A_1541, %ne3A_1544 : i1
        %sub3A_1546 = arith.constant 1 : i32
        %sub3A_1547 = arith.subi %div3A_1526, %sub3A_1546 : i32
        %select_n3A_1548 = arith.select %and3A_1545, %sub3A_1547, %div3A_1526 : i32
        %broadcast_in_dim3A_1549 = vector.broadcast %select_n3A_1548 : i32 to vector<16xi32>
        %jit3A_1550 = arith.constant 128 : i32
        %eq3A_1551 = arith.constant 0 : i32
        %eq3A_1552 = arith.cmpi eq, %jit3A_1550, %eq3A_1551 : i32
        %jit3A_1553 = arith.constant 1 : i32
        %select_n3A_1554 = arith.select %eq3A_1552, %jit3A_1553, %jit3A_1550 : i32
        %rem3A_1555 = arith.remsi %add3A_1524, %select_n3A_1554 : i32
        %ne3A_1556 = arith.constant 0 : i32
        %ne3A_1557 = arith.cmpi ne, %rem3A_1555, %ne3A_1556 : i32
        %lt3A_1558 = arith.constant 0 : i32
        %lt3A_1559 = arith.cmpi slt, %rem3A_1555, %lt3A_1558 : i32
        %lt3A_1560 = arith.constant 0 : i32
        %lt3A_1561 = arith.cmpi slt, %select_n3A_1554, %lt3A_1560 : i32
        %ne3A_1562 = arith.xori %lt3A_1559, %lt3A_1561 : i1
        %and3A_1563 = arith.andi %ne3A_1562, %ne3A_1557 : i1
        %add3A_1564 = arith.addi %rem3A_1555, %select_n3A_1554 : i32
        %select_n3A_1565 = arith.select %and3A_1563, %add3A_1564, %rem3A_1555 : i32
        %broadcast_in_dim3A_1566 = vector.broadcast %select_n3A_1565 : i32 to vector<16xi32>
        %get3A_1567 = arith.constant 0 : i32
        %get3A_1568 = arith.constant 0 : i32
        %get3A_1569 = tpu.memref_slice %arg6[%select_n3A_460, %get3A_1567, %get3A_1568] : memref<3x256x64xf32, #tpu.memory_space<vmem>> -> memref<1x256x64xf32, #tpu.memory_space<vmem>>
        %get3A_1570 = tpu.memref_squeeze %get3A_1569 : memref<1x256x64xf32, #tpu.memory_space<vmem>> -> memref<256x64xf32, #tpu.memory_space<vmem>>
        %get3A_1571 = arith.constant 0 : i32
        %get3A_1572 = tpu.memref_slice %get3A_1570[%add3A_1524, %get3A_1571] : memref<256x64xf32, #tpu.memory_space<vmem>> -> memref<1x64xf32, #tpu.memory_space<vmem>>
        %get3A_1573 = tpu.memref_squeeze %get3A_1572 : memref<1x64xf32, #tpu.memory_space<vmem>> -> memref<64xf32, #tpu.memory_space<vmem>>
        %get3A_1574 = arith.constant 0 : index
        %get3A_1575 = tpu.vector_load %get3A_1573[%get3A_1574] {strides = array<i32>} : memref<64xf32, #tpu.memory_space<vmem>>, vector<16xf32>,
        %scatter3A_1576 = arith.constant 0 : i32
        %scatter3A_1577 = arith.constant 0 : i32
        %scatter3A_1578 = arith.constant 0 : i32
        %scatter3A_1579 = arith.constant 0 : i32
        %scatter3A_1580 = tpu.memref_slice %arg7[%select_n3A_476, %scatter3A_1576, %scatter3A_1577, %scatter3A_1578, %scatter3A_1579] : memref<2x2x8x8x133xf32, #tpu.memory_space<vmem>> -> memref<1x2x8x8x133xf32, #tpu.memory_space<vmem>>
        %scatter3A_1581 = tpu.memref_squeeze %scatter3A_1580 : memref<1x2x8x8x133xf32, #tpu.memory_space<vmem>> -> memref<2x8x8x133xf32, #tpu.memory_space<vmem>>
        tpu.vector_store_idx %scatter3A_1581[%broadcast_in_dim3A_1549, %select_n3A_535, %select_n3A_560, %broadcast_in_dim3A_1566], %get3A_1575 : memref<2x8x8x133xf32, #tpu.memory_space<vmem>>[vector<16xi32>, vector<16xi32>, vector<16xi32>, vector<16xi32>], vector<16xf32>,
        %get3A_1582 = arith.constant 0 : i32
        %get3A_1583 = arith.constant 0 : i32
        %get3A_1584 = tpu.memref_slice %arg6[%select_n3A_460, %get3A_1582, %get3A_1583] : memref<3x256x64xf32, #tpu.memory_space<vmem>> -> memref<1x256x64xf32, #tpu.memory_space<vmem>>
        %get3A_1585 = tpu.memref_squeeze %get3A_1584 : memref<1x256x64xf32, #tpu.memory_space<vmem>> -> memref<256x64xf32, #tpu.memory_space<vmem>>
        %get3A_1586 = arith.constant 0 : i32
        %get3A_1587 = tpu.memref_slice %get3A_1585[%add3A_1524, %get3A_1586] : memref<256x64xf32, #tpu.memory_space<vmem>> -> memref<1x64xf32, #tpu.memory_space<vmem>>
        %get3A_1588 = tpu.memref_squeeze %get3A_1587 : memref<1x64xf32, #tpu.memory_space<vmem>> -> memref<64xf32, #tpu.memory_space<vmem>>
        %get3A_1589 = arith.constant 16 : index
        %get3A_1590 = tpu.vector_load %get3A_1588[%get3A_1589] {strides = array<i32>} : memref<64xf32, #tpu.memory_space<vmem>>, vector<16xf32>,
        %scatter3A_1591 = arith.constant 0 : i32
        %scatter3A_1592 = arith.constant 0 : i32
        %scatter3A_1593 = arith.constant 0 : i32
        %scatter3A_1594 = arith.constant 0 : i32
        %scatter3A_1595 = tpu.memref_slice %arg7[%select_n3A_476, %scatter3A_1591, %scatter3A_1592, %scatter3A_1593, %scatter3A_1594] : memref<2x2x8x8x133xf32, #tpu.memory_space<vmem>> -> memref<1x2x8x8x133xf32, #tpu.memory_space<vmem>>
        %scatter3A_1596 = tpu.memref_squeeze %scatter3A_1595 : memref<1x2x8x8x133xf32, #tpu.memory_space<vmem>> -> memref<2x8x8x133xf32, #tpu.memory_space<vmem>>
        tpu.vector_store_idx %scatter3A_1596[%broadcast_in_dim3A_1549, %select_n3A_594, %select_n3A_619, %broadcast_in_dim3A_1566], %get3A_1590 : memref<2x8x8x133xf32, #tpu.memory_space<vmem>>[vector<16xi32>, vector<16xi32>, vector<16xi32>, vector<16xi32>], vector<16xf32>,
        %get3A_1597 = arith.constant 0 : i32
        %get3A_1598 = arith.constant 0 : i32
        %get3A_1599 = tpu.memref_slice %arg6[%select_n3A_460, %get3A_1597, %get3A_1598] : memref<3x256x64xf32, #tpu.memory_space<vmem>> -> memref<1x256x64xf32, #tpu.memory_space<vmem>>
        %get3A_1600 = tpu.memref_squeeze %get3A_1599 : memref<1x256x64xf32, #tpu.memory_space<vmem>> -> memref<256x64xf32, #tpu.memory_space<vmem>>
        %get3A_1601 = arith.constant 0 : i32
        %get3A_1602 = tpu.memref_slice %get3A_1600[%add3A_1524, %get3A_1601] : memref<256x64xf32, #tpu.memory_space<vmem>> -> memref<1x64xf32, #tpu.memory_space<vmem>>
        %get3A_1603 = tpu.memref_squeeze %get3A_1602 : memref<1x64xf32, #tpu.memory_space<vmem>> -> memref<64xf32, #tpu.memory_space<vmem>>
        %get3A_1604 = arith.constant 32 : index
        %get3A_1605 = tpu.vector_load %get3A_1603[%get3A_1604] {strides = array<i32>} : memref<64xf32, #tpu.memory_space<vmem>>, vector<16xf32>,
        %scatter3A_1606 = arith.constant 0 : i32
        %scatter3A_1607 = arith.constant 0 : i32
        %scatter3A_1608 = arith.constant 0 : i32
        %scatter3A_1609 = arith.constant 0 : i32
        %scatter3A_1610 = tpu.memref_slice %arg7[%select_n3A_476, %scatter3A_1606, %scatter3A_1607, %scatter3A_1608, %scatter3A_1609] : memref<2x2x8x8x133xf32, #tpu.memory_space<vmem>> -> memref<1x2x8x8x133xf32, #tpu.memory_space<vmem>>
        %scatter3A_1611 = tpu.memref_squeeze %scatter3A_1610 : memref<1x2x8x8x133xf32, #tpu.memory_space<vmem>> -> memref<2x8x8x133xf32, #tpu.memory_space<vmem>>
        tpu.vector_store_idx %scatter3A_1611[%broadcast_in_dim3A_1549, %select_n3A_653, %select_n3A_678, %broadcast_in_dim3A_1566], %get3A_1605 : memref<2x8x8x133xf32, #tpu.memory_space<vmem>>[vector<16xi32>, vector<16xi32>, vector<16xi32>, vector<16xi32>], vector<16xf32>,
        %get3A_1612 = arith.constant 0 : i32
        %get3A_1613 = arith.constant 0 : i32
        %get3A_1614 = tpu.memref_slice %arg6[%select_n3A_460, %get3A_1612, %get3A_1613] : memref<3x256x64xf32, #tpu.memory_space<vmem>> -> memref<1x256x64xf32, #tpu.memory_space<vmem>>
        %get3A_1615 = tpu.memref_squeeze %get3A_1614 : memref<1x256x64xf32, #tpu.memory_space<vmem>> -> memref<256x64xf32, #tpu.memory_space<vmem>>
        %get3A_1616 = arith.constant 0 : i32
        %get3A_1617 = tpu.memref_slice %get3A_1615[%add3A_1524, %get3A_1616] : memref<256x64xf32, #tpu.memory_space<vmem>> -> memref<1x64xf32, #tpu.memory_space<vmem>>
        %get3A_1618 = tpu.memref_squeeze %get3A_1617 : memref<1x64xf32, #tpu.memory_space<vmem>> -> memref<64xf32, #tpu.memory_space<vmem>>
        %get3A_1619 = arith.constant 48 : index
        %get3A_1620 = tpu.vector_load %get3A_1618[%get3A_1619] {strides = array<i32>} : memref<64xf32, #tpu.memory_space<vmem>>, vector<16xf32>,
        %scatter3A_1621 = arith.constant 0 : i32
        %scatter3A_1622 = arith.constant 0 : i32
        %scatter3A_1623 = arith.constant 0 : i32
        %scatter3A_1624 = arith.constant 0 : i32
        %scatter3A_1625 = tpu.memref_slice %arg7[%select_n3A_476, %scatter3A_1621, %scatter3A_1622, %scatter3A_1623, %scatter3A_1624] : memref<2x2x8x8x133xf32, #tpu.memory_space<vmem>> -> memref<1x2x8x8x133xf32, #tpu.memory_space<vmem>>
        %scatter3A_1626 = tpu.memref_squeeze %scatter3A_1625 : memref<1x2x8x8x133xf32, #tpu.memory_space<vmem>> -> memref<2x8x8x133xf32, #tpu.memory_space<vmem>>
        tpu.vector_store_idx %scatter3A_1626[%broadcast_in_dim3A_1549, %select_n3A_712, %select_n3A_737, %broadcast_in_dim3A_1566], %get3A_1620 : memref<2x8x8x133xf32, #tpu.memory_space<vmem>>[vector<16xi32>, vector<16xi32>, vector<16xi32>, vector<16xi32>], vector<16xf32>,
        %mul3A_1627 = arith.constant 8 : i32
        %mul3A_1628 = arith.muli %scan3A_887, %mul3A_1627 : i32
        %add3A_1629 = arith.constant 7 : i32
        %add3A_1630 = arith.addi %mul3A_1628, %add3A_1629 : i32
        %jit3A_1631 = arith.constant 128 : i32
        %div3A_1632 = arith.divsi %add3A_1630, %jit3A_1631 : i32
        %sign3A_1633 = arith.constant 0 : i32
        %sign3A_1634 = arith.cmpi sgt, %add3A_1630, %sign3A_1633 : i32
        %sign3A_1635 = arith.extui %sign3A_1634 : i1 to i32
        %sign3A_1636 = arith.constant 0 : i32
        %sign3A_1637 = arith.cmpi slt, %add3A_1630, %sign3A_1636 : i32
        %sign3A_1638 = arith.extui %sign3A_1637 : i1 to i32
        %sign3A_1639 = arith.subi %sign3A_1635, %sign3A_1638 : i32
        %sign3A_1640 = arith.constant 0 : i32
        %sign3A_1641 = arith.cmpi sgt, %jit3A_1631, %sign3A_1640 : i32
        %sign3A_1642 = arith.extui %sign3A_1641 : i1 to i32
        %sign3A_1643 = arith.constant 0 : i32
        %sign3A_1644 = arith.cmpi slt, %jit3A_1631, %sign3A_1643 : i32
        %sign3A_1645 = arith.extui %sign3A_1644 : i1 to i32
        %sign3A_1646 = arith.subi %sign3A_1642, %sign3A_1645 : i32
        %ne3A_1647 = arith.cmpi ne, %sign3A_1639, %sign3A_1646 : i32
        %rem3A_1648 = arith.remsi %add3A_1630, %jit3A_1631 : i32
        %ne3A_1649 = arith.constant 0 : i32
        %ne3A_1650 = arith.cmpi ne, %rem3A_1648, %ne3A_1649 : i32
        %and3A_1651 = arith.andi %ne3A_1647, %ne3A_1650 : i1
        %sub3A_1652 = arith.constant 1 : i32
        %sub3A_1653 = arith.subi %div3A_1632, %sub3A_1652 : i32
        %select_n3A_1654 = arith.select %and3A_1651, %sub3A_1653, %div3A_1632 : i32
        %broadcast_in_dim3A_1655 = vector.broadcast %select_n3A_1654 : i32 to vector<16xi32>
        %jit3A_1656 = arith.constant 128 : i32
        %eq3A_1657 = arith.constant 0 : i32
        %eq3A_1658 = arith.cmpi eq, %jit3A_1656, %eq3A_1657 : i32
        %jit3A_1659 = arith.constant 1 : i32
        %select_n3A_1660 = arith.select %eq3A_1658, %jit3A_1659, %jit3A_1656 : i32
        %rem3A_1661 = arith.remsi %add3A_1630, %select_n3A_1660 : i32
        %ne3A_1662 = arith.constant 0 : i32
        %ne3A_1663 = arith.cmpi ne, %rem3A_1661, %ne3A_1662 : i32
        %lt3A_1664 = arith.constant 0 : i32
        %lt3A_1665 = arith.cmpi slt, %rem3A_1661, %lt3A_1664 : i32
        %lt3A_1666 = arith.constant 0 : i32
        %lt3A_1667 = arith.cmpi slt, %select_n3A_1660, %lt3A_1666 : i32
        %ne3A_1668 = arith.xori %lt3A_1665, %lt3A_1667 : i1
        %and3A_1669 = arith.andi %ne3A_1668, %ne3A_1663 : i1
        %add3A_1670 = arith.addi %rem3A_1661, %select_n3A_1660 : i32
        %select_n3A_1671 = arith.select %and3A_1669, %add3A_1670, %rem3A_1661 : i32
        %broadcast_in_dim3A_1672 = vector.broadcast %select_n3A_1671 : i32 to vector<16xi32>
        %get3A_1673 = arith.constant 0 : i32
        %get3A_1674 = arith.constant 0 : i32
        %get3A_1675 = tpu.memref_slice %arg6[%select_n3A_460, %get3A_1673, %get3A_1674] : memref<3x256x64xf32, #tpu.memory_space<vmem>> -> memref<1x256x64xf32, #tpu.memory_space<vmem>>
        %get3A_1676 = tpu.memref_squeeze %get3A_1675 : memref<1x256x64xf32, #tpu.memory_space<vmem>> -> memref<256x64xf32, #tpu.memory_space<vmem>>
        %get3A_1677 = arith.constant 0 : i32
        %get3A_1678 = tpu.memref_slice %get3A_1676[%add3A_1630, %get3A_1677] : memref<256x64xf32, #tpu.memory_space<vmem>> -> memref<1x64xf32, #tpu.memory_space<vmem>>
        %get3A_1679 = tpu.memref_squeeze %get3A_1678 : memref<1x64xf32, #tpu.memory_space<vmem>> -> memref<64xf32, #tpu.memory_space<vmem>>
        %get3A_1680 = arith.constant 0 : index
        %get3A_1681 = tpu.vector_load %get3A_1679[%get3A_1680] {strides = array<i32>} : memref<64xf32, #tpu.memory_space<vmem>>, vector<16xf32>,
        %scatter3A_1682 = arith.constant 0 : i32
        %scatter3A_1683 = arith.constant 0 : i32
        %scatter3A_1684 = arith.constant 0 : i32
        %scatter3A_1685 = arith.constant 0 : i32
        %scatter3A_1686 = tpu.memref_slice %arg7[%select_n3A_476, %scatter3A_1682, %scatter3A_1683, %scatter3A_1684, %scatter3A_1685] : memref<2x2x8x8x133xf32, #tpu.memory_space<vmem>> -> memref<1x2x8x8x133xf32, #tpu.memory_space<vmem>>
        %scatter3A_1687 = tpu.memref_squeeze %scatter3A_1686 : memref<1x2x8x8x133xf32, #tpu.memory_space<vmem>> -> memref<2x8x8x133xf32, #tpu.memory_space<vmem>>
        tpu.vector_store_idx %scatter3A_1687[%broadcast_in_dim3A_1655, %select_n3A_535, %select_n3A_560, %broadcast_in_dim3A_1672], %get3A_1681 : memref<2x8x8x133xf32, #tpu.memory_space<vmem>>[vector<16xi32>, vector<16xi32>, vector<16xi32>, vector<16xi32>], vector<16xf32>,
        %get3A_1688 = arith.constant 0 : i32
        %get3A_1689 = arith.constant 0 : i32
        %get3A_1690 = tpu.memref_slice %arg6[%select_n3A_460, %get3A_1688, %get3A_1689] : memref<3x256x64xf32, #tpu.memory_space<vmem>> -> memref<1x256x64xf32, #tpu.memory_space<vmem>>
        %get3A_1691 = tpu.memref_squeeze %get3A_1690 : memref<1x256x64xf32, #tpu.memory_space<vmem>> -> memref<256x64xf32, #tpu.memory_space<vmem>>
        %get3A_1692 = arith.constant 0 : i32
        %get3A_1693 = tpu.memref_slice %get3A_1691[%add3A_1630, %get3A_1692] : memref<256x64xf32, #tpu.memory_space<vmem>> -> memref<1x64xf32, #tpu.memory_space<vmem>>
        %get3A_1694 = tpu.memref_squeeze %get3A_1693 : memref<1x64xf32, #tpu.memory_space<vmem>> -> memref<64xf32, #tpu.memory_space<vmem>>
        %get3A_1695 = arith.constant 16 : index
        %get3A_1696 = tpu.vector_load %get3A_1694[%get3A_1695] {strides = array<i32>} : memref<64xf32, #tpu.memory_space<vmem>>, vector<16xf32>,
        %scatter3A_1697 = arith.constant 0 : i32
        %scatter3A_1698 = arith.constant 0 : i32
        %scatter3A_1699 = arith.constant 0 : i32
        %scatter3A_1700 = arith.constant 0 : i32
        %scatter3A_1701 = tpu.memref_slice %arg7[%select_n3A_476, %scatter3A_1697, %scatter3A_1698, %scatter3A_1699, %scatter3A_1700] : memref<2x2x8x8x133xf32, #tpu.memory_space<vmem>> -> memref<1x2x8x8x133xf32, #tpu.memory_space<vmem>>
        %scatter3A_1702 = tpu.memref_squeeze %scatter3A_1701 : memref<1x2x8x8x133xf32, #tpu.memory_space<vmem>> -> memref<2x8x8x133xf32, #tpu.memory_space<vmem>>
        tpu.vector_store_idx %scatter3A_1702[%broadcast_in_dim3A_1655, %select_n3A_594, %select_n3A_619, %broadcast_in_dim3A_1672], %get3A_1696 : memref<2x8x8x133xf32, #tpu.memory_space<vmem>>[vector<16xi32>, vector<16xi32>, vector<16xi32>, vector<16xi32>], vector<16xf32>,
        %get3A_1703 = arith.constant 0 : i32
        %get3A_1704 = arith.constant 0 : i32
        %get3A_1705 = tpu.memref_slice %arg6[%select_n3A_460, %get3A_1703, %get3A_1704] : memref<3x256x64xf32, #tpu.memory_space<vmem>> -> memref<1x256x64xf32, #tpu.memory_space<vmem>>
        %get3A_1706 = tpu.memref_squeeze %get3A_1705 : memref<1x256x64xf32, #tpu.memory_space<vmem>> -> memref<256x64xf32, #tpu.memory_space<vmem>>
        %get3A_1707 = arith.constant 0 : i32
        %get3A_1708 = tpu.memref_slice %get3A_1706[%add3A_1630, %get3A_1707] : memref<256x64xf32, #tpu.memory_space<vmem>> -> memref<1x64xf32, #tpu.memory_space<vmem>>
        %get3A_1709 = tpu.memref_squeeze %get3A_1708 : memref<1x64xf32, #tpu.memory_space<vmem>> -> memref<64xf32, #tpu.memory_space<vmem>>
        %get3A_1710 = arith.constant 32 : index
        %get3A_1711 = tpu.vector_load %get3A_1709[%get3A_1710] {strides = array<i32>} : memref<64xf32, #tpu.memory_space<vmem>>, vector<16xf32>,
        %scatter3A_1712 = arith.constant 0 : i32
        %scatter3A_1713 = arith.constant 0 : i32
        %scatter3A_1714 = arith.constant 0 : i32
        %scatter3A_1715 = arith.constant 0 : i32
        %scatter3A_1716 = tpu.memref_slice %arg7[%select_n3A_476, %scatter3A_1712, %scatter3A_1713, %scatter3A_1714, %scatter3A_1715] : memref<2x2x8x8x133xf32, #tpu.memory_space<vmem>> -> memref<1x2x8x8x133xf32, #tpu.memory_space<vmem>>
        %scatter3A_1717 = tpu.memref_squeeze %scatter3A_1716 : memref<1x2x8x8x133xf32, #tpu.memory_space<vmem>> -> memref<2x8x8x133xf32, #tpu.memory_space<vmem>>
        tpu.vector_store_idx %scatter3A_1717[%broadcast_in_dim3A_1655, %select_n3A_653, %select_n3A_678, %broadcast_in_dim3A_1672], %get3A_1711 : memref<2x8x8x133xf32, #tpu.memory_space<vmem>>[vector<16xi32>, vector<16xi32>, vector<16xi32>, vector<16xi32>], vector<16xf32>,
        %get3A_1718 = arith.constant 0 : i32
        %get3A_1719 = arith.constant 0 : i32
        %get3A_1720 = tpu.memref_slice %arg6[%select_n3A_460, %get3A_1718, %get3A_1719] : memref<3x256x64xf32, #tpu.memory_space<vmem>> -> memref<1x256x64xf32, #tpu.memory_space<vmem>>
        %get3A_1721 = tpu.memref_squeeze %get3A_1720 : memref<1x256x64xf32, #tpu.memory_space<vmem>> -> memref<256x64xf32, #tpu.memory_space<vmem>>
        %get3A_1722 = arith.constant 0 : i32
        %get3A_1723 = tpu.memref_slice %get3A_1721[%add3A_1630, %get3A_1722] : memref<256x64xf32, #tpu.memory_space<vmem>> -> memref<1x64xf32, #tpu.memory_space<vmem>>
        %get3A_1724 = tpu.memref_squeeze %get3A_1723 : memref<1x64xf32, #tpu.memory_space<vmem>> -> memref<64xf32, #tpu.memory_space<vmem>>
        %get3A_1725 = arith.constant 48 : index
        %get3A_1726 = tpu.vector_load %get3A_1724[%get3A_1725] {strides = array<i32>} : memref<64xf32, #tpu.memory_space<vmem>>, vector<16xf32>,
        %scatter3A_1727 = arith.constant 0 : i32
        %scatter3A_1728 = arith.constant 0 : i32
        %scatter3A_1729 = arith.constant 0 : i32
        %scatter3A_1730 = arith.constant 0 : i32
        %scatter3A_1731 = tpu.memref_slice %arg7[%select_n3A_476, %scatter3A_1727, %scatter3A_1728, %scatter3A_1729, %scatter3A_1730] : memref<2x2x8x8x133xf32, #tpu.memory_space<vmem>> -> memref<1x2x8x8x133xf32, #tpu.memory_space<vmem>>
        %scatter3A_1732 = tpu.memref_squeeze %scatter3A_1731 : memref<1x2x8x8x133xf32, #tpu.memory_space<vmem>> -> memref<2x8x8x133xf32, #tpu.memory_space<vmem>>
        tpu.vector_store_idx %scatter3A_1732[%broadcast_in_dim3A_1655, %select_n3A_712, %select_n3A_737, %broadcast_in_dim3A_1672], %get3A_1726 : memref<2x8x8x133xf32, #tpu.memory_space<vmem>>[vector<16xi32>, vector<16xi32>, vector<16xi32>, vector<16xi32>], vector<16xf32>,
      }
      %scan3A_743 = arith.constant 32 : i32
      %add3A_744 = arith.addi %mul3A_2, %scan3A_444 : i32
      %mul3A_745 = arith.constant 2 : i32
      %mul3A_746 = arith.muli %add3A_744, %mul3A_745 : i32
      %add3A_747 = arith.constant 0 : i32
      %add3A_748 = arith.addi %mul3A_746, %add3A_747 : i32
      %jit3A_749 = arith.constant 128 : i32
      %div3A_750 = arith.divsi %add3A_748, %jit3A_749 : i32
      %sign3A_751 = arith.constant 0 : i32
      %sign3A_752 = arith.cmpi sgt, %add3A_748, %sign3A_751 : i32
      %sign3A_753 = arith.extui %sign3A_752 : i1 to i32
      %sign3A_754 = arith.constant 0 : i32
      %sign3A_755 = arith.cmpi slt, %add3A_748, %sign3A_754 : i32
      %sign3A_756 = arith.extui %sign3A_755 : i1 to i32
      %sign3A_757 = arith.subi %sign3A_753, %sign3A_756 : i32
      %sign3A_758 = arith.constant 0 : i32
      %sign3A_759 = arith.cmpi sgt, %jit3A_749, %sign3A_758 : i32
      %sign3A_760 = arith.extui %sign3A_759 : i1 to i32
      %sign3A_761 = arith.constant 0 : i32
      %sign3A_762 = arith.cmpi slt, %jit3A_749, %sign3A_761 : i32
      %sign3A_763 = arith.extui %sign3A_762 : i1 to i32
      %sign3A_764 = arith.subi %sign3A_760, %sign3A_763 : i32
      %ne3A_765 = arith.cmpi ne, %sign3A_757, %sign3A_764 : i32
      %rem3A_766 = arith.remsi %add3A_748, %jit3A_749 : i32
      %ne3A_767 = arith.constant 0 : i32
      %ne3A_768 = arith.cmpi ne, %rem3A_766, %ne3A_767 : i32
      %and3A_769 = arith.andi %ne3A_765, %ne3A_768 : i1
      %sub3A_770 = arith.constant 1 : i32
      %sub3A_771 = arith.subi %div3A_750, %sub3A_770 : i32
      %select_n3A_772 = arith.select %and3A_769, %sub3A_771, %div3A_750 : i32
      %jit3A_773 = arith.constant 128 : i32
      %eq3A_774 = arith.constant 0 : i32
      %eq3A_775 = arith.cmpi eq, %jit3A_773, %eq3A_774 : i32
      %jit3A_776 = arith.constant 1 : i32
      %select_n3A_777 = arith.select %eq3A_775, %jit3A_776, %jit3A_773 : i32
      %rem3A_778 = arith.remsi %add3A_748, %select_n3A_777 : i32
      %ne3A_779 = arith.constant 0 : i32
      %ne3A_780 = arith.cmpi ne, %rem3A_778, %ne3A_779 : i32
      %lt3A_781 = arith.constant 0 : i32
      %lt3A_782 = arith.cmpi slt, %rem3A_778, %lt3A_781 : i32
      %lt3A_783 = arith.constant 0 : i32
      %lt3A_784 = arith.cmpi slt, %select_n3A_777, %lt3A_783 : i32
      %ne3A_785 = arith.xori %lt3A_782, %lt3A_784 : i1
      %and3A_786 = arith.andi %ne3A_785, %ne3A_780 : i1
      %add3A_787 = arith.addi %rem3A_778, %select_n3A_777 : i32
      %select_n3A_788 = arith.select %and3A_786, %add3A_787, %rem3A_778 : i32
      %dma_start3A_789 = arith.constant 0 : i32
      %dma_start3A_790 = arith.constant 0 : i32
      %dma_start3A_791 = arith.constant 0 : i32
      %dma_start3A_792 = arith.constant 0 : i32
      %dma_start3A_793 = tpu.memref_slice %arg7[%select_n3A_476, %dma_start3A_789, %dma_start3A_790, %dma_start3A_791, %dma_start3A_792] : memref<2x2x8x8x133xf32, #tpu.memory_space<vmem>> -> memref<1x1x8x8x128xf32, #tpu.memory_space<vmem>>
      %dma_start3A_794 = tpu.memref_squeeze %dma_start3A_793 : memref<1x1x8x8x128xf32, #tpu.memory_space<vmem>> -> memref<8x8x128xf32, #tpu.memory_space<vmem>>
      %dma_start3A_795 = arith.constant 0 : i32
      %dma_start3A_796 = arith.constant 0 : i32
      %dma_start3A_797 = arith.constant 0 : i32
      %dma_start3A_798 = tpu.memref_slice %arg4[%select_n3A_772, %dma_start3A_795, %select_n3A_788, %dma_start3A_796, %dma_start3A_797] : memref<50x8x128x8x128xf32, #tpu.memory_space<hbm>> -> memref<1x8x1x8x128xf32, #tpu.memory_space<hbm>>
      %dma_start3A_799 = tpu.memref_squeeze %dma_start3A_798 : memref<1x8x1x8x128xf32, #tpu.memory_space<hbm>> -> memref<8x8x128xf32, #tpu.memory_space<hbm>>
      %dma_start3A_800 = tpu.memref_slice %arg9[%select_n3A_476] : memref<2x!tpu.dma_semaphore, #tpu.memory_space<semaphore_mem>> -> memref<1x!tpu.dma_semaphore, #tpu.memory_space<semaphore_mem>>
      %dma_start3A_801 = tpu.memref_squeeze %dma_start3A_800 : memref<1x!tpu.dma_semaphore, #tpu.memory_space<semaphore_mem>> -> memref<!tpu.dma_semaphore, #tpu.memory_space<semaphore_mem>>
      %dma_start3A_802 = arith.constant 0 : i32
      %dma_start3A_803 = arith.constant 0 : i32
      %dma_start3A_804 = arith.constant 0 : i32
      %dma_start3A_805 = tpu.memref_slice %arg4[%select_n3A_772, %dma_start3A_802, %select_n3A_788, %dma_start3A_803, %dma_start3A_804] : memref<50x8x128x8x128xf32, #tpu.memory_space<hbm>> -> memref<1x8x1x8x128xf32, #tpu.memory_space<hbm>>
      %dma_start3A_806 = tpu.memref_squeeze %dma_start3A_805 : memref<1x8x1x8x128xf32, #tpu.memory_space<hbm>> -> memref<8x8x128xf32, #tpu.memory_space<hbm>>
      %dma_start3A_807 = arith.constant 0 : i32
      %dma_start3A_808 = arith.constant 0 : i32
      %dma_start3A_809 = arith.constant 0 : i32
      %dma_start3A_810 = tpu.memref_slice %arg7[%select_n3A_476, %dma_start3A_789, %dma_start3A_807, %dma_start3A_808, %dma_start3A_809] : memref<2x2x8x8x133xf32, #tpu.memory_space<vmem>> -> memref<1x1x8x8x128xf32, #tpu.memory_space<vmem>>
      %dma_start3A_811 = tpu.memref_squeeze %dma_start3A_810 : memref<1x1x8x8x128xf32, #tpu.memory_space<vmem>> -> memref<8x8x128xf32, #tpu.memory_space<vmem>>
      tpu.enqueue_dma source(%dma_start3A_811 : memref<8x8x128xf32, #tpu.memory_space<vmem>>) target(%dma_start3A_806 : memref<8x8x128xf32, #tpu.memory_space<hbm>>) target_semaphore(%dma_start3A_801 : memref<!tpu.dma_semaphore, #tpu.memory_space<semaphore_mem>>)
      %add3A_812 = arith.addi %mul3A_2, %scan3A_444 : i32
      %mul3A_813 = arith.constant 2 : i32
      %mul3A_814 = arith.muli %add3A_812, %mul3A_813 : i32
      %add3A_815 = arith.constant 1 : i32
      %add3A_816 = arith.addi %mul3A_814, %add3A_815 : i32
      %jit3A_817 = arith.constant 128 : i32
      %div3A_818 = arith.divsi %add3A_816, %jit3A_817 : i32
      %sign3A_819 = arith.constant 0 : i32
      %sign3A_820 = arith.cmpi sgt, %add3A_816, %sign3A_819 : i32
      %sign3A_821 = arith.extui %sign3A_820 : i1 to i32
      %sign3A_822 = arith.constant 0 : i32
      %sign3A_823 = arith.cmpi slt, %add3A_816, %sign3A_822 : i32
      %sign3A_824 = arith.extui %sign3A_823 : i1 to i32
      %sign3A_825 = arith.subi %sign3A_821, %sign3A_824 : i32
      %sign3A_826 = arith.constant 0 : i32
      %sign3A_827 = arith.cmpi sgt, %jit3A_817, %sign3A_826 : i32
      %sign3A_828 = arith.extui %sign3A_827 : i1 to i32
      %sign3A_829 = arith.constant 0 : i32
      %sign3A_830 = arith.cmpi slt, %jit3A_817, %sign3A_829 : i32
      %sign3A_831 = arith.extui %sign3A_830 : i1 to i32
      %sign3A_832 = arith.subi %sign3A_828, %sign3A_831 : i32
      %ne3A_833 = arith.cmpi ne, %sign3A_825, %sign3A_832 : i32
      %rem3A_834 = arith.remsi %add3A_816, %jit3A_817 : i32
      %ne3A_835 = arith.constant 0 : i32
      %ne3A_836 = arith.cmpi ne, %rem3A_834, %ne3A_835 : i32
      %and3A_837 = arith.andi %ne3A_833, %ne3A_836 : i1
      %sub3A_838 = arith.constant 1 : i32
      %sub3A_839 = arith.subi %div3A_818, %sub3A_838 : i32
      %select_n3A_840 = arith.select %and3A_837, %sub3A_839, %div3A_818 : i32
      %jit3A_841 = arith.constant 128 : i32
      %eq3A_842 = arith.constant 0 : i32
      %eq3A_843 = arith.cmpi eq, %jit3A_841, %eq3A_842 : i32
      %jit3A_844 = arith.constant 1 : i32
      %select_n3A_845 = arith.select %eq3A_843, %jit3A_844, %jit3A_841 : i32
      %rem3A_846 = arith.remsi %add3A_816, %select_n3A_845 : i32
      %ne3A_847 = arith.constant 0 : i32
      %ne3A_848 = arith.cmpi ne, %rem3A_846, %ne3A_847 : i32
      %lt3A_849 = arith.constant 0 : i32
      %lt3A_850 = arith.cmpi slt, %rem3A_846, %lt3A_849 : i32
      %lt3A_851 = arith.constant 0 : i32
      %lt3A_852 = arith.cmpi slt, %select_n3A_845, %lt3A_851 : i32
      %ne3A_853 = arith.xori %lt3A_850, %lt3A_852 : i1
      %and3A_854 = arith.andi %ne3A_853, %ne3A_848 : i1
      %add3A_855 = arith.addi %rem3A_846, %select_n3A_845 : i32
      %select_n3A_856 = arith.select %and3A_854, %add3A_855, %rem3A_846 : i32
      %dma_start3A_857 = arith.constant 1 : i32
      %dma_start3A_858 = arith.constant 0 : i32
      %dma_start3A_859 = arith.constant 0 : i32
      %dma_start3A_860 = arith.constant 0 : i32
      %dma_start3A_861 = tpu.memref_slice %arg7[%select_n3A_476, %dma_start3A_857, %dma_start3A_858, %dma_start3A_859, %dma_start3A_860] : memref<2x2x8x8x133xf32, #tpu.memory_space<vmem>> -> memref<1x1x8x8x128xf32, #tpu.memory_space<vmem>>
      %dma_start3A_862 = tpu.memref_squeeze %dma_start3A_861 : memref<1x1x8x8x128xf32, #tpu.memory_space<vmem>> -> memref<8x8x128xf32, #tpu.memory_space<vmem>>
      %dma_start3A_863 = arith.constant 0 : i32
      %dma_start3A_864 = arith.constant 0 : i32
      %dma_start3A_865 = arith.constant 0 : i32
      %dma_start3A_866 = tpu.memref_slice %arg4[%select_n3A_840, %dma_start3A_863, %select_n3A_856, %dma_start3A_864, %dma_start3A_865] : memref<50x8x128x8x128xf32, #tpu.memory_space<hbm>> -> memref<1x8x1x8x128xf32, #tpu.memory_space<hbm>>
      %dma_start3A_867 = tpu.memref_squeeze %dma_start3A_866 : memref<1x8x1x8x128xf32, #tpu.memory_space<hbm>> -> memref<8x8x128xf32, #tpu.memory_space<hbm>>
      %dma_start3A_868 = tpu.memref_slice %arg9[%select_n3A_476] : memref<2x!tpu.dma_semaphore, #tpu.memory_space<semaphore_mem>> -> memref<1x!tpu.dma_semaphore, #tpu.memory_space<semaphore_mem>>
      %dma_start3A_869 = tpu.memref_squeeze %dma_start3A_868 : memref<1x!tpu.dma_semaphore, #tpu.memory_space<semaphore_mem>> -> memref<!tpu.dma_semaphore, #tpu.memory_space<semaphore_mem>>
      %dma_start3A_870 = arith.constant 0 : i32
      %dma_start3A_871 = arith.constant 0 : i32
      %dma_start3A_872 = arith.constant 0 : i32
      %dma_start3A_873 = tpu.memref_slice %arg4[%select_n3A_840, %dma_start3A_870, %select_n3A_856, %dma_start3A_871, %dma_start3A_872] : memref<50x8x128x8x128xf32, #tpu.memory_space<hbm>> -> memref<1x8x1x8x128xf32, #tpu.memory_space<hbm>>
      %dma_start3A_874 = tpu.memref_squeeze %dma_start3A_873 : memref<1x8x1x8x128xf32, #tpu.memory_space<hbm>> -> memref<8x8x128xf32, #tpu.memory_space<hbm>>
      %dma_start3A_875 = arith.constant 0 : i32
      %dma_start3A_876 = arith.constant 0 : i32
      %dma_start3A_877 = arith.constant 0 : i32
      %dma_start3A_878 = tpu.memref_slice %arg7[%select_n3A_476, %dma_start3A_857, %dma_start3A_875, %dma_start3A_876, %dma_start3A_877] : memref<2x2x8x8x133xf32, #tpu.memory_space<vmem>> -> memref<1x1x8x8x128xf32, #tpu.memory_space<vmem>>
      %dma_start3A_879 = tpu.memref_squeeze %dma_start3A_878 : memref<1x1x8x8x128xf32, #tpu.memory_space<vmem>> -> memref<8x8x128xf32, #tpu.memory_space<vmem>>
      tpu.enqueue_dma source(%dma_start3A_879 : memref<8x8x128xf32, #tpu.memory_space<vmem>>) target(%dma_start3A_874 : memref<8x8x128xf32, #tpu.memory_space<hbm>>) target_semaphore(%dma_start3A_869 : memref<!tpu.dma_semaphore, #tpu.memory_space<semaphore_mem>>)
      %add3A_880 = arith.constant 3 : i32
      %add3A_881 = arith.addi %scan3A_444, %add3A_880 : i32
      %lt3A_882 = arith.constant 100 : i32
      %lt3A_883 = arith.cmpi slt, %add3A_881, %lt3A_882 : i32
      %convert_element_type3A_884 = arith.extui %lt3A_883 : i1 to i32
      %cond3A_885 = arith.constant 0 : i32
      %cond3A_886 = arith.cmpi ne, %convert_element_type3A_884, %cond3A_885 : i32
      scf.if %cond3A_886 {
        %add3A_887 = arith.constant 3 : i32
        %add3A_888 = arith.addi %scan3A_444, %add3A_887 : i32
        %add3A_889 = arith.addi %mul3A_2, %add3A_888 : i32
        %mul3A_890 = arith.constant 2 : i32
        %mul3A_891 = arith.muli %add3A_889, %mul3A_890 : i32
        %dma_start3A_892 = arith.constant 0 : i32
        %dma_start3A_893 = arith.constant 0 : i32
        %dma_start3A_894 = tpu.memref_slice %arg5[%select_n3A_460, %dma_start3A_892, %dma_start3A_893] : memref<3x2x128xi32, #tpu.memory_space<vmem>> -> memref<1x2x128xi32, #tpu.memory_space<vmem>>
        %dma_start3A_895 = tpu.memref_squeeze %dma_start3A_894 : memref<1x2x128xi32, #tpu.memory_space<vmem>> -> memref<2x128xi32, #tpu.memory_space<vmem>>
        %dma_start3A_896 = arith.constant 0 : i32
        %dma_start3A_897 = tpu.memref_slice %arg3[%mul3A_891, %dma_start3A_896] : memref<6400x128xi32, #tpu.memory_space<hbm>> -> memref<2x128xi32, #tpu.memory_space<hbm>>
        %dma_start3A_898 = tpu.memref_slice %arg10[%select_n3A_460] : memref<3x!tpu.dma_semaphore, #tpu.memory_space<semaphore_mem>> -> memref<1x!tpu.dma_semaphore, #tpu.memory_space<semaphore_mem>>
        %dma_start3A_899 = tpu.memref_squeeze %dma_start3A_898 : memref<1x!tpu.dma_semaphore, #tpu.memory_space<semaphore_mem>> -> memref<!tpu.dma_semaphore, #tpu.memory_space<semaphore_mem>>
        %dma_start3A_900 = arith.constant 0 : i32
        %dma_start3A_901 = arith.constant 0 : i32
        %dma_start3A_902 = tpu.memref_slice %arg5[%select_n3A_460, %dma_start3A_900, %dma_start3A_901] : memref<3x2x128xi32, #tpu.memory_space<vmem>> -> memref<1x2x128xi32, #tpu.memory_space<vmem>>
        %dma_start3A_903 = tpu.memref_squeeze %dma_start3A_902 : memref<1x2x128xi32, #tpu.memory_space<vmem>> -> memref<2x128xi32, #tpu.memory_space<vmem>>
        %dma_start3A_904 = arith.constant 0 : i32
        %dma_start3A_905 = tpu.memref_slice %arg3[%mul3A_891, %dma_start3A_904] : memref<6400x128xi32, #tpu.memory_space<hbm>> -> memref<2x128xi32, #tpu.memory_space<hbm>>
        tpu.enqueue_dma source(%dma_start3A_905 : memref<2x128xi32, #tpu.memory_space<hbm>>) target(%dma_start3A_903 : memref<2x128xi32, #tpu.memory_space<vmem>>) target_semaphore(%dma_start3A_899 : memref<!tpu.dma_semaphore, #tpu.memory_space<semaphore_mem>>)
      } else {
      }
    }
    %scan3A_169 = arith.constant 100 : i32
    %add3A_170 = arith.constant 98 : i32
    %add3A_171 = arith.addi %mul3A_2, %add3A_170 : i32
    %mul3A_172 = arith.constant 2 : i32
    %mul3A_173 = arith.muli %add3A_171, %mul3A_172 : i32
    %add3A_174 = arith.constant 0 : i32
    %add3A_175 = arith.addi %mul3A_173, %add3A_174 : i32
    %jit3A = arith.constant 128 : i32
    %div3A = arith.divsi %add3A_175, %jit3A : i32
    %sign3A = arith.constant 0 : i32
    %sign3A_176 = arith.cmpi sgt, %add3A_175, %sign3A : i32
    %sign3A_177 = arith.extui %sign3A_176 : i1 to i32
    %sign3A_178 = arith.constant 0 : i32
    %sign3A_179 = arith.cmpi slt, %add3A_175, %sign3A_178 : i32
    %sign3A_180 = arith.extui %sign3A_179 : i1 to i32
    %sign3A_181 = arith.subi %sign3A_177, %sign3A_180 : i32
    %sign3A_182 = arith.constant 0 : i32
    %sign3A_183 = arith.cmpi sgt, %jit3A, %sign3A_182 : i32
    %sign3A_184 = arith.extui %sign3A_183 : i1 to i32
    %sign3A_185 = arith.constant 0 : i32
    %sign3A_186 = arith.cmpi slt, %jit3A, %sign3A_185 : i32
    %sign3A_187 = arith.extui %sign3A_186 : i1 to i32
    %sign3A_188 = arith.subi %sign3A_184, %sign3A_187 : i32
    %ne3A = arith.cmpi ne, %sign3A_181, %sign3A_188 : i32
    %rem3A = arith.remsi %add3A_175, %jit3A : i32
    %ne3A_189 = arith.constant 0 : i32
    %ne3A_190 = arith.cmpi ne, %rem3A, %ne3A_189 : i32
    %and3A = arith.andi %ne3A, %ne3A_190 : i1
    %sub3A = arith.constant 1 : i32
    %sub3A_191 = arith.subi %div3A, %sub3A : i32
    %select_n3A = arith.select %and3A, %sub3A_191, %div3A : i32
    %jit3A_192 = arith.constant 128 : i32
    %eq3A = arith.constant 0 : i32
    %eq3A_193 = arith.cmpi eq, %jit3A_192, %eq3A : i32
    %jit3A_194 = arith.constant 1 : i32
    %select_n3A_195 = arith.select %eq3A_193, %jit3A_194, %jit3A_192 : i32
    %rem3A_196 = arith.remsi %add3A_175, %select_n3A_195 : i32
    %ne3A_197 = arith.constant 0 : i32
    %ne3A_198 = arith.cmpi ne, %rem3A_196, %ne3A_197 : i32
    %lt3A = arith.constant 0 : i32
    %lt3A_199 = arith.cmpi slt, %rem3A_196, %lt3A : i32
    %lt3A_200 = arith.constant 0 : i32
    %lt3A_201 = arith.cmpi slt, %select_n3A_195, %lt3A_200 : i32
    %ne3A_202 = arith.xori %lt3A_199, %lt3A_201 : i1
    %and3A_203 = arith.andi %ne3A_202, %ne3A_198 : i1
    %add3A_204 = arith.addi %rem3A_196, %select_n3A_195 : i32
    %select_n3A_205 = arith.select %and3A_203, %add3A_204, %rem3A_196 : i32
    %dma_wait3A_206 = arith.constant 0 : i32
    %dma_wait3A_207 = arith.constant 0 : i32
    %dma_wait3A_208 = arith.constant 0 : i32
    %dma_wait3A_209 = arith.constant 0 : i32
    %dma_wait3A_210 = arith.constant 0 : i32
    %dma_wait3A_211 = arith.constant 0 : i32
    %dma_wait3A_212 = tpu.memref_slice %arg7[%dma_wait3A_206, %dma_wait3A_207, %dma_wait3A_209, %dma_wait3A_210, %dma_wait3A_211] : memref<2x2x8x8x133xf32, #tpu.memory_space<vmem>> -> memref<1x1x8x8x128xf32, #tpu.memory_space<vmem>>
    %dma_wait3A_213 = tpu.memref_squeeze %dma_wait3A_212 : memref<1x1x8x8x128xf32, #tpu.memory_space<vmem>> -> memref<8x8x128xf32, #tpu.memory_space<vmem>>
    %dma_wait3A_214 = arith.constant 0 : i32
    %dma_wait3A_215 = arith.constant 0 : i32
    %dma_wait3A_216 = arith.constant 0 : i32
    %dma_wait3A_217 = tpu.memref_slice %arg4[%select_n3A, %dma_wait3A_214, %select_n3A_205, %dma_wait3A_215, %dma_wait3A_216] : memref<50x8x128x8x128xf32, #tpu.memory_space<hbm>> -> memref<1x8x1x8x128xf32, #tpu.memory_space<hbm>>
    %dma_wait3A_218 = tpu.memref_squeeze %dma_wait3A_217 : memref<1x8x1x8x128xf32, #tpu.memory_space<hbm>> -> memref<8x8x128xf32, #tpu.memory_space<hbm>>
    %dma_wait3A_219 = tpu.memref_slice %arg9[%dma_wait3A_208] : memref<2x!tpu.dma_semaphore, #tpu.memory_space<semaphore_mem>> -> memref<1x!tpu.dma_semaphore, #tpu.memory_space<semaphore_mem>>
    %dma_wait3A_220 = tpu.memref_squeeze %dma_wait3A_219 : memref<1x!tpu.dma_semaphore, #tpu.memory_space<semaphore_mem>> -> memref<!tpu.dma_semaphore, #tpu.memory_space<semaphore_mem>>
    %dma_wait3A_221 = arith.constant 0 : i32
    %dma_wait3A_222 = arith.constant 0 : i32
    %dma_wait3A_223 = arith.constant 0 : i32
    %dma_wait3A_224 = tpu.memref_slice %arg4[%select_n3A, %dma_wait3A_221, %select_n3A_205, %dma_wait3A_222, %dma_wait3A_223] : memref<50x8x128x8x128xf32, #tpu.memory_space<hbm>> -> memref<1x8x1x8x128xf32, #tpu.memory_space<hbm>>
    %dma_wait3A_225 = tpu.memref_squeeze %dma_wait3A_224 : memref<1x8x1x8x128xf32, #tpu.memory_space<hbm>> -> memref<8x8x128xf32, #tpu.memory_space<hbm>>
    %dma_wait3A_226 = arith.constant 0 : i32
    %dma_wait3A_227 = arith.constant 0 : i32
    %dma_wait3A_228 = arith.constant 0 : i32
    %dma_wait3A_229 = tpu.memref_slice %arg7[%dma_wait3A_206, %dma_wait3A_207, %dma_wait3A_226, %dma_wait3A_227, %dma_wait3A_228] : memref<2x2x8x8x133xf32, #tpu.memory_space<vmem>> -> memref<1x1x8x8x128xf32, #tpu.memory_space<vmem>>
    %dma_wait3A_230 = tpu.memref_squeeze %dma_wait3A_229 : memref<1x1x8x8x128xf32, #tpu.memory_space<vmem>> -> memref<8x8x128xf32, #tpu.memory_space<vmem>>
    tpu.wait_dma2 semaphore(%dma_wait3A_220 : memref<!tpu.dma_semaphore, #tpu.memory_space<semaphore_mem>>) src(%dma_wait3A_230 : memref<8x8x128xf32, #tpu.memory_space<vmem>>) dst(%dma_wait3A_225 : memref<8x8x128xf32, #tpu.memory_space<hbm>>)
    %add3A_231 = arith.constant 98 : i32
    %add3A_232 = arith.addi %mul3A_2, %add3A_231 : i32
    %mul3A_233 = arith.constant 2 : i32
    %mul3A_234 = arith.muli %add3A_232, %mul3A_233 : i32
    %add3A_235 = arith.constant 1 : i32
    %add3A_236 = arith.addi %mul3A_234, %add3A_235 : i32
    %jit3A_237 = arith.constant 128 : i32
    %div3A_238 = arith.divsi %add3A_236, %jit3A_237 : i32
    %sign3A_239 = arith.constant 0 : i32
    %sign3A_240 = arith.cmpi sgt, %add3A_236, %sign3A_239 : i32
    %sign3A_241 = arith.extui %sign3A_240 : i1 to i32
    %sign3A_242 = arith.constant 0 : i32
    %sign3A_243 = arith.cmpi slt, %add3A_236, %sign3A_242 : i32
    %sign3A_244 = arith.extui %sign3A_243 : i1 to i32
    %sign3A_245 = arith.subi %sign3A_241, %sign3A_244 : i32
    %sign3A_246 = arith.constant 0 : i32
    %sign3A_247 = arith.cmpi sgt, %jit3A_237, %sign3A_246 : i32
    %sign3A_248 = arith.extui %sign3A_247 : i1 to i32
    %sign3A_249 = arith.constant 0 : i32
    %sign3A_250 = arith.cmpi slt, %jit3A_237, %sign3A_249 : i32
    %sign3A_251 = arith.extui %sign3A_250 : i1 to i32
    %sign3A_252 = arith.subi %sign3A_248, %sign3A_251 : i32
    %ne3A_253 = arith.cmpi ne, %sign3A_245, %sign3A_252 : i32
    %rem3A_254 = arith.remsi %add3A_236, %jit3A_237 : i32
    %ne3A_255 = arith.constant 0 : i32
    %ne3A_256 = arith.cmpi ne, %rem3A_254, %ne3A_255 : i32
    %and3A_257 = arith.andi %ne3A_253, %ne3A_256 : i1
    %sub3A_258 = arith.constant 1 : i32
    %sub3A_259 = arith.subi %div3A_238, %sub3A_258 : i32
    %select_n3A_260 = arith.select %and3A_257, %sub3A_259, %div3A_238 : i32
    %jit3A_261 = arith.constant 128 : i32
    %eq3A_262 = arith.constant 0 : i32
    %eq3A_263 = arith.cmpi eq, %jit3A_261, %eq3A_262 : i32
    %jit3A_264 = arith.constant 1 : i32
    %select_n3A_265 = arith.select %eq3A_263, %jit3A_264, %jit3A_261 : i32
    %rem3A_266 = arith.remsi %add3A_236, %select_n3A_265 : i32
    %ne3A_267 = arith.constant 0 : i32
    %ne3A_268 = arith.cmpi ne, %rem3A_266, %ne3A_267 : i32
    %lt3A_269 = arith.constant 0 : i32
    %lt3A_270 = arith.cmpi slt, %rem3A_266, %lt3A_269 : i32
    %lt3A_271 = arith.constant 0 : i32
    %lt3A_272 = arith.cmpi slt, %select_n3A_265, %lt3A_271 : i32
    %ne3A_273 = arith.xori %lt3A_270, %lt3A_272 : i1
    %and3A_274 = arith.andi %ne3A_273, %ne3A_268 : i1
    %add3A_275 = arith.addi %rem3A_266, %select_n3A_265 : i32
    %select_n3A_276 = arith.select %and3A_274, %add3A_275, %rem3A_266 : i32
    %dma_wait3A_277 = arith.constant 0 : i32
    %dma_wait3A_278 = arith.constant 1 : i32
    %dma_wait3A_279 = arith.constant 0 : i32
    %dma_wait3A_280 = arith.constant 0 : i32
    %dma_wait3A_281 = arith.constant 0 : i32
    %dma_wait3A_282 = arith.constant 0 : i32
    %dma_wait3A_283 = tpu.memref_slice %arg7[%dma_wait3A_277, %dma_wait3A_278, %dma_wait3A_280, %dma_wait3A_281, %dma_wait3A_282] : memref<2x2x8x8x133xf32, #tpu.memory_space<vmem>> -> memref<1x1x8x8x128xf32, #tpu.memory_space<vmem>>
    %dma_wait3A_284 = tpu.memref_squeeze %dma_wait3A_283 : memref<1x1x8x8x128xf32, #tpu.memory_space<vmem>> -> memref<8x8x128xf32, #tpu.memory_space<vmem>>
    %dma_wait3A_285 = arith.constant 0 : i32
    %dma_wait3A_286 = arith.constant 0 : i32
    %dma_wait3A_287 = arith.constant 0 : i32
    %dma_wait3A_288 = tpu.memref_slice %arg4[%select_n3A_260, %dma_wait3A_285, %select_n3A_276, %dma_wait3A_286, %dma_wait3A_287] : memref<50x8x128x8x128xf32, #tpu.memory_space<hbm>> -> memref<1x8x1x8x128xf32, #tpu.memory_space<hbm>>
    %dma_wait3A_289 = tpu.memref_squeeze %dma_wait3A_288 : memref<1x8x1x8x128xf32, #tpu.memory_space<hbm>> -> memref<8x8x128xf32, #tpu.memory_space<hbm>>
    %dma_wait3A_290 = tpu.memref_slice %arg9[%dma_wait3A_279] : memref<2x!tpu.dma_semaphore, #tpu.memory_space<semaphore_mem>> -> memref<1x!tpu.dma_semaphore, #tpu.memory_space<semaphore_mem>>
    %dma_wait3A_291 = tpu.memref_squeeze %dma_wait3A_290 : memref<1x!tpu.dma_semaphore, #tpu.memory_space<semaphore_mem>> -> memref<!tpu.dma_semaphore, #tpu.memory_space<semaphore_mem>>
    %dma_wait3A_292 = arith.constant 0 : i32
    %dma_wait3A_293 = arith.constant 0 : i32
    %dma_wait3A_294 = arith.constant 0 : i32
    %dma_wait3A_295 = tpu.memref_slice %arg4[%select_n3A_260, %dma_wait3A_292, %select_n3A_276, %dma_wait3A_293, %dma_wait3A_294] : memref<50x8x128x8x128xf32, #tpu.memory_space<hbm>> -> memref<1x8x1x8x128xf32, #tpu.memory_space<hbm>>
    %dma_wait3A_296 = tpu.memref_squeeze %dma_wait3A_295 : memref<1x8x1x8x128xf32, #tpu.memory_space<hbm>> -> memref<8x8x128xf32, #tpu.memory_space<hbm>>
    %dma_wait3A_297 = arith.constant 0 : i32
    %dma_wait3A_298 = arith.constant 0 : i32
    %dma_wait3A_299 = arith.constant 0 : i32
    %dma_wait3A_300 = tpu.memref_slice %arg7[%dma_wait3A_277, %dma_wait3A_278, %dma_wait3A_297, %dma_wait3A_298, %dma_wait3A_299] : memref<2x2x8x8x133xf32, #tpu.memory_space<vmem>> -> memref<1x1x8x8x128xf32, #tpu.memory_space<vmem>>
    %dma_wait3A_301 = tpu.memref_squeeze %dma_wait3A_300 : memref<1x1x8x8x128xf32, #tpu.memory_space<vmem>> -> memref<8x8x128xf32, #tpu.memory_space<vmem>>
    tpu.wait_dma2 semaphore(%dma_wait3A_291 : memref<!tpu.dma_semaphore, #tpu.memory_space<semaphore_mem>>) src(%dma_wait3A_301 : memref<8x8x128xf32, #tpu.memory_space<vmem>>) dst(%dma_wait3A_296 : memref<8x8x128xf32, #tpu.memory_space<hbm>>)
    %add3A_302 = arith.constant 99 : i32
    %add3A_303 = arith.addi %mul3A_2, %add3A_302 : i32
    %mul3A_304 = arith.constant 2 : i32
    %mul3A_305 = arith.muli %add3A_303, %mul3A_304 : i32
    %add3A_306 = arith.constant 0 : i32
    %add3A_307 = arith.addi %mul3A_305, %add3A_306 : i32
    %jit3A_308 = arith.constant 128 : i32
    %div3A_309 = arith.divsi %add3A_307, %jit3A_308 : i32
    %sign3A_310 = arith.constant 0 : i32
    %sign3A_311 = arith.cmpi sgt, %add3A_307, %sign3A_310 : i32
    %sign3A_312 = arith.extui %sign3A_311 : i1 to i32
    %sign3A_313 = arith.constant 0 : i32
    %sign3A_314 = arith.cmpi slt, %add3A_307, %sign3A_313 : i32
    %sign3A_315 = arith.extui %sign3A_314 : i1 to i32
    %sign3A_316 = arith.subi %sign3A_312, %sign3A_315 : i32
    %sign3A_317 = arith.constant 0 : i32
    %sign3A_318 = arith.cmpi sgt, %jit3A_308, %sign3A_317 : i32
    %sign3A_319 = arith.extui %sign3A_318 : i1 to i32
    %sign3A_320 = arith.constant 0 : i32
    %sign3A_321 = arith.cmpi slt, %jit3A_308, %sign3A_320 : i32
    %sign3A_322 = arith.extui %sign3A_321 : i1 to i32
    %sign3A_323 = arith.subi %sign3A_319, %sign3A_322 : i32
    %ne3A_324 = arith.cmpi ne, %sign3A_316, %sign3A_323 : i32
    %rem3A_325 = arith.remsi %add3A_307, %jit3A_308 : i32
    %ne3A_326 = arith.constant 0 : i32
    %ne3A_327 = arith.cmpi ne, %rem3A_325, %ne3A_326 : i32
    %and3A_328 = arith.andi %ne3A_324, %ne3A_327 : i1
    %sub3A_329 = arith.constant 1 : i32
    %sub3A_330 = arith.subi %div3A_309, %sub3A_329 : i32
    %select_n3A_331 = arith.select %and3A_328, %sub3A_330, %div3A_309 : i32
    %jit3A_332 = arith.constant 128 : i32
    %eq3A_333 = arith.constant 0 : i32
    %eq3A_334 = arith.cmpi eq, %jit3A_332, %eq3A_333 : i32
    %jit3A_335 = arith.constant 1 : i32
    %select_n3A_336 = arith.select %eq3A_334, %jit3A_335, %jit3A_332 : i32
    %rem3A_337 = arith.remsi %add3A_307, %select_n3A_336 : i32
    %ne3A_338 = arith.constant 0 : i32
    %ne3A_339 = arith.cmpi ne, %rem3A_337, %ne3A_338 : i32
    %lt3A_340 = arith.constant 0 : i32
    %lt3A_341 = arith.cmpi slt, %rem3A_337, %lt3A_340 : i32
    %lt3A_342 = arith.constant 0 : i32
    %lt3A_343 = arith.cmpi slt, %select_n3A_336, %lt3A_342 : i32
    %ne3A_344 = arith.xori %lt3A_341, %lt3A_343 : i1
    %and3A_345 = arith.andi %ne3A_344, %ne3A_339 : i1
    %add3A_346 = arith.addi %rem3A_337, %select_n3A_336 : i32
    %select_n3A_347 = arith.select %and3A_345, %add3A_346, %rem3A_337 : i32
    %dma_wait3A_348 = arith.constant 1 : i32
    %dma_wait3A_349 = arith.constant 0 : i32
    %dma_wait3A_350 = arith.constant 1 : i32
    %dma_wait3A_351 = arith.constant 0 : i32
    %dma_wait3A_352 = arith.constant 0 : i32
    %dma_wait3A_353 = arith.constant 0 : i32
    %dma_wait3A_354 = tpu.memref_slice %arg7[%dma_wait3A_348, %dma_wait3A_349, %dma_wait3A_351, %dma_wait3A_352, %dma_wait3A_353] : memref<2x2x8x8x133xf32, #tpu.memory_space<vmem>> -> memref<1x1x8x8x128xf32, #tpu.memory_space<vmem>>
    %dma_wait3A_355 = tpu.memref_squeeze %dma_wait3A_354 : memref<1x1x8x8x128xf32, #tpu.memory_space<vmem>> -> memref<8x8x128xf32, #tpu.memory_space<vmem>>
    %dma_wait3A_356 = arith.constant 0 : i32
    %dma_wait3A_357 = arith.constant 0 : i32
    %dma_wait3A_358 = arith.constant 0 : i32
    %dma_wait3A_359 = tpu.memref_slice %arg4[%select_n3A_331, %dma_wait3A_356, %select_n3A_347, %dma_wait3A_357, %dma_wait3A_358] : memref<50x8x128x8x128xf32, #tpu.memory_space<hbm>> -> memref<1x8x1x8x128xf32, #tpu.memory_space<hbm>>
    %dma_wait3A_360 = tpu.memref_squeeze %dma_wait3A_359 : memref<1x8x1x8x128xf32, #tpu.memory_space<hbm>> -> memref<8x8x128xf32, #tpu.memory_space<hbm>>
    %dma_wait3A_361 = tpu.memref_slice %arg9[%dma_wait3A_350] : memref<2x!tpu.dma_semaphore, #tpu.memory_space<semaphore_mem>> -> memref<1x!tpu.dma_semaphore, #tpu.memory_space<semaphore_mem>>
    %dma_wait3A_362 = tpu.memref_squeeze %dma_wait3A_361 : memref<1x!tpu.dma_semaphore, #tpu.memory_space<semaphore_mem>> -> memref<!tpu.dma_semaphore, #tpu.memory_space<semaphore_mem>>
    %dma_wait3A_363 = arith.constant 0 : i32
    %dma_wait3A_364 = arith.constant 0 : i32
    %dma_wait3A_365 = arith.constant 0 : i32
    %dma_wait3A_366 = tpu.memref_slice %arg4[%select_n3A_331, %dma_wait3A_363, %select_n3A_347, %dma_wait3A_364, %dma_wait3A_365] : memref<50x8x128x8x128xf32, #tpu.memory_space<hbm>> -> memref<1x8x1x8x128xf32, #tpu.memory_space<hbm>>
    %dma_wait3A_367 = tpu.memref_squeeze %dma_wait3A_366 : memref<1x8x1x8x128xf32, #tpu.memory_space<hbm>> -> memref<8x8x128xf32, #tpu.memory_space<hbm>>
    %dma_wait3A_368 = arith.constant 0 : i32
    %dma_wait3A_369 = arith.constant 0 : i32
    %dma_wait3A_370 = arith.constant 0 : i32
    %dma_wait3A_371 = tpu.memref_slice %arg7[%dma_wait3A_348, %dma_wait3A_349, %dma_wait3A_368, %dma_wait3A_369, %dma_wait3A_370] : memref<2x2x8x8x133xf32, #tpu.memory_space<vmem>> -> memref<1x1x8x8x128xf32, #tpu.memory_space<vmem>>
    %dma_wait3A_372 = tpu.memref_squeeze %dma_wait3A_371 : memref<1x1x8x8x128xf32, #tpu.memory_space<vmem>> -> memref<8x8x128xf32, #tpu.memory_space<vmem>>
    tpu.wait_dma2 semaphore(%dma_wait3A_362 : memref<!tpu.dma_semaphore, #tpu.memory_space<semaphore_mem>>) src(%dma_wait3A_372 : memref<8x8x128xf32, #tpu.memory_space<vmem>>) dst(%dma_wait3A_367 : memref<8x8x128xf32, #tpu.memory_space<hbm>>)
    %add3A_373 = arith.constant 99 : i32
    %add3A_374 = arith.addi %mul3A_2, %add3A_373 : i32
    %mul3A_375 = arith.constant 2 : i32
    %mul3A_376 = arith.muli %add3A_374, %mul3A_375 : i32
    %add3A_377 = arith.constant 1 : i32
    %add3A_378 = arith.addi %mul3A_376, %add3A_377 : i32
    %jit3A_379 = arith.constant 128 : i32
    %div3A_380 = arith.divsi %add3A_378, %jit3A_379 : i32
    %sign3A_381 = arith.constant 0 : i32
    %sign3A_382 = arith.cmpi sgt, %add3A_378, %sign3A_381 : i32
    %sign3A_383 = arith.extui %sign3A_382 : i1 to i32
    %sign3A_384 = arith.constant 0 : i32
    %sign3A_385 = arith.cmpi slt, %add3A_378, %sign3A_384 : i32
    %sign3A_386 = arith.extui %sign3A_385 : i1 to i32
    %sign3A_387 = arith.subi %sign3A_383, %sign3A_386 : i32
    %sign3A_388 = arith.constant 0 : i32
    %sign3A_389 = arith.cmpi sgt, %jit3A_379, %sign3A_388 : i32
    %sign3A_390 = arith.extui %sign3A_389 : i1 to i32
    %sign3A_391 = arith.constant 0 : i32
    %sign3A_392 = arith.cmpi slt, %jit3A_379, %sign3A_391 : i32
    %sign3A_393 = arith.extui %sign3A_392 : i1 to i32
    %sign3A_394 = arith.subi %sign3A_390, %sign3A_393 : i32
    %ne3A_395 = arith.cmpi ne, %sign3A_387, %sign3A_394 : i32
    %rem3A_396 = arith.remsi %add3A_378, %jit3A_379 : i32
    %ne3A_397 = arith.constant 0 : i32
    %ne3A_398 = arith.cmpi ne, %rem3A_396, %ne3A_397 : i32
    %and3A_399 = arith.andi %ne3A_395, %ne3A_398 : i1
    %sub3A_400 = arith.constant 1 : i32
    %sub3A_401 = arith.subi %div3A_380, %sub3A_400 : i32
    %select_n3A_402 = arith.select %and3A_399, %sub3A_401, %div3A_380 : i32
    %jit3A_403 = arith.constant 128 : i32
    %eq3A_404 = arith.constant 0 : i32
    %eq3A_405 = arith.cmpi eq, %jit3A_403, %eq3A_404 : i32
    %jit3A_406 = arith.constant 1 : i32
    %select_n3A_407 = arith.select %eq3A_405, %jit3A_406, %jit3A_403 : i32
    %rem3A_408 = arith.remsi %add3A_378, %select_n3A_407 : i32
    %ne3A_409 = arith.constant 0 : i32
    %ne3A_410 = arith.cmpi ne, %rem3A_408, %ne3A_409 : i32
    %lt3A_411 = arith.constant 0 : i32
    %lt3A_412 = arith.cmpi slt, %rem3A_408, %lt3A_411 : i32
    %lt3A_413 = arith.constant 0 : i32
    %lt3A_414 = arith.cmpi slt, %select_n3A_407, %lt3A_413 : i32
    %ne3A_415 = arith.xori %lt3A_412, %lt3A_414 : i1
    %and3A_416 = arith.andi %ne3A_415, %ne3A_410 : i1
    %add3A_417 = arith.addi %rem3A_408, %select_n3A_407 : i32
    %select_n3A_418 = arith.select %and3A_416, %add3A_417, %rem3A_408 : i32
    %dma_wait3A_419 = arith.constant 1 : i32
    %dma_wait3A_420 = arith.constant 1 : i32
    %dma_wait3A_421 = arith.constant 1 : i32
    %dma_wait3A_422 = arith.constant 0 : i32
    %dma_wait3A_423 = arith.constant 0 : i32
    %dma_wait3A_424 = arith.constant 0 : i32
    %dma_wait3A_425 = tpu.memref_slice %arg7[%dma_wait3A_419, %dma_wait3A_420, %dma_wait3A_422, %dma_wait3A_423, %dma_wait3A_424] : memref<2x2x8x8x133xf32, #tpu.memory_space<vmem>> -> memref<1x1x8x8x128xf32, #tpu.memory_space<vmem>>
    %dma_wait3A_426 = tpu.memref_squeeze %dma_wait3A_425 : memref<1x1x8x8x128xf32, #tpu.memory_space<vmem>> -> memref<8x8x128xf32, #tpu.memory_space<vmem>>
    %dma_wait3A_427 = arith.constant 0 : i32
    %dma_wait3A_428 = arith.constant 0 : i32
    %dma_wait3A_429 = arith.constant 0 : i32
    %dma_wait3A_430 = tpu.memref_slice %arg4[%select_n3A_402, %dma_wait3A_427, %select_n3A_418, %dma_wait3A_428, %dma_wait3A_429] : memref<50x8x128x8x128xf32, #tpu.memory_space<hbm>> -> memref<1x8x1x8x128xf32, #tpu.memory_space<hbm>>
    %dma_wait3A_431 = tpu.memref_squeeze %dma_wait3A_430 : memref<1x8x1x8x128xf32, #tpu.memory_space<hbm>> -> memref<8x8x128xf32, #tpu.memory_space<hbm>>
    %dma_wait3A_432 = tpu.memref_slice %arg9[%dma_wait3A_421] : memref<2x!tpu.dma_semaphore, #tpu.memory_space<semaphore_mem>> -> memref<1x!tpu.dma_semaphore, #tpu.memory_space<semaphore_mem>>
    %dma_wait3A_433 = tpu.memref_squeeze %dma_wait3A_432 : memref<1x!tpu.dma_semaphore, #tpu.memory_space<semaphore_mem>> -> memref<!tpu.dma_semaphore, #tpu.memory_space<semaphore_mem>>
    %dma_wait3A_434 = arith.constant 0 : i32
    %dma_wait3A_435 = arith.constant 0 : i32
    %dma_wait3A_436 = arith.constant 0 : i32
    %dma_wait3A_437 = tpu.memref_slice %arg4[%select_n3A_402, %dma_wait3A_434, %select_n3A_418, %dma_wait3A_435, %dma_wait3A_436] : memref<50x8x128x8x128xf32, #tpu.memory_space<hbm>> -> memref<1x8x1x8x128xf32, #tpu.memory_space<hbm>>
    %dma_wait3A_438 = tpu.memref_squeeze %dma_wait3A_437 : memref<1x8x1x8x128xf32, #tpu.memory_space<hbm>> -> memref<8x8x128xf32, #tpu.memory_space<hbm>>
    %dma_wait3A_439 = arith.constant 0 : i32
    %dma_wait3A_440 = arith.constant 0 : i32
    %dma_wait3A_441 = arith.constant 0 : i32
    %dma_wait3A_442 = tpu.memref_slice %arg7[%dma_wait3A_419, %dma_wait3A_420, %dma_wait3A_439, %dma_wait3A_440, %dma_wait3A_441] : memref<2x2x8x8x133xf32, #tpu.memory_space<vmem>> -> memref<1x1x8x8x128xf32, #tpu.memory_space<vmem>>
    %dma_wait3A_443 = tpu.memref_squeeze %dma_wait3A_442 : memref<1x1x8x8x128xf32, #tpu.memory_space<vmem>> -> memref<8x8x128xf32, #tpu.memory_space<vmem>>
    tpu.wait_dma2 semaphore(%dma_wait3A_433 : memref<!tpu.dma_semaphore, #tpu.memory_space<semaphore_mem>>) src(%dma_wait3A_443 : memref<8x8x128xf32, #tpu.memory_space<vmem>>) dst(%dma_wait3A_438 : memref<8x8x128xf32, #tpu.memory_space<hbm>>)
    return
  }
}

</mosaic_0001>

<sc_bundles>
// kernel: kernel.3.cloned.1.call-start
scs
__scs_entry_jumppad:
0x0: {  	(pc) =	sbr.rel $0x88, $3  }
0x1: {  	(tag) =	ssettag $0x0;
	lr =	simm.s32 $0x1  }
0x2: {  	[smem:$0x3F9F] =	sst lr;
	_ =	strace $0xD0000000  }
0x3: {  	_ = 	snop  }
0x4: {  	_ = 	snop  }
0x5: {  	_ = 	snop  }
0x6: {  	_ = 	snop  }
0x7: {  	_ = 	snop  }
__scs_overlays_trampoline_lowered:
0x8: {  	[smem:$0x3FAE] =	sst s0  }
0x9: {  	[smem:$0x3FAF] =	sst s1  }
0xa: {  	[smem:$0x3FB0] =	sst s2  }
0xb: {  	[smem:$0x3FB1] =	sst s3  }
0xc: {  	[smem:$0x3FB2] =	sst s4  }
0xd: {  	[smem:$0x3FB3] =	sst s5  }
0xe: {  	[smem:$0x3FB4] =	sst s6  }
0xf: {  	[smem:$0x3FB5] =	sst s7  }
0x10: {  	[smem:$0x3FB6] =	sst s8  }
0x11: {  	[smem:$0x3FB7] =	sst s9;
	s0 =	simm.s32 @!p0 $0x0  }
0x12: {  	s1 =	sld [smem:$0x3F9D];
	s0 =	simm.s32 @p0 $0x1  }
0x13: {  	[smem:$0x3FB8] =	sst s0;
	s0 =	simm.s32 @!p1 $0x0  }
0x14: {  	s2 =	sld [smem:$0x3F9C];
	s0 =	simm.s32 @p1 $0x1  }
0x15: {  	[smem:$0x3FB9] =	sst s0;
	s0 =	simm.s32 @!p2 $0x0  }
0x16: {  	s3 =	sld [smem:$0x3FDB];
	s0 =	simm.s32 @p2 $0x1  }
0x17: {  	s4 =	simm.s32 $0x1BF5;
	[smem:$0x3FBB] =	sst s0  }
0x18: {  	s0 =	sld [smem:$0x3F9E];
	_ =	swait.ge [sflag:s4], $0x0  }
0x19: {  	s7 =	sld [smem:$0x3F9F]  }
0x1a: {  	s8 =	sadd.s32 $0xFFFFE003, lr  }
0x1b: {  	s9 =	sadd.s32 $0xFFFFFEF7, lr;
	s5 =	simm.s32 $0xFFFFFFFF;
	p2 =	slt.u32 s8, $0xFFFFF086  }
0x1c: {  	p1 =	slt.u32 s9, $0xF7A;
	s5 =	simm.s32 @!p2 $0x0  }
0x1d: {  	s5 =	simm.s32 @p1 $0x1;
	p0 =	seq.s32 s7, s2  }
0x1e: {  	s7 =	smul.u32 @!p0 $0xF7A, s2;
	p2 =	seq.s32 @!p0 s5, $0x0  }
0x1f: {  	s9 =	smul.u32 $0xF7A, s1;
	s8 =	simm.s32 @!p0 $0x1BF5;
	p2 =	por !p2, p0  }
0x20: {  	[sflag:s8] =	ssyncset.s32 @!p0 $0xFFFFF086;
	s6 =	sadd.s32 @!p0 s3, s7;
	s7 =	simm.s32 @!p0 $0x108  }
0x21: {  	s3 =	sadd.s32 s3, s9;
	s6 =	sadd.s32 @!p0 $0x88, s6;
	s7 =	simm.s32 @p2 $0x1082  }
0x22: {  	[simem:s7], [sflag:s8] =	dma.local @!p0 [hbm:s6], $0xF7A  }
0x23: {  	s9 =	sor.u32 $0xD0000000, s2;
	s6 =	simm.s32 $0x108;
	_ =	swait.ge @!p0 [sflag:s8], $0x0  }
0x24: {  	s3 =	sadd.s32 $0x88, s3;
	s6 =	simm.s32 @!p1 $0x1082;
	[sflag:s4] =	ssyncset.s32 $0xFFFFF086  }
0x25: {  	[simem:s6], [sflag:s4] =	dma.local [hbm:s3], $0xF7A  }
0x26: {  	[smem:$0x3F9F] =	sst s1;
	(tag) =	ssettag s2;
	_ =	strace s9  }
0x27: {  	s1 =	sld [smem:$0x3FAF]  }
0x28: {  	s2 =	sld [smem:$0x3FB0]  }
0x29: {  	s4 =	sld [smem:$0x3FB2]  }
0x2a: {  	p0 =	seq.s32 s5, $0x0;
	s5 =	sld [smem:$0x3FB3]  }
0x2b: {  	s6 =	sld [smem:$0x3FB4]  }
0x2c: {  	s7 =	sld [smem:$0x3FB5]  }
0x2d: {  	s3 =	simm.s32 $0x108;
	s8 =	sld [smem:$0x3FB6]  }
0x2e: {  	s3 =	simm.s32 @!p0 $0x1082;
	s9 =	sld [smem:$0x3FB7]  }
0x2f: {  	lr =	sadd.s32 s0, s3;
	s0 =	sld [smem:$0x3FAE]  }
0x30: {  	s3 =	sld [smem:$0x3FB1]  }
0x31: {  	[smem:$0x3FBA] =	sst s10  }
0x32: {  	s10 =	sld [smem:$0x3FB8];
	_ =	sdelay $0x3  }
0x33: {  	p0 =	seq.s32 s10, $0x1;
	s10 =	sld [smem:$0x3FBA];
	_ =	sdelay $0x3  }
0x34: {  	[smem:$0x3FBA] =	sst s10  }
0x35: {  	s10 =	sld [smem:$0x3FB9];
	_ =	sdelay $0x3  }
0x36: {  	p1 =	seq.s32 s10, $0x1;
	s10 =	sld [smem:$0x3FBA];
	_ =	sdelay $0x3  }
0x37: {  	[smem:$0x3FBA] =	sst s10  }
0x38: {  	s10 =	sld [smem:$0x3FBB]  }
0x39: {  	_ = 	snop;
	(pc) =	sbr.ind lr, $3  }
0x3a: {  	_ = 	snop  }
0x3b: {  	_ = 	snop  }
0x3c: {  	p2 =	seq.s32 s10, $0x1;
	s10 =	sld [smem:$0x3FBA]  }
0x3d: {  	_ =	shalt  }
0x3e: {  	_ =	shalt  }
0x3f: {  	_ =	shalt  }
0x40: {  	_ =	shalt  }
0x41: {  	_ =	shalt  }
0x42: {  	_ =	shalt  }
0x43: {  	_ =	shalt  }
0x44: {  	_ =	shalt  }
0x45: {  	_ =	shalt  }
0x46: {  	_ =	shalt  }
0x47: {  	_ =	shalt  }
0x48: {  	_ =	shalt  }
0x49: {  	_ =	shalt  }
0x4a: {  	_ =	shalt  }
0x4b: {  	_ =	shalt  }
0x4c: {  	_ =	shalt  }
0x4d: {  	_ =	shalt  }
0x4e: {  	_ =	shalt  }
0x4f: {  	_ =	shalt  }
0x50: {  	_ =	shalt  }
0x51: {  	_ =	shalt  }
0x52: {  	_ =	shalt  }
0x53: {  	_ =	shalt  }
0x54: {  	_ =	shalt  }
0x55: {  	_ =	shalt  }
0x56: {  	_ =	shalt  }
0x57: {  	_ =	shalt  }
0x58: {  	_ =	shalt  }
0x59: {  	_ =	shalt  }
0x5a: {  	_ =	shalt  }
0x5b: {  	_ =	shalt  }
0x5c: {  	_ =	shalt  }
0x5d: {  	_ =	shalt  }
0x5e: {  	_ =	shalt  }
0x5f: {  	_ =	shalt  }
0x60: {  	_ =	shalt  }
0x61: {  	_ =	shalt  }
0x62: {  	_ =	shalt  }
0x63: {  	_ =	shalt  }
0x64: {  	_ =	shalt  }
0x65: {  	_ =	shalt  }
0x66: {  	_ =	shalt  }
0x67: {  	_ =	shalt  }
0x68: {  	_ =	shalt  }
0x69: {  	_ =	shalt  }
0x6a: {  	_ =	shalt  }
0x6b: {  	_ =	shalt  }
0x6c: {  	_ =	shalt  }
0x6d: {  	_ =	shalt  }
0x6e: {  	_ =	shalt  }
0x6f: {  	_ =	shalt  }
0x70: {  	_ =	shalt  }
0x71: {  	_ =	shalt  }
0x72: {  	_ =	shalt  }
0x73: {  	_ =	shalt  }
0x74: {  	_ =	shalt  }
0x75: {  	_ =	shalt  }
0x76: {  	_ =	shalt  }
0x77: {  	_ =	shalt  }
0x78: {  	_ =	shalt  }
0x79: {  	_ =	shalt  }
0x7a: {  	_ =	shalt  }
0x7b: {  	_ =	shalt  }
0x7c: {  	_ =	shalt  }
0x7d: {  	_ =	shalt  }
0x7e: {  	_ =	shalt  }
0x7f: {  	_ =	shalt  }
0x80: {  	_ =	shalt  }
0x81: {  	_ =	shalt  }
0x82: {  	_ =	shalt  }
0x83: {  	_ =	shalt  }
0x84: {  	_ =	shalt  }
0x85: {  	_ =	shalt  }
0x86: {  	_ =	shalt  }
0x87: {  	_ =	shalt  }
.Lfunc_end0:
.L_simem_size_0:
called_computation_lowered:
.L_overlay_start_0:
0x88: {  	s2 =	sld [smem:$0x3FD9]  }
0x89: {  	s3 =	sld [smem:$0x3FFE];
	_ =	sdelay $0x1  }
0x8a: {  	s1 =	srdreg.scid  }
0x8b: {  	s0 =	sand.u32 $0x1, s1  }
0x8c: {  	s17 =	sshll.u32 s0, $0xA;
	s2 =	sadd.s32 s3, s2  }
0x8d: {  	s2 =	sadd.s32 s2, s17  }
0x8e: {  	[smem:$0x3FC6] =	sst s2  }
0x8f: {  	_ = 	snop  }
0x90: {  	s2 =	sld [smem:$0x3FD0];
	(tm) =	ssettm $0x1  }
0x91: {  	s18 =	sld [smem:$0x3FFB];
	_ =	sdelay $0x3  }
0x92: {  	_ =	strace s18  }
0x93: {  	s3 =	sld [smem:$0x3FFC];
	_ =	sdelay $0x3  }
0x94: {  	_ =	strace s3  }
0x95: {  	s3 =	sld [smem:$0x3FFD];
	_ =	sdelay $0x3  }
0x96: {  	_ =	strace s3  }
0x97: {  	_ =	strace $0x8FFFFFFF  }
0x98: {  	s19 =	sld [smem:$0x3FDB];
	_ =	sdelay $0x1  }
0x99: {  	s4 =	simm.s32 $_scs_section_size  }
0x9a: {  	s5 =	simm.s32 $_size__tile_overlayer_lowered;
	s6 =	simm.s32 $_tile_overlayer_lowered  }
0x9b: {  	s22 =	simm.s32 $0x1BFF;
	s21 =	sshll.u32 s6, $0x1;
	s3 =	sadd.s32 s4, s19  }
0x9c: {  	s7 =	simm.s32 $0x0;
	s20 =	sshll.u32 s5, $0x1;
	s5 =	sadd.s32 s21, s3  }
0x9d: {  	[timem:s7], [sflag:s22] =	dma.local [hbm:s5], s20  }
0x9e: {  	_ =	swait.ge [sflag:s22], s20  }
0x9f: {  	s4 =	ssub.s32 $0x0, s20;
	[sflag:s22] =	ssyncset.done $0x0  }
0xa0: {  	[sflag:s22] =	ssyncadd.s32 s4;
	_ =	sdelay $0x1  }
0xa1: {  	s23 =	simm.s32 $0x1B8B  }
0xa2: {  	_ =	swait.ge [sflag:s23], $0x1  }
0xa3: {  	[sflag:s23] =	ssyncset.done $0x0  }
0xa4: {  	s25 =	simm.s32 $0x1B8E;
	s24 =	sld [smem:$0x3FFE];
	[sflag:s23] =	ssyncadd.s32 $0xFFFFFFFF  }
0xa5: {  	s26 =	simm.s32 $execute0_lowered;
	[smem:$0x3FD2] =	sst s25  }
0xa6: {  	s5 =	sshll.u32 s26, $0x1;
	_ =	strace $0x80000046;
	[dreg:$0x1] =	wrdreg $0xFFFFFFFF  }
0xa7: {  	s28 =	simm.s32 $_size_execute0_lowered;
	s3 =	sadd.s32 s3, s5;
	[dreg:$0x0] =	wrdreg $0x0  }
0xa8: {  	s5 =	sshll.u32 s28, $0x1;
	[dreg:$0x2] =	wrdreg s3  }
0xa9: {  	[dreg:$0x3] =	wrdreg s5  }
0xaa: {  	[dreg:$0x4] =	wrdreg $0xC0  }
0xab: {  	_ =	task [dreg:s7], $0x5FFFF  }
0xac: {  	[dreg:$0x1] =	wrdreg $0xFFFFFFFF  }
0xad: {  	[dreg:$0x0] =	wrdreg $0x60  }
0xae: {  	[dreg:$0x2] =	wrdreg s24  }
0xaf: {  	[dreg:$0x3] =	wrdreg s2  }
0xb0: {  	[dreg:$0x4] =	wrdreg $0x9  }
0xb1: {  	_ =	task.clear_ibuf [dreg:s7], $0x5FFFF;
	_ =	strace $0x90000046  }
0xb2: {  	s29 =	simm.s32 $0x9;
	_ =	strace $0x80000048  }
0xb3: {  	_ =	swait.ge [sflag:s29], $0x1  }
0xb4: {  	[sflag:s29] =	ssyncadd.s32 $0xFFFFFFFF  }
0xb5: {  	_ =	strace $0x90000048  }
0xb6: {  	_ =	sfence  }
0xb7: {  	s30 =	sld [smem:$0x0];
	_ =	sdelay $0x2  }
0xb8: {  	s31 =	sshll.u32 s1, $0xD;
	s1 =	sshrl.u32 s1, $0x2  }
0xb9: {  	s3 =	sand.u32 $0x4000, s31;
	s1 =	sadd.s32 s1, s30  }
0xba: {  	s0 =	sor.u32 s3, s0;
	s1 =	sshll.u32 s1, $0x11  }
0xbb: {  	s0 =	sor.u32 s1, s0  }
0xbc: {  	s0 =	sadd.s32 $0x8F2B, s0  }
0xbd: {  	[sflag:s0] =	ssyncadd.remote.s32 $0x1  }
0xbe: {  	_ =	sfence.sel $0xFFFF  }
0xbf: {  	[dreg:$0x0] =	wrdreg $0xFFFFFFFF;
	(pc) =	sbr.abs _section_cstart, $3  }
0xc0: {  	[dreg:$0x1] =	wrdreg $0xFFFFFFFF  }
0xc1: {  	_ =	task.clear_ibuf [dreg:s7], $0x2FFFF;
	_ =	strace $0x9FFFFFFF  }
0xc2: {  	(tm) =	ssettm $0x7FFFFFFF  }
0xc3: {  	_ =	shalt  }
tec
execute0_lowered:
.L_overlay_start_1:
0x0: {  	(tag) =	ssettag $0x1  }
0x1: {  	s0 =	rddreg [dreg:$0x0]  }
0x2: {  	s1 =	srdreg.scid;
	s3 =	stileid.u32  }
0x3: {  	s2 =	rddreg [dreg:$0x1];
	s12 =	simm.s32 $0x100;
	s14 =	simm.s32 $0x6  }
0x4: {  	s15 =	simm.s32 $0x80;
	s17 =	simm.s32 $0x7;
	s20 =	simm.s32 $0x6300  }
0x5: {  	s21 =	simm.s32 $0x4;
	s1 =	sand.u32 $0x1, s1;
	s4 =	sshll.u32 s3, $0x1  }
0x6: {  	s22 =	simm.s32 $0x5;
	s23 =	simm.s32 $0x0;
	s5 =	sor.u32 s1, s4  }
0x7: {  	s3 =	simm.s32 $0x0;
	s7 =	sadd.s32 $0xF42A00, s0;
	s6 =	smul.u32 $0xC80, s5  }
0x8: {  	v0 =	vlaneseq.u32;
	[smem:$0x7FF] =	sst s3;
	s1 =	ssub.s32 $0x2, s1;
	s5 =	smul.u32 $0x64, s5  }
0x9: {  	v1 =	vimm.s32 $0x0;
	vm0 =	vcmask $0x300;
	v0 =	vmul.u32 $0x88, v0;
	s4 =	sadd.s32 $0x600, s0;
	_ =	strace $0x80000047;
	s8 =	sshrl.u32 s1, $0x1  }
0xa: {  	v1 =	vsel vm0, $0x3, v1;
	s31 =	ssub.s32 s1, s8;
	s6 =	sadd.s32 s4, s6;
	s10 =	sor.u32 $0x3, s5  }
0xb: {  	v2 =	vadd.s32 $0x880, v0;
	v3 =	vadd.s32 $0x1100, v0;
	v4 =	vadd.s32 $0x1980, v0;
	s11 =	smax.u32 s31, $0x1;
	s8 =	sadd.s32 $0x20, s6;
	s9 =	sadd.s32 $0x40, s6  }
.LBB2_1:
0xc: {  	[tilespmem:s3], [sflag:$0x6] =	stream.linear.gather [hbm4b:s6+s3], $0x100, $0x38;
	[tilespmem:$0x14B00] =	vst v63  }
0xd: {  	_ = 	snop  }
0xe: {  	[tilespmem:s12], [sflag:$0x7] =	stream.linear.gather [hbm4b:s8+s3], $0x100, $0x38;
	[tilespmem:$0x14B00] =	vst v63  }
0xf: {  	s0 =	simm.s32 $0x200  }
0x10: {  	[tilespmem:s0], [sflag:$0x8] =	stream.linear.gather [hbm4b:s9+s3], $0x100, $0x38;
	[tilespmem:$0x14B00] =	vst v63  }
0x11: {  	_ =	swait.ge [sflag:s14], $0x100  }
0x12: {  	[sflag:s14] =	ssyncset.done $0x0  }
0x13: {  	s24 =	simm.s32 $0x300;
	[sflag:s14] =	ssyncadd.s32 $0xFFFFFF00  }
0x14: {  	[tilespmem:s24], [sflag:$0x1] =	stream.indirect.gather [hbm4b:s7+s15], $0x40, s3, s15, $0xb8;
	[tilespmem:$0x14B00] =	vst v63  }
0x15: {  	s29 =	simm.s32 $0x2300  }
0x16: {  	[tilespmem:s29], [sflag:$0x1] =	stream.indirect.gather [hbm4b:s7+s15], $0x40, s15, s15, $0xb8;
	[tilespmem:$0x14B00] =	vst v63  }
0x17: {  	_ =	swait.ge [sflag:s17], $0x100  }
0x18: {  	[sflag:s17] =	ssyncset.done $0x0  }
0x19: {  	s30 =	simm.s32 $0x4300;
	[sflag:s17] =	ssyncadd.s32 $0xFFFFFF00  }
0x1a: {  	[tilespmem:s30], [sflag:$0x2] =	stream.indirect.gather [hbm4b:s7+s15], $0x40, s12, s15, $0xb8;
	[tilespmem:$0x14B00] =	vst v63  }
0x1b: {  	s31 =	simm.s32 $0x180;
	p0 =	por $0x0, $0x0;
	s25 =	simm.s32 $0x0  }
0x1c: {  	[tilespmem:s20], [sflag:$0x2] =	stream.indirect.gather [hbm4b:s7+s15], $0x40, s31, s15, $0xb8;
	[tilespmem:$0x14B00] =	vst v63  }
.LBB2_2:
0x1d: {  	s0 =	smul.u32 $0xAB, s25;
	p1 =	sgt.u32 s25, $0x61  }
0x1e: {  	s1 =	sadd.s32 @!p1 $0x2, s25  }
0x1f: {  	s0 =	sshrl.u32 s0, $0x9;
	s13 =	sand.u32 @!p1 $0xFF, s1  }
0x20: {  	s0 =	sand.u32 $0x7F, s0;
	s13 =	smul.u32 @!p1 $0xAB, s13  }
0x21: {  	s0 =	smul.u32 $0x3, s0;
	_ =	sdelay $0x1  }
0x22: {  	s13 =	sshrl.u32 @!p1 s13, $0x9;
	s0 =	ssub.s32 s25, s0  }
0x23: {  	s26 =	sand.u32 $0xFF, s0;
	s0 =	smul.u32 @!p1 $0x3, s13  }
0x24: {  	s19 =	sadd.s32 $0x1, s26  }
0x25: {  	_ =	swait.ge [sflag:s19], $0x4000;
	s0 =	ssub.s32 @!p1 s1, s0  }
0x26: {  	[sflag:s19] =	ssyncset.done $0x0;
	s0 =	sand.u32 @!p1 $0xFF, s0  }
0x27: {  	[sflag:s19] =	ssyncadd.s32 $0xFFFFC000;
	s1 =	sadd.s32 @!p1 $0x6, s0  }
0x28: {  	s18 =	simm.s32 @!p1 $0x80;
	_ =	swait.ge @!p1 [sflag:s1], $0x100  }
0x29: {  	s13 =	sshll.u32 @!p1 s0, $0xE;
	s16 =	sshll.u32 @!p1 s0, $0x8;
	[sflag:s1] =	ssyncset.done @!p1 $0x0  }
0x2a: {  	s0 =	sadd.s32 @!p1 $0x1, s0;
	[sflag:s1] =	ssyncadd.s32 @!p1 $0xFFFFFF00;
	s1 =	sor.u32 @!p1 $0x300, s13  }
0x2b: {  	[tilespmem:s1], [sflag:s0] =	stream.indirect.gather @!p1 [hbm4b:s7+s18], $0x40, s16, s18, $0xb8;
	[tilespmem:$0x14B00] =	vst v63  }
0x2c: {  	s1 =	sor.u32 @!p1 $0x2300, s13;
	s13 =	sor.u32 @!p1 $0x80, s16;
	s16 =	smulhi.u32 $0xAAAAAAAB, s25  }
0x2d: {  	[tilespmem:s1], [sflag:s0] =	stream.indirect.gather @!p1 [hbm4b:s7+s18], $0x40, s13, s18, $0xb8;
	[tilespmem:$0x14B00] =	vst v63  }
0x2e: {  	s1 =	sshrl.u32 s16, $0x1  }
0x2f: {  	p2 =	slt.u32 @!p1 s25, $0x2;
	s1 =	smul.u32 $0xFFFD0000, s1  }
0x30: {  	s19 =	simm.s32 $0x0;
	s0 =	sand.u32 $0x1, s25;
	p1 =	por p1, !p2  }
0x31: {  	s18 =	simm.s32 $0x0;
	s28 =	sor.u32 $0x4, s0;
	s1 =	sshra.s32 s1, $0x2  }
0x32: {  	v6 =	vmov s19;
	s13 =	sand.u32 $0x78, s18;
	_ =	swait.ge @p1 [sflag:s28], $0x2000;
	s1 =	sadd.s32 s1, s24  }
0x33: {  	v6 =	vmul.u32 $0x2200, v6;
	v7 =	vmov s13;
	[sflag:s28] =	ssyncset.done @p1 $0x0;
	v5 =	vmov s1  }
0x34: {  	v7 =	vshrl.u32 v7, $0x3;
	[sflag:s28] =	ssyncadd.s32 @p1 $0xFFFFE000  }
0x35: {  	v6 =	vbroadcast v6, $0x0;
	v7 =	vshll.u32 v7, v1;
	_ =	swait.ge @p1 [sflag:s28], $0x2000  }
0x36: {  	v10 =	vbroadcast v7, $0x0;
	[sflag:s28] =	ssyncset.done @p1 $0x0  }
0x37: {  	s1 =	simm.s32 $0x0;
	v7 =	vadd.s32 v0, v6;
	[sflag:s28] =	ssyncadd.s32 @p1 $0xFFFFE000  }
0x38: {  	v9 =	vadd.s32 v7, v10;
	v8 =	vld.idx.msk [tilespmem:v5+s1+$0x0 ss:$0x1], $0xffff  }
0x39: {  	s0 =	smul.u32 $0x11000, s0;
	_ =	sdelay $0x1  }
0x3a: {  	s0 =	sshrl.u32 s0, $0x2  }
0x3b: {  	s30 =	sadd.s32 $0xC300, s0  }
0x3c: {  	[tilespmem:v9+s30+$0x0] =	vst.idx.msk $0xffff, v8;
	v8 =	vadd.s32 v2, v6  }
0x3d: {  	v9 =	vld.idx.msk [tilespmem:v5+s1+$0x10 ss:$0x1], $0xffff;
	v11 =	vadd.s32 v8, v10;
	_ =	sdelay $0x4  }
0x3e: {  	v32 =	vadd.s32 v3, v6;
	[tilespmem:v11+s30+$0x0] =	vst.idx.msk $0xffff, v9  }
0x3f: {  	v12 =	vadd.s32 v32, v10;
	v11 =	vld.idx.msk [tilespmem:v5+s1+$0x20 ss:$0x1], $0xffff;
	_ =	sdelay $0x3  }
0x40: {  	s31 =	simm.s32 $0x1  }
0x41: {  	s16 =	sand.u32 $0x78, s31;
	v6 =	vadd.s32 v4, v6;
	[tilespmem:v12+s30+$0x0] =	vst.idx.msk $0xffff, v11  }
0x42: {  	v33 =	vmov s16;
	v10 =	vadd.s32 v6, v10;
	v11 =	vld.idx.msk [tilespmem:v5+s1+$0x30 ss:$0x1], $0xffff  }
0x43: {  	v12 =	vshrl.u32 v33, $0x3  }
0x44: {  	v12 =	vshll.u32 v12, v1  }
0x45: {  	v12 =	vbroadcast v12, $0x0;
	_ =	sdelay $0x1  }
0x46: {  	v34 =	vadd.s32 v7, v12;
	[tilespmem:v10+s30+$0x0] =	vst.idx.msk $0xffff, v11  }
0x47: {  	v10 =	vor.u32 $0x1, v34;
	v11 =	vld.idx.msk [tilespmem:v5+s1+$0x40 ss:$0x1], $0xffff;
	_ =	sdelay $0x4  }
0x48: {  	v35 =	vadd.s32 v8, v12;
	[tilespmem:v10+s30+$0x0] =	vst.idx.msk $0xffff, v11  }
0x49: {  	v10 =	vor.u32 $0x1, v35;
	v11 =	vld.idx.msk [tilespmem:v5+s1+$0x50 ss:$0x1], $0xffff;
	_ =	sdelay $0x4  }
0x4a: {  	v36 =	vadd.s32 v32, v12;
	[tilespmem:v10+s30+$0x0] =	vst.idx.msk $0xffff, v11  }
0x4b: {  	v10 =	vor.u32 $0x1, v36;
	v11 =	vld.idx.msk [tilespmem:v5+s1+$0x60 ss:$0x1], $0xffff;
	_ =	sdelay $0x3  }
0x4c: {  	s18 =	simm.s32 $0x2  }
0x4d: {  	s0 =	sand.u32 $0x78, s18;
	v37 =	vadd.s32 v6, v12;
	[tilespmem:v10+s30+$0x0] =	vst.idx.msk $0xffff, v11  }
0x4e: {  	v38 =	vmov s0;
	v10 =	vor.u32 $0x1, v37;
	v11 =	vld.idx.msk [tilespmem:v5+s1+$0x70 ss:$0x1], $0xffff  }
0x4f: {  	v12 =	vshrl.u32 v38, $0x3  }
0x50: {  	v12 =	vshll.u32 v12, v1  }
0x51: {  	v12 =	vbroadcast v12, $0x0;
	_ =	sdelay $0x1  }
0x52: {  	v39 =	vadd.s32 v7, v12;
	[tilespmem:v10+s30+$0x0] =	vst.idx.msk $0xffff, v11  }
0x53: {  	v10 =	vor.u32 $0x2, v39;
	v11 =	vld.idx.msk [tilespmem:v5+s1+$0x80 ss:$0x1], $0xffff;
	_ =	sdelay $0x4  }
0x54: {  	v40 =	vadd.s32 v8, v12;
	[tilespmem:v10+s30+$0x0] =	vst.idx.msk $0xffff, v11  }
0x55: {  	v10 =	vor.u32 $0x2, v40;
	v11 =	vld.idx.msk [tilespmem:v5+s1+$0x90 ss:$0x1], $0xffff;
	_ =	sdelay $0x4  }
0x56: {  	v41 =	vadd.s32 v32, v12;
	[tilespmem:v10+s30+$0x0] =	vst.idx.msk $0xffff, v11  }
0x57: {  	v10 =	vor.u32 $0x2, v41;
	v11 =	vld.idx.msk [tilespmem:v5+s1+$0xA0 ss:$0x1], $0xffff;
	_ =	sdelay $0x3  }
0x58: {  	s19 =	simm.s32 $0x3  }
0x59: {  	s0 =	sand.u32 $0x78, s19;
	v42 =	vadd.s32 v6, v12;
	[tilespmem:v10+s30+$0x0] =	vst.idx.msk $0xffff, v11  }
0x5a: {  	v43 =	vmov s0;
	v10 =	vor.u32 $0x2, v42;
	v11 =	vld.idx.msk [tilespmem:v5+s1+$0xB0 ss:$0x1], $0xffff  }
0x5b: {  	v12 =	vshrl.u32 v43, $0x3  }
0x5c: {  	v12 =	vshll.u32 v12, v1  }
0x5d: {  	v12 =	vbroadcast v12, $0x0;
	_ =	sdelay $0x1  }
0x5e: {  	v44 =	vadd.s32 v7, v12;
	[tilespmem:v10+s30+$0x0] =	vst.idx.msk $0xffff, v11  }
0x5f: {  	v10 =	vor.u32 $0x3, v44;
	v11 =	vld.idx.msk [tilespmem:v5+s1+$0xC0 ss:$0x1], $0xffff;
	_ =	sdelay $0x4  }
0x60: {  	v45 =	vadd.s32 v8, v12;
	[tilespmem:v10+s30+$0x0] =	vst.idx.msk $0xffff, v11  }
0x61: {  	v10 =	vor.u32 $0x3, v45;
	v11 =	vld.idx.msk [tilespmem:v5+s1+$0xD0 ss:$0x1], $0xffff;
	_ =	sdelay $0x4  }
0x62: {  	v46 =	vadd.s32 v32, v12;
	[tilespmem:v10+s30+$0x0] =	vst.idx.msk $0xffff, v11  }
0x63: {  	v10 =	vor.u32 $0x3, v46;
	v11 =	vld.idx.msk [tilespmem:v5+s1+$0xE0 ss:$0x1], $0xffff;
	_ =	sdelay $0x3  }
0x64: {  	s13 =	simm.s32 $0x4  }
0x65: {  	s0 =	sand.u32 $0x78, s13;
	v47 =	vadd.s32 v6, v12;
	[tilespmem:v10+s30+$0x0] =	vst.idx.msk $0xffff, v11  }
0x66: {  	v48 =	vmov s0;
	v10 =	vor.u32 $0x3, v47;
	v11 =	vld.idx.msk [tilespmem:v5+s1+$0xF0 ss:$0x1], $0xffff  }
0x67: {  	v12 =	vshrl.u32 v48, $0x3  }
0x68: {  	v12 =	vshll.u32 v12, v1  }
0x69: {  	v12 =	vbroadcast v12, $0x0;
	_ =	sdelay $0x1  }
0x6a: {  	v49 =	vadd.s32 v7, v12;
	[tilespmem:v10+s30+$0x0] =	vst.idx.msk $0xffff, v11  }
0x6b: {  	v10 =	vor.u32 $0x4, v49;
	v11 =	vld.idx.msk [tilespmem:v5+s1+$0x100 ss:$0x1], $0xffff;
	_ =	sdelay $0x4  }
0x6c: {  	v50 =	vadd.s32 v8, v12;
	[tilespmem:v10+s30+$0x0] =	vst.idx.msk $0xffff, v11  }
0x6d: {  	v10 =	vor.u32 $0x4, v50;
	v11 =	vld.idx.msk [tilespmem:v5+s1+$0x110 ss:$0x1], $0xffff;
	_ =	sdelay $0x4  }
0x6e: {  	v51 =	vadd.s32 v32, v12;
	[tilespmem:v10+s30+$0x0] =	vst.idx.msk $0xffff, v11  }
0x6f: {  	v10 =	vor.u32 $0x4, v51;
	v11 =	vld.idx.msk [tilespmem:v5+s1+$0x120 ss:$0x1], $0xffff;
	_ =	sdelay $0x3  }
0x70: {  	s16 =	simm.s32 $0x5  }
0x71: {  	s0 =	sand.u32 $0x78, s16;
	v52 =	vadd.s32 v6, v12;
	[tilespmem:v10+s30+$0x0] =	vst.idx.msk $0xffff, v11  }
0x72: {  	v53 =	vmov s0;
	v10 =	vor.u32 $0x4, v52;
	v11 =	vld.idx.msk [tilespmem:v5+s1+$0x130 ss:$0x1], $0xffff  }
0x73: {  	v12 =	vshrl.u32 v53, $0x3  }
0x74: {  	v12 =	vshll.u32 v12, v1  }
0x75: {  	v12 =	vbroadcast v12, $0x0;
	_ =	sdelay $0x1  }
0x76: {  	v54 =	vadd.s32 v7, v12;
	[tilespmem:v10+s30+$0x0] =	vst.idx.msk $0xffff, v11  }
0x77: {  	v10 =	vor.u32 $0x5, v54;
	v11 =	vld.idx.msk [tilespmem:v5+s1+$0x140 ss:$0x1], $0xffff;
	_ =	sdelay $0x4  }
0x78: {  	v55 =	vadd.s32 v8, v12;
	[tilespmem:v10+s30+$0x0] =	vst.idx.msk $0xffff, v11  }
0x79: {  	v10 =	vor.u32 $0x5, v55;
	v11 =	vld.idx.msk [tilespmem:v5+s1+$0x150 ss:$0x1], $0xffff;
	_ =	sdelay $0x4  }
0x7a: {  	v56 =	vadd.s32 v32, v12;
	[tilespmem:v10+s30+$0x0] =	vst.idx.msk $0xffff, v11  }
0x7b: {  	v10 =	vor.u32 $0x5, v56;
	v11 =	vld.idx.msk [tilespmem:v5+s1+$0x160 ss:$0x1], $0xffff;
	_ =	sdelay $0x3  }
0x7c: {  	s18 =	simm.s32 $0x6  }
0x7d: {  	s0 =	sand.u32 $0x78, s18;
	v57 =	vadd.s32 v6, v12;
	[tilespmem:v10+s30+$0x0] =	vst.idx.msk $0xffff, v11  }
0x7e: {  	v58 =	vmov s0;
	v10 =	vor.u32 $0x5, v57;
	v11 =	vld.idx.msk [tilespmem:v5+s1+$0x170 ss:$0x1], $0xffff  }
0x7f: {  	v12 =	vshrl.u32 v58, $0x3  }
0x80: {  	v12 =	vshll.u32 v12, v1  }
0x81: {  	v12 =	vbroadcast v12, $0x0;
	_ =	sdelay $0x1  }
0x82: {  	v59 =	vadd.s32 v7, v12;
	[tilespmem:v10+s30+$0x0] =	vst.idx.msk $0xffff, v11  }
0x83: {  	v10 =	vor.u32 $0x6, v59;
	v11 =	vld.idx.msk [tilespmem:v5+s1+$0x180 ss:$0x1], $0xffff;
	_ =	sdelay $0x4  }
0x84: {  	v60 =	vadd.s32 v8, v12;
	[tilespmem:v10+s30+$0x0] =	vst.idx.msk $0xffff, v11  }
0x85: {  	v10 =	vor.u32 $0x6, v60;
	v11 =	vld.idx.msk [tilespmem:v5+s1+$0x190 ss:$0x1], $0xffff;
	_ =	sdelay $0x4  }
0x86: {  	v61 =	vadd.s32 v32, v12;
	[tilespmem:v10+s30+$0x0] =	vst.idx.msk $0xffff, v11  }
0x87: {  	v10 =	vor.u32 $0x6, v61;
	v11 =	vld.idx.msk [tilespmem:v5+s1+$0x1A0 ss:$0x1], $0xffff;
	_ =	sdelay $0x3  }
0x88: {  	s19 =	simm.s32 $0x7  }
0x89: {  	s0 =	sand.u32 $0x78, s19;
	v62 =	vadd.s32 v6, v12;
	[tilespmem:v10+s30+$0x0] =	vst.idx.msk $0xffff, v11  }
0x8a: {  	v63 =	vmov s0;
	v10 =	vor.u32 $0x6, v62;
	v11 =	vld.idx.msk [tilespmem:v5+s1+$0x1B0 ss:$0x1], $0xffff  }
0x8b: {  	v12 =	vshrl.u32 v63, $0x3  }
0x8c: {  	v12 =	vshll.u32 v12, v1  }
0x8d: {  	v12 =	vbroadcast v12, $0x0;
	_ =	sdelay $0x1  }
0x8e: {  	v7 =	vadd.s32 v7, v12;
	[tilespmem:v10+s30+$0x0] =	vst.idx.msk $0xffff, v11  }
0x8f: {  	v7 =	vor.u32 $0x7, v7;
	v10 =	vld.idx.msk [tilespmem:v5+s1+$0x1C0 ss:$0x1], $0xffff;
	_ =	sdelay $0x4  }
0x90: {  	[tilespmem:v7+s30+$0x0] =	vst.idx.msk $0xffff, v10;
	v7 =	vadd.s32 v8, v12  }
0x91: {  	v8 =	vld.idx.msk [tilespmem:v5+s1+$0x1D0 ss:$0x1], $0xffff;
	v7 =	vor.u32 $0x7, v7;
	_ =	sdelay $0x4  }
0x92: {  	[tilespmem:v7+s30+$0x0] =	vst.idx.msk $0xffff, v8;
	v7 =	vadd.s32 v32, v12  }
0x93: {  	v8 =	vld.idx.msk [tilespmem:v5+s1+$0x1E0 ss:$0x1], $0xffff;
	v7 =	vor.u32 $0x7, v7  }
0x94: {  	s0 =	simm.s32 $0x1  }
0x95: {  	s0 =	simm.s32 @!p0 $0x0  }
0x96: {  	s0 =	smul.u32 $0x11000, s0;
	_ =	sdelay $0x1  }
0x97: {  	s13 =	simm.s32 $0x1000;
	s16 =	simm.s32 $0x0;
	s0 =	sshrl.u32 s0, $0x2;
	[tilespmem:v7+s30+$0x0] =	vst.idx.msk $0xffff, v8;
	v7 =	vadd.s32 v6, v12  }
0x98: {  	s29 =	sadd.s32 $0xC300, s0;
	s0 =	simm.s32 $0x800;
	v6 =	vld.idx.msk [tilespmem:v5+s1+$0x1F0 ss:$0x1], $0xffff;
	v7 =	vor.u32 $0x7, v7;
	s1 =	simm.s32 $0x8  }
.LBB2_3:
0x99: {  	p1 =	sne.s32 s13, $0xF800;
	s18 =	sand.u32 $0x78, s1;
	v8 =	vmov s16  }
0x9a: {  	v9 =	vmov s18;
	v8 =	vmul.u32 $0x2200, v8  }
0x9b: {  	v9 =	vshrl.u32 v9, $0x3  }
0x9c: {  	v10 =	vbroadcast v8, $0x0;
	v8 =	vshll.u32 v9, v1  }
0x9d: {  	s16 =	sshra.s32 s0, $0x2;
	s0 =	smov.u32 s13;
	v11 =	vbroadcast v8, $0x0;
	[tilespmem:v7+s30+$0x0] =	vst.idx.msk $0xffff, v6  }
0x9e: {  	v7 =	vld.idx.msk [tilespmem:v5+s16+$0x0 ss:$0x1], $0xffff;
	v6 =	vadd.s32 v0, v10  }
0x9f: {  	v8 =	vadd.s32 v6, v11;
	_ =	sdelay $0x4  }
0xa0: {  	[tilespmem:v8+s30+$0x0] =	vst.idx.msk $0xffff, v7  }
0xa1: {  	v7 =	vadd.s32 v2, v10;
	v8 =	vld.idx.msk [tilespmem:v5+s16+$0x10 ss:$0x1], $0xffff  }
0xa2: {  	v9 =	vadd.s32 v7, v11;
	_ =	sdelay $0x4  }
0xa3: {  	[tilespmem:v9+s30+$0x0] =	vst.idx.msk $0xffff, v8  }
0xa4: {  	v8 =	vadd.s32 v3, v10;
	v9 =	vld.idx.msk [tilespmem:v5+s16+$0x20 ss:$0x1], $0xffff  }
0xa5: {  	v12 =	vadd.s32 v8, v11;
	_ =	sdelay $0x4  }
0xa6: {  	[tilespmem:v12+s30+$0x0] =	vst.idx.msk $0xffff, v9  }
0xa7: {  	s18 =	sadd.s32 $0x1, s1;
	v9 =	vadd.s32 v4, v10;
	v12 =	vld.idx.msk [tilespmem:v5+s16+$0x30 ss:$0x1], $0xffff  }
0xa8: {  	s18 =	sand.u32 $0x78, s18;
	v10 =	vadd.s32 v9, v11  }
0xa9: {  	v11 =	vmov s18  }
0xaa: {  	v11 =	vshrl.u32 v11, $0x3  }
0xab: {  	v11 =	vshll.u32 v11, v1  }
0xac: {  	v11 =	vbroadcast v11, $0x0  }
0xad: {  	[tilespmem:v10+s30+$0x0] =	vst.idx.msk $0xffff, v12  }
0xae: {  	v12 =	vadd.s32 v6, v11;
	v10 =	vld.idx.msk [tilespmem:v5+s16+$0x40 ss:$0x1], $0xffff  }
0xaf: {  	v12 =	vor.u32 $0x1, v12;
	_ =	sdelay $0x4  }
0xb0: {  	[tilespmem:v12+s30+$0x0] =	vst.idx.msk $0xffff, v10  }
0xb1: {  	v12 =	vadd.s32 v7, v11;
	v10 =	vld.idx.msk [tilespmem:v5+s16+$0x50 ss:$0x1], $0xffff  }
0xb2: {  	v12 =	vor.u32 $0x1, v12;
	_ =	sdelay $0x4  }
0xb3: {  	[tilespmem:v12+s30+$0x0] =	vst.idx.msk $0xffff, v10  }
0xb4: {  	v12 =	vadd.s32 v8, v11;
	v10 =	vld.idx.msk [tilespmem:v5+s16+$0x60 ss:$0x1], $0xffff  }
0xb5: {  	v12 =	vor.u32 $0x1, v12;
	_ =	sdelay $0x4  }
0xb6: {  	[tilespmem:v12+s30+$0x0] =	vst.idx.msk $0xffff, v10  }
0xb7: {  	s18 =	sadd.s32 $0x2, s1;
	v11 =	vadd.s32 v9, v11;
	v10 =	vld.idx.msk [tilespmem:v5+s16+$0x70 ss:$0x1], $0xffff  }
0xb8: {  	s18 =	sand.u32 $0x78, s18;
	v11 =	vor.u32 $0x1, v11  }
0xb9: {  	v12 =	vmov s18  }
0xba: {  	v12 =	vshrl.u32 v12, $0x3  }
0xbb: {  	v12 =	vshll.u32 v12, v1  }
0xbc: {  	v12 =	vbroadcast v12, $0x0  }
0xbd: {  	[tilespmem:v11+s30+$0x0] =	vst.idx.msk $0xffff, v10  }
0xbe: {  	v11 =	vadd.s32 v6, v12;
	v10 =	vld.idx.msk [tilespmem:v5+s16+$0x80 ss:$0x1], $0xffff  }
0xbf: {  	v11 =	vor.u32 $0x2, v11;
	_ =	sdelay $0x4  }
0xc0: {  	[tilespmem:v11+s30+$0x0] =	vst.idx.msk $0xffff, v10  }
0xc1: {  	v11 =	vadd.s32 v7, v12;
	v10 =	vld.idx.msk [tilespmem:v5+s16+$0x90 ss:$0x1], $0xffff  }
0xc2: {  	v11 =	vor.u32 $0x2, v11;
	_ =	sdelay $0x4  }
0xc3: {  	[tilespmem:v11+s30+$0x0] =	vst.idx.msk $0xffff, v10  }
0xc4: {  	v11 =	vadd.s32 v8, v12;
	v10 =	vld.idx.msk [tilespmem:v5+s16+$0xA0 ss:$0x1], $0xffff  }
0xc5: {  	v11 =	vor.u32 $0x2, v11;
	_ =	sdelay $0x4  }
0xc6: {  	[tilespmem:v11+s30+$0x0] =	vst.idx.msk $0xffff, v10  }
0xc7: {  	s18 =	sadd.s32 $0x3, s1;
	v11 =	vadd.s32 v9, v12;
	v10 =	vld.idx.msk [tilespmem:v5+s16+$0xB0 ss:$0x1], $0xffff  }
0xc8: {  	s18 =	sand.u32 $0x78, s18;
	v11 =	vor.u32 $0x2, v11  }
0xc9: {  	v12 =	vmov s18  }
0xca: {  	v12 =	vshrl.u32 v12, $0x3  }
0xcb: {  	v12 =	vshll.u32 v12, v1  }
0xcc: {  	v12 =	vbroadcast v12, $0x0  }
0xcd: {  	[tilespmem:v11+s30+$0x0] =	vst.idx.msk $0xffff, v10  }
0xce: {  	v11 =	vadd.s32 v6, v12;
	v10 =	vld.idx.msk [tilespmem:v5+s16+$0xC0 ss:$0x1], $0xffff  }
0xcf: {  	v11 =	vor.u32 $0x3, v11;
	_ =	sdelay $0x4  }
0xd0: {  	[tilespmem:v11+s30+$0x0] =	vst.idx.msk $0xffff, v10  }
0xd1: {  	v11 =	vadd.s32 v7, v12;
	v10 =	vld.idx.msk [tilespmem:v5+s16+$0xD0 ss:$0x1], $0xffff  }
0xd2: {  	v11 =	vor.u32 $0x3, v11;
	_ =	sdelay $0x4  }
0xd3: {  	[tilespmem:v11+s30+$0x0] =	vst.idx.msk $0xffff, v10  }
0xd4: {  	v11 =	vadd.s32 v8, v12;
	v10 =	vld.idx.msk [tilespmem:v5+s16+$0xE0 ss:$0x1], $0xffff  }
0xd5: {  	v11 =	vor.u32 $0x3, v11;
	_ =	sdelay $0x4  }
0xd6: {  	[tilespmem:v11+s30+$0x0] =	vst.idx.msk $0xffff, v10  }
0xd7: {  	s18 =	sadd.s32 $0x4, s1;
	v11 =	vadd.s32 v9, v12;
	v10 =	vld.idx.msk [tilespmem:v5+s16+$0xF0 ss:$0x1], $0xffff  }
0xd8: {  	s18 =	sand.u32 $0x78, s18;
	v11 =	vor.u32 $0x3, v11  }
0xd9: {  	v12 =	vmov s18  }
0xda: {  	v12 =	vshrl.u32 v12, $0x3  }
0xdb: {  	v12 =	vshll.u32 v12, v1  }
0xdc: {  	v12 =	vbroadcast v12, $0x0  }
0xdd: {  	[tilespmem:v11+s30+$0x0] =	vst.idx.msk $0xffff, v10  }
0xde: {  	v11 =	vadd.s32 v6, v12;
	v10 =	vld.idx.msk [tilespmem:v5+s16+$0x100 ss:$0x1], $0xffff  }
0xdf: {  	v11 =	vor.u32 $0x4, v11;
	_ =	sdelay $0x4  }
0xe0: {  	[tilespmem:v11+s30+$0x0] =	vst.idx.msk $0xffff, v10  }
0xe1: {  	v11 =	vadd.s32 v7, v12;
	v10 =	vld.idx.msk [tilespmem:v5+s16+$0x110 ss:$0x1], $0xffff  }
0xe2: {  	v11 =	vor.u32 $0x4, v11;
	_ =	sdelay $0x4  }
0xe3: {  	[tilespmem:v11+s30+$0x0] =	vst.idx.msk $0xffff, v10  }
0xe4: {  	v11 =	vadd.s32 v8, v12;
	v10 =	vld.idx.msk [tilespmem:v5+s16+$0x120 ss:$0x1], $0xffff  }
0xe5: {  	v11 =	vor.u32 $0x4, v11;
	_ =	sdelay $0x4  }
0xe6: {  	[tilespmem:v11+s30+$0x0] =	vst.idx.msk $0xffff, v10  }
0xe7: {  	s18 =	sadd.s32 $0x5, s1;
	v11 =	vadd.s32 v9, v12;
	v10 =	vld.idx.msk [tilespmem:v5+s16+$0x130 ss:$0x1], $0xffff  }
0xe8: {  	s18 =	sand.u32 $0x78, s18;
	v11 =	vor.u32 $0x4, v11  }
0xe9: {  	v12 =	vmov s18  }
0xea: {  	v12 =	vshrl.u32 v12, $0x3  }
0xeb: {  	v12 =	vshll.u32 v12, v1  }
0xec: {  	v12 =	vbroadcast v12, $0x0  }
0xed: {  	[tilespmem:v11+s30+$0x0] =	vst.idx.msk $0xffff, v10  }
0xee: {  	v11 =	vadd.s32 v6, v12;
	v10 =	vld.idx.msk [tilespmem:v5+s16+$0x140 ss:$0x1], $0xffff  }
0xef: {  	v11 =	vor.u32 $0x5, v11;
	_ =	sdelay $0x4  }
0xf0: {  	[tilespmem:v11+s30+$0x0] =	vst.idx.msk $0xffff, v10  }
0xf1: {  	v11 =	vadd.s32 v7, v12;
	v10 =	vld.idx.msk [tilespmem:v5+s16+$0x150 ss:$0x1], $0xffff  }
0xf2: {  	v11 =	vor.u32 $0x5, v11;
	_ =	sdelay $0x4  }
0xf3: {  	[tilespmem:v11+s30+$0x0] =	vst.idx.msk $0xffff, v10  }
0xf4: {  	v11 =	vadd.s32 v8, v12;
	v10 =	vld.idx.msk [tilespmem:v5+s16+$0x160 ss:$0x1], $0xffff  }
0xf5: {  	v11 =	vor.u32 $0x5, v11;
	_ =	sdelay $0x4  }
0xf6: {  	[tilespmem:v11+s30+$0x0] =	vst.idx.msk $0xffff, v10  }
0xf7: {  	s18 =	sadd.s32 $0x6, s1;
	v11 =	vadd.s32 v9, v12;
	v10 =	vld.idx.msk [tilespmem:v5+s16+$0x170 ss:$0x1], $0xffff  }
0xf8: {  	s18 =	sand.u32 $0x78, s18;
	v11 =	vor.u32 $0x5, v11  }
0xf9: {  	v12 =	vmov s18  }
0xfa: {  	v12 =	vshrl.u32 v12, $0x3  }
0xfb: {  	v12 =	vshll.u32 v12, v1  }
0xfc: {  	v12 =	vbroadcast v12, $0x0  }
0xfd: {  	[tilespmem:v11+s30+$0x0] =	vst.idx.msk $0xffff, v10  }
0xfe: {  	v11 =	vadd.s32 v6, v12;
	v10 =	vld.idx.msk [tilespmem:v5+s16+$0x180 ss:$0x1], $0xffff  }
0xff: {  	v11 =	vor.u32 $0x6, v11;
	_ =	sdelay $0x4  }
0x100: {  	[tilespmem:v11+s30+$0x0] =	vst.idx.msk $0xffff, v10  }
0x101: {  	v11 =	vadd.s32 v7, v12;
	v10 =	vld.idx.msk [tilespmem:v5+s16+$0x190 ss:$0x1], $0xffff  }
0x102: {  	v11 =	vor.u32 $0x6, v11;
	_ =	sdelay $0x4  }
0x103: {  	[tilespmem:v11+s30+$0x0] =	vst.idx.msk $0xffff, v10  }
0x104: {  	v11 =	vadd.s32 v8, v12;
	v10 =	vld.idx.msk [tilespmem:v5+s16+$0x1A0 ss:$0x1], $0xffff  }
0x105: {  	v11 =	vor.u32 $0x6, v11;
	_ =	sdelay $0x4  }
0x106: {  	[tilespmem:v11+s30+$0x0] =	vst.idx.msk $0xffff, v10  }
0x107: {  	s18 =	sadd.s32 $0x7, s1;
	v11 =	vadd.s32 v9, v12;
	v10 =	vld.idx.msk [tilespmem:v5+s16+$0x1B0 ss:$0x1], $0xffff  }
0x108: {  	s18 =	sand.u32 $0x78, s18;
	v11 =	vor.u32 $0x6, v11  }
0x109: {  	v12 =	vmov s18  }
0x10a: {  	v12 =	vshrl.u32 v12, $0x3  }
0x10b: {  	v12 =	vshll.u32 v12, v1  }
0x10c: {  	v12 =	vbroadcast v12, $0x0  }
0x10d: {  	[tilespmem:v11+s30+$0x0] =	vst.idx.msk $0xffff, v10  }
0x10e: {  	v6 =	vadd.s32 v6, v12;
	v10 =	vld.idx.msk [tilespmem:v5+s16+$0x1C0 ss:$0x1], $0xffff  }
0x10f: {  	v6 =	vor.u32 $0x7, v6;
	_ =	sdelay $0x4  }
0x110: {  	[tilespmem:v6+s30+$0x0] =	vst.idx.msk $0xffff, v10  }
0x111: {  	v7 =	vadd.s32 v7, v12;
	v6 =	vld.idx.msk [tilespmem:v5+s16+$0x1D0 ss:$0x1], $0xffff  }
0x112: {  	v7 =	vor.u32 $0x7, v7;
	_ =	sdelay $0x4  }
0x113: {  	[tilespmem:v7+s30+$0x0] =	vst.idx.msk $0xffff, v6  }
0x114: {  	v7 =	vadd.s32 v8, v12;
	v6 =	vld.idx.msk [tilespmem:v5+s16+$0x1E0 ss:$0x1], $0xffff  }
0x115: {  	v7 =	vor.u32 $0x7, v7;
	_ =	sdelay $0x2  }
.Ltmp0:
0x116: {  	(pc) =	sbr.rel @p1 .LBB2_3-.Ltmp0, $4  }
0x117: {  	_ = 	snop  }
0x118: {  	[tilespmem:v7+s30+$0x0] =	vst.idx.msk $0xffff, v6  }
0x119: {  	s31 =	sadd.s32 $0x1, s31;
	v7 =	vadd.s32 v9, v12;
	v6 =	vld.idx.msk [tilespmem:v5+s16+$0x1F0 ss:$0x1], $0xffff  }
0x11a: {  	s13 =	sadd.s32 $0x800, s13;
	s1 =	sadd.s32 $0x8, s1;
	s16 =	sshrl.u32 s31, $0x4;
	v7 =	vor.u32 $0x7, v7  }
0x11b: {  	s13 =	sand.u32 $0x78, s1;
	v8 =	vmov s16  }
0x11c: {  	v9 =	vmov s13;
	v8 =	vmul.u32 $0x2200, v8  }
0x11d: {  	v9 =	vshrl.u32 v9, $0x3  }
0x11e: {  	v10 =	vbroadcast v8, $0x0;
	v28 =	vshll.u32 v9, v1  }
0x11f: {  	v11 =	vbroadcast v28, $0x0  }
0x120: {  	s0 =	sshra.s32 s0, $0x2;
	[tilespmem:v7+s30+$0x0] =	vst.idx.msk $0xffff, v6;
	v6 =	vadd.s32 v0, v10  }
0x121: {  	v7 =	vld.idx.msk [tilespmem:v5+s0+$0x0 ss:$0x1], $0xffff;
	v8 =	vadd.s32 v6, v11;
	_ =	sdelay $0x4  }
0x122: {  	[tilespmem:v8+s30+$0x0] =	vst.idx.msk $0xffff, v7;
	v7 =	vadd.s32 v2, v10  }
0x123: {  	v8 =	vld.idx.msk [tilespmem:v5+s0+$0x10 ss:$0x1], $0xffff;
	v29 =	vadd.s32 v7, v11;
	_ =	sdelay $0x4  }
0x124: {  	v30 =	vadd.s32 v3, v10;
	[tilespmem:v29+s30+$0x0] =	vst.idx.msk $0xffff, v8  }
0x125: {  	v12 =	vadd.s32 v30, v11;
	v9 =	vld.idx.msk [tilespmem:v5+s0+$0x20 ss:$0x1], $0xffff;
	_ =	sdelay $0x3  }
0x126: {  	s19 =	sadd.s32 $0x1, s1  }
0x127: {  	s13 =	sand.u32 $0x78, s19;
	v31 =	vadd.s32 v4, v10;
	[tilespmem:v12+s30+$0x0] =	vst.idx.msk $0xffff, v9  }
0x128: {  	v33 =	vmov s13;
	v11 =	vadd.s32 v31, v11;
	v32 =	vld.idx.msk [tilespmem:v5+s0+$0x30 ss:$0x1], $0xffff  }
0x129: {  	v12 =	vshrl.u32 v33, $0x3  }
0x12a: {  	v12 =	vshll.u32 v12, v1  }
0x12b: {  	v12 =	vbroadcast v12, $0x0;
	_ =	sdelay $0x1  }
0x12c: {  	v34 =	vadd.s32 v6, v12;
	[tilespmem:v11+s30+$0x0] =	vst.idx.msk $0xffff, v32  }
0x12d: {  	v10 =	vor.u32 $0x1, v34;
	v11 =	vld.idx.msk [tilespmem:v5+s0+$0x40 ss:$0x1], $0xffff;
	_ =	sdelay $0x4  }
0x12e: {  	v35 =	vadd.s32 v7, v12;
	[tilespmem:v10+s30+$0x0] =	vst.idx.msk $0xffff, v11  }
0x12f: {  	v10 =	vor.u32 $0x1, v35;
	v11 =	vld.idx.msk [tilespmem:v5+s0+$0x50 ss:$0x1], $0xffff;
	_ =	sdelay $0x4  }
0x130: {  	v36 =	vadd.s32 v30, v12;
	[tilespmem:v10+s30+$0x0] =	vst.idx.msk $0xffff, v11  }
0x131: {  	v10 =	vor.u32 $0x1, v36;
	v11 =	vld.idx.msk [tilespmem:v5+s0+$0x60 ss:$0x1], $0xffff;
	_ =	sdelay $0x3  }
0x132: {  	s16 =	sadd.s32 $0x2, s1  }
0x133: {  	s13 =	sand.u32 $0x78, s16;
	v37 =	vadd.s32 v31, v12;
	[tilespmem:v10+s30+$0x0] =	vst.idx.msk $0xffff, v11  }
0x134: {  	v38 =	vmov s13;
	v10 =	vor.u32 $0x1, v37;
	v11 =	vld.idx.msk [tilespmem:v5+s0+$0x70 ss:$0x1], $0xffff  }
0x135: {  	v12 =	vshrl.u32 v38, $0x3  }
0x136: {  	v12 =	vshll.u32 v12, v1  }
0x137: {  	v12 =	vbroadcast v12, $0x0;
	_ =	sdelay $0x1  }
0x138: {  	v39 =	vadd.s32 v6, v12;
	[tilespmem:v10+s30+$0x0] =	vst.idx.msk $0xffff, v11  }
0x139: {  	v10 =	vor.u32 $0x2, v39;
	v11 =	vld.idx.msk [tilespmem:v5+s0+$0x80 ss:$0x1], $0xffff;
	_ =	sdelay $0x4  }
0x13a: {  	v40 =	vadd.s32 v7, v12;
	[tilespmem:v10+s30+$0x0] =	vst.idx.msk $0xffff, v11  }
0x13b: {  	v10 =	vor.u32 $0x2, v40;
	v11 =	vld.idx.msk [tilespmem:v5+s0+$0x90 ss:$0x1], $0xffff;
	_ =	sdelay $0x4  }
0x13c: {  	v41 =	vadd.s32 v30, v12;
	[tilespmem:v10+s30+$0x0] =	vst.idx.msk $0xffff, v11  }
0x13d: {  	v10 =	vor.u32 $0x2, v41;
	v11 =	vld.idx.msk [tilespmem:v5+s0+$0xA0 ss:$0x1], $0xffff;
	_ =	sdelay $0x3  }
0x13e: {  	s18 =	sadd.s32 $0x3, s1  }
0x13f: {  	s13 =	sand.u32 $0x78, s18;
	v42 =	vadd.s32 v31, v12;
	[tilespmem:v10+s30+$0x0] =	vst.idx.msk $0xffff, v11  }
0x140: {  	v43 =	vmov s13;
	v10 =	vor.u32 $0x2, v42;
	v11 =	vld.idx.msk [tilespmem:v5+s0+$0xB0 ss:$0x1], $0xffff  }
0x141: {  	v12 =	vshrl.u32 v43, $0x3  }
0x142: {  	v12 =	vshll.u32 v12, v1  }
0x143: {  	v12 =	vbroadcast v12, $0x0;
	_ =	sdelay $0x1  }
0x144: {  	v44 =	vadd.s32 v6, v12;
	[tilespmem:v10+s30+$0x0] =	vst.idx.msk $0xffff, v11  }
0x145: {  	v10 =	vor.u32 $0x3, v44;
	v11 =	vld.idx.msk [tilespmem:v5+s0+$0xC0 ss:$0x1], $0xffff;
	_ =	sdelay $0x4  }
0x146: {  	v45 =	vadd.s32 v7, v12;
	[tilespmem:v10+s30+$0x0] =	vst.idx.msk $0xffff, v11  }
0x147: {  	v10 =	vor.u32 $0x3, v45;
	v11 =	vld.idx.msk [tilespmem:v5+s0+$0xD0 ss:$0x1], $0xffff;
	_ =	sdelay $0x4  }
0x148: {  	v46 =	vadd.s32 v30, v12;
	[tilespmem:v10+s30+$0x0] =	vst.idx.msk $0xffff, v11  }
0x149: {  	v10 =	vor.u32 $0x3, v46;
	v11 =	vld.idx.msk [tilespmem:v5+s0+$0xE0 ss:$0x1], $0xffff;
	_ =	sdelay $0x3  }
0x14a: {  	s19 =	sadd.s32 $0x4, s1  }
0x14b: {  	s13 =	sand.u32 $0x78, s19;
	v47 =	vadd.s32 v31, v12;
	[tilespmem:v10+s30+$0x0] =	vst.idx.msk $0xffff, v11  }
0x14c: {  	v48 =	vmov s13;
	v10 =	vor.u32 $0x3, v47;
	v11 =	vld.idx.msk [tilespmem:v5+s0+$0xF0 ss:$0x1], $0xffff  }
0x14d: {  	v12 =	vshrl.u32 v48, $0x3  }
0x14e: {  	v12 =	vshll.u32 v12, v1  }
0x14f: {  	v12 =	vbroadcast v12, $0x0;
	_ =	sdelay $0x1  }
0x150: {  	v49 =	vadd.s32 v6, v12;
	[tilespmem:v10+s30+$0x0] =	vst.idx.msk $0xffff, v11  }
0x151: {  	v10 =	vor.u32 $0x4, v49;
	v11 =	vld.idx.msk [tilespmem:v5+s0+$0x100 ss:$0x1], $0xffff;
	_ =	sdelay $0x4  }
0x152: {  	v50 =	vadd.s32 v7, v12;
	[tilespmem:v10+s30+$0x0] =	vst.idx.msk $0xffff, v11  }
0x153: {  	v10 =	vor.u32 $0x4, v50;
	v11 =	vld.idx.msk [tilespmem:v5+s0+$0x110 ss:$0x1], $0xffff;
	_ =	sdelay $0x4  }
0x154: {  	v51 =	vadd.s32 v30, v12;
	[tilespmem:v10+s30+$0x0] =	vst.idx.msk $0xffff, v11  }
0x155: {  	v10 =	vor.u32 $0x4, v51;
	v11 =	vld.idx.msk [tilespmem:v5+s0+$0x120 ss:$0x1], $0xffff;
	_ =	sdelay $0x3  }
0x156: {  	s16 =	sadd.s32 $0x5, s1  }
0x157: {  	s13 =	sand.u32 $0x78, s16;
	v52 =	vadd.s32 v31, v12;
	[tilespmem:v10+s30+$0x0] =	vst.idx.msk $0xffff, v11  }
0x158: {  	v53 =	vmov s13;
	v10 =	vor.u32 $0x4, v52;
	v11 =	vld.idx.msk [tilespmem:v5+s0+$0x130 ss:$0x1], $0xffff  }
0x159: {  	v12 =	vshrl.u32 v53, $0x3  }
0x15a: {  	v12 =	vshll.u32 v12, v1  }
0x15b: {  	v12 =	vbroadcast v12, $0x0;
	_ =	sdelay $0x1  }
0x15c: {  	v54 =	vadd.s32 v6, v12;
	[tilespmem:v10+s30+$0x0] =	vst.idx.msk $0xffff, v11  }
0x15d: {  	v10 =	vor.u32 $0x5, v54;
	v11 =	vld.idx.msk [tilespmem:v5+s0+$0x140 ss:$0x1], $0xffff;
	_ =	sdelay $0x4  }
0x15e: {  	v55 =	vadd.s32 v7, v12;
	[tilespmem:v10+s30+$0x0] =	vst.idx.msk $0xffff, v11  }
0x15f: {  	v10 =	vor.u32 $0x5, v55;
	v11 =	vld.idx.msk [tilespmem:v5+s0+$0x150 ss:$0x1], $0xffff;
	_ =	sdelay $0x4  }
0x160: {  	v56 =	vadd.s32 v30, v12;
	[tilespmem:v10+s30+$0x0] =	vst.idx.msk $0xffff, v11  }
0x161: {  	v10 =	vor.u32 $0x5, v56;
	v11 =	vld.idx.msk [tilespmem:v5+s0+$0x160 ss:$0x1], $0xffff;
	_ =	sdelay $0x3  }
0x162: {  	s18 =	sadd.s32 $0x6, s1  }
0x163: {  	s13 =	sand.u32 $0x78, s18;
	v57 =	vadd.s32 v31, v12;
	[tilespmem:v10+s30+$0x0] =	vst.idx.msk $0xffff, v11  }
0x164: {  	v58 =	vmov s13;
	v10 =	vor.u32 $0x5, v57;
	v11 =	vld.idx.msk [tilespmem:v5+s0+$0x170 ss:$0x1], $0xffff  }
0x165: {  	v12 =	vshrl.u32 v58, $0x3  }
0x166: {  	v12 =	vshll.u32 v12, v1  }
0x167: {  	v12 =	vbroadcast v12, $0x0;
	_ =	sdelay $0x1  }
0x168: {  	v59 =	vadd.s32 v6, v12;
	[tilespmem:v10+s30+$0x0] =	vst.idx.msk $0xffff, v11  }
0x169: {  	v10 =	vor.u32 $0x6, v59;
	v11 =	vld.idx.msk [tilespmem:v5+s0+$0x180 ss:$0x1], $0xffff;
	_ =	sdelay $0x4  }
0x16a: {  	v60 =	vadd.s32 v7, v12;
	[tilespmem:v10+s30+$0x0] =	vst.idx.msk $0xffff, v11  }
0x16b: {  	v10 =	vor.u32 $0x6, v60;
	v11 =	vld.idx.msk [tilespmem:v5+s0+$0x190 ss:$0x1], $0xffff;
	_ =	sdelay $0x4  }
0x16c: {  	v61 =	vadd.s32 v30, v12;
	[tilespmem:v10+s30+$0x0] =	vst.idx.msk $0xffff, v11  }
0x16d: {  	v10 =	vor.u32 $0x6, v61;
	v11 =	vld.idx.msk [tilespmem:v5+s0+$0x1A0 ss:$0x1], $0xffff;
	_ =	sdelay $0x3  }
0x16e: {  	s19 =	sadd.s32 $0x7, s1  }
0x16f: {  	s1 =	sand.u32 $0x78, s19;
	v62 =	vadd.s32 v31, v12;
	[tilespmem:v10+s30+$0x0] =	vst.idx.msk $0xffff, v11  }
0x170: {  	v63 =	vmov s1;
	v10 =	vor.u32 $0x6, v62;
	v11 =	vld.idx.msk [tilespmem:v5+s0+$0x1B0 ss:$0x1], $0xffff  }
0x171: {  	v12 =	vshrl.u32 v63, $0x3  }
0x172: {  	v12 =	vshll.u32 v12, v1  }
0x173: {  	v12 =	vbroadcast v12, $0x0;
	_ =	sdelay $0x1  }
0x174: {  	v6 =	vadd.s32 v6, v12;
	[tilespmem:v10+s30+$0x0] =	vst.idx.msk $0xffff, v11  }
0x175: {  	v6 =	vor.u32 $0x7, v6;
	v10 =	vld.idx.msk [tilespmem:v5+s0+$0x1C0 ss:$0x1], $0xffff;
	_ =	sdelay $0x4  }
0x176: {  	[tilespmem:v6+s30+$0x0] =	vst.idx.msk $0xffff, v10;
	v6 =	vadd.s32 v7, v12  }
0x177: {  	v7 =	vld.idx.msk [tilespmem:v5+s0+$0x1D0 ss:$0x1], $0xffff;
	v6 =	vor.u32 $0x7, v6;
	_ =	sdelay $0x4  }
0x178: {  	[tilespmem:v6+s30+$0x0] =	vst.idx.msk $0xffff, v7;
	v6 =	vadd.s32 v30, v12  }
0x179: {  	v7 =	vld.idx.msk [tilespmem:v5+s0+$0x1E0 ss:$0x1], $0xffff;
	v6 =	vor.u32 $0x7, v6;
	_ =	sdelay $0x4  }
0x17a: {  	[tilespmem:v6+s30+$0x0] =	vst.idx.msk $0xffff, v7;
	v6 =	vadd.s32 v31, v12  }
0x17b: {  	v5 =	vld.idx.msk [tilespmem:v5+s0+$0x1F0 ss:$0x1], $0xffff;
	v6 =	vor.u32 $0x7, v6  }
0x17c: {  	s1 =	sadd.s32 s5, s25  }
0x17d: {  	s13 =	sshll.u32 s1, $0x8  }
0x17e: {  	s16 =	sshll.u32 s1, $0xB;
	s0 =	sand.u32 $0x3F00, s13  }
0x17f: {  	s1 =	sand.u32 $0xFFE0000, s16;
	s18 =	sadd.s32 s2, s0  }
0x180: {  	s13 =	sadd.s32 s1, s18;
	s18 =	sadd.s32 $0x0, s29;
	[tilespmem:v6+s30+$0x0] =	vst.idx.msk $0xffff, v5  }
0x181: {  	[hbm4b:s13+s3] =	stream.linear.scatter [tilespmem:s18], [sflag:s28], $0x80, $0x38;
	[tilespmem:$0x14B00] =	vst v63  }
0x182: {  	s19 =	sadd.s32 $0x88, s18;
	s30 =	sadd.s32 $0x10, s13  }
0x183: {  	[hbm4b:s30+s3] =	stream.linear.scatter [tilespmem:s19], [sflag:s28], $0x80, $0x38;
	[tilespmem:$0x14B00] =	vst v63  }
0x184: {  	s19 =	sadd.s32 $0x110, s18;
	s30 =	sadd.s32 $0x20, s13  }
0x185: {  	[hbm4b:s30+s3] =	stream.linear.scatter [tilespmem:s19], [sflag:s28], $0x80, $0x38;
	[tilespmem:$0x14B00] =	vst v63  }
0x186: {  	s19 =	sadd.s32 $0x198, s18;
	s30 =	sadd.s32 $0x30, s13  }
0x187: {  	[hbm4b:s30+s3] =	stream.linear.scatter [tilespmem:s19], [sflag:s28], $0x80, $0x38;
	[tilespmem:$0x14B00] =	vst v63  }
0x188: {  	s19 =	sadd.s32 $0x220, s18;
	s30 =	sadd.s32 $0x40, s13  }
0x189: {  	[hbm4b:s30+s3] =	stream.linear.scatter [tilespmem:s19], [sflag:s28], $0x80, $0x38;
	[tilespmem:$0x14B00] =	vst v63  }
0x18a: {  	s16 =	simm.s32 $0x440;
	s19 =	sadd.s32 $0x2A8, s18;
	s30 =	sadd.s32 $0x50, s13  }
0x18b: {  	[hbm4b:s30+s3] =	stream.linear.scatter [tilespmem:s19], [sflag:s28], $0x80, $0x38;
	[tilespmem:$0x14B00] =	vst v63  }
0x18c: {  	s31 =	sadd.s32 $0x3B8, s18;
	s19 =	sadd.s32 $0x330, s18;
	s30 =	sadd.s32 $0x60, s13  }
0x18d: {  	[hbm4b:s30+s3] =	stream.linear.scatter [tilespmem:s19], [sflag:s28], $0x80, $0x38;
	[tilespmem:$0x14B00] =	vst v63  }
0x18e: {  	s18 =	sadd.s32 $0x70, s13;
	s13 =	sadd.s32 $0x4000, s13;
	s30 =	simm.s32 $0x2200  }
.LBB2_5:
0x18f: {  	[hbm4b:s18+s3] =	stream.linear.scatter [tilespmem:s31], [sflag:s28], $0x80, $0x38;
	[tilespmem:$0x14B00] =	vst v63  }
0x190: {  	s18 =	smov.u32 s30  }
0x191: {  	s19 =	sadd.s32 $0x1100, s30;
	s31 =	sadd.s32 s16, s29;
	s16 =	sshra.s32 s18, $0x2  }
0x192: {  	[hbm4b:s13+s3] =	stream.linear.scatter [tilespmem:s31], [sflag:s28], $0x80, $0x38;
	[tilespmem:$0x14B00] =	vst v63  }
0x193: {  	p1 =	sne.s32 s30, $0x7700;
	s30 =	sadd.s32 $0x10, s13;
	s18 =	sadd.s32 $0x88, s31  }
0x194: {  	[hbm4b:s30+s3] =	stream.linear.scatter [tilespmem:s18], [sflag:s28], $0x80, $0x38;
	[tilespmem:$0x14B00] =	vst v63  }
0x195: {  	s18 =	sadd.s32 $0x110, s31;
	s30 =	sadd.s32 $0x20, s13  }
0x196: {  	[hbm4b:s30+s3] =	stream.linear.scatter [tilespmem:s18], [sflag:s28], $0x80, $0x38;
	[tilespmem:$0x14B00] =	vst v63  }
0x197: {  	s18 =	sadd.s32 $0x198, s31;
	s30 =	sadd.s32 $0x30, s13  }
0x198: {  	[hbm4b:s30+s3] =	stream.linear.scatter [tilespmem:s18], [sflag:s28], $0x80, $0x38;
	[tilespmem:$0x14B00] =	vst v63  }
0x199: {  	s18 =	sadd.s32 $0x220, s31;
	s30 =	sadd.s32 $0x40, s13  }
0x19a: {  	[hbm4b:s30+s3] =	stream.linear.scatter [tilespmem:s18], [sflag:s28], $0x80, $0x38;
	[tilespmem:$0x14B00] =	vst v63  }
.Ltmp1:
0x19b: {  	s18 =	sadd.s32 $0x2A8, s31;
	s30 =	sadd.s32 $0x50, s13;
	(pc) =	sbr.rel @p1 .LBB2_5-.Ltmp1, $4  }
0x19c: {  	[hbm4b:s30+s3] =	stream.linear.scatter [tilespmem:s18], [sflag:s28], $0x80, $0x38;
	[tilespmem:$0x14B00] =	vst v63  }
0x19d: {  	s18 =	sadd.s32 $0x330, s31;
	s30 =	sadd.s32 $0x60, s13;
	s31 =	sadd.s32 $0x3B8, s31  }
0x19e: {  	[hbm4b:s30+s3] =	stream.linear.scatter [tilespmem:s18], [sflag:s28], $0x80, $0x38;
	[tilespmem:$0x14B00] =	vst v63  }
0x19f: {  	s18 =	sadd.s32 $0x70, s13;
	s13 =	sadd.s32 $0x4000, s13;
	s30 =	smov.u32 s19  }
0x1a0: {  	[hbm4b:s18+s3] =	stream.linear.scatter [tilespmem:s31], [sflag:s28], $0x80, $0x38;
	[tilespmem:$0x14B00] =	vst v63  }
0x1a1: {  	s16 =	sadd.s32 s16, s29  }
0x1a2: {  	[hbm4b:s13+s3] =	stream.linear.scatter [tilespmem:s16], [sflag:s28], $0x80, $0x38;
	[tilespmem:$0x14B00] =	vst v63  }
0x1a3: {  	s19 =	sadd.s32 $0x10, s13;
	s31 =	sadd.s32 $0x88, s16  }
0x1a4: {  	[hbm4b:s19+s3] =	stream.linear.scatter [tilespmem:s31], [sflag:s28], $0x80, $0x38;
	[tilespmem:$0x14B00] =	vst v63  }
0x1a5: {  	s30 =	sadd.s32 $0x110, s16;
	s31 =	sadd.s32 $0x20, s13  }
0x1a6: {  	[hbm4b:s31+s3] =	stream.linear.scatter [tilespmem:s30], [sflag:s28], $0x80, $0x38;
	[tilespmem:$0x14B00] =	vst v63  }
0x1a7: {  	s30 =	sadd.s32 $0x198, s16;
	s31 =	sadd.s32 $0x30, s13  }
0x1a8: {  	[hbm4b:s31+s3] =	stream.linear.scatter [tilespmem:s30], [sflag:s28], $0x80, $0x38;
	[tilespmem:$0x14B00] =	vst v63  }
0x1a9: {  	s30 =	sadd.s32 $0x220, s16;
	s31 =	sadd.s32 $0x40, s13  }
0x1aa: {  	[hbm4b:s31+s3] =	stream.linear.scatter [tilespmem:s30], [sflag:s28], $0x80, $0x38;
	[tilespmem:$0x14B00] =	vst v63  }
0x1ab: {  	s30 =	sadd.s32 $0x2A8, s16;
	s31 =	sadd.s32 $0x50, s13  }
0x1ac: {  	[hbm4b:s31+s3] =	stream.linear.scatter [tilespmem:s30], [sflag:s28], $0x80, $0x38;
	[tilespmem:$0x14B00] =	vst v63  }
0x1ad: {  	s19 =	sadd.s32 $0x330, s16;
	s30 =	sadd.s32 $0x60, s13  }
0x1ae: {  	[hbm4b:s30+s3] =	stream.linear.scatter [tilespmem:s19], [sflag:s28], $0x80, $0x38;
	[tilespmem:$0x14B00] =	vst v63  }
0x1af: {  	s1 =	sadd.s32 s2, s1;
	s16 =	sadd.s32 $0x3B8, s16;
	s31 =	sadd.s32 $0x70, s13  }
0x1b0: {  	[hbm4b:s31+s3] =	stream.linear.scatter [tilespmem:s16], [sflag:s28], $0x80, $0x38;
	[tilespmem:$0x14B00] =	vst v63  }
0x1b1: {  	s0 =	sadd.s32 s0, s1;
	s16 =	sadd.s32 $0x0, s29  }
0x1b2: {  	s0 =	sadd.s32 $0x80, s0;
	s13 =	sadd.s32 $0x2200, s16  }
0x1b3: {  	[hbm4b:s0+s3] =	stream.linear.scatter [tilespmem:s13], [sflag:s28], $0x80, $0x38;
	[tilespmem:$0x14B00] =	vst v63  }
0x1b4: {  	s19 =	sadd.s32 $0x10, s0;
	s18 =	sadd.s32 $0x2288, s16  }
0x1b5: {  	[hbm4b:s19+s3] =	stream.linear.scatter [tilespmem:s18], [sflag:s28], $0x80, $0x38;
	[tilespmem:$0x14B00] =	vst v63  }
0x1b6: {  	s1 =	simm.s32 $0x440;
	s31 =	sadd.s32 $0x20, s0;
	s30 =	sadd.s32 $0x2310, s16  }
0x1b7: {  	[hbm4b:s31+s3] =	stream.linear.scatter [tilespmem:s30], [sflag:s28], $0x80, $0x38;
	[tilespmem:$0x14B00] =	vst v63  }
0x1b8: {  	s13 =	simm.s32 $0x2200;
	s18 =	sadd.s32 $0x2398, s16;
	s19 =	sadd.s32 $0x30, s0  }
0x1b9: {  	[hbm4b:s19+s3] =	stream.linear.scatter [tilespmem:s18], [sflag:s28], $0x80, $0x38;
	[tilespmem:$0x14B00] =	vst v63  }
0x1ba: {  	s30 =	sadd.s32 $0x2420, s16;
	s31 =	sadd.s32 $0x40, s0;
	s18 =	sadd.s32 $0x24A8, s16  }
0x1bb: {  	[hbm4b:s31+s3] =	stream.linear.scatter [tilespmem:s30], [sflag:s28], $0x80, $0x38;
	[tilespmem:$0x14B00] =	vst v63  }
0x1bc: {  	s19 =	sadd.s32 $0x50, s0;
	s30 =	sadd.s32 $0x2530, s16;
	s31 =	sadd.s32 $0x60, s0  }
0x1bd: {  	[hbm4b:s19+s3] =	stream.linear.scatter [tilespmem:s18], [sflag:s28], $0x80, $0x38;
	[tilespmem:$0x14B00] =	vst v63  }
0x1be: {  	s16 =	sadd.s32 $0x25B8, s16;
	s18 =	sadd.s32 $0x70, s0;
	s0 =	sadd.s32 $0x4000, s0  }
0x1bf: {  	[hbm4b:s31+s3] =	stream.linear.scatter [tilespmem:s30], [sflag:s28], $0x80, $0x38;
	[tilespmem:$0x14B00] =	vst v63  }
.LBB2_7:
0x1c0: {  	[hbm4b:s18+s3] =	stream.linear.scatter [tilespmem:s16], [sflag:s28], $0x80, $0x38;
	[tilespmem:$0x14B00] =	vst v63  }
0x1c1: {  	s16 =	smov.u32 s13  }
0x1c2: {  	s19 =	sadd.s32 $0x1100, s13;
	s18 =	sadd.s32 s1, s29;
	s1 =	sshra.s32 s16, $0x2  }
0x1c3: {  	p1 =	sne.s32 s13, $0x7700;
	s13 =	sadd.s32 $0x2200, s18  }
0x1c4: {  	[hbm4b:s0+s3] =	stream.linear.scatter [tilespmem:s13], [sflag:s28], $0x80, $0x38;
	[tilespmem:$0x14B00] =	vst v63  }
0x1c5: {  	s16 =	sadd.s32 $0x10, s0;
	s13 =	sadd.s32 $0x2288, s18  }
0x1c6: {  	[hbm4b:s16+s3] =	stream.linear.scatter [tilespmem:s13], [sflag:s28], $0x80, $0x38;
	[tilespmem:$0x14B00] =	vst v63  }
0x1c7: {  	s13 =	sadd.s32 $0x2310, s18;
	s16 =	sadd.s32 $0x20, s0  }
0x1c8: {  	[hbm4b:s16+s3] =	stream.linear.scatter [tilespmem:s13], [sflag:s28], $0x80, $0x38;
	[tilespmem:$0x14B00] =	vst v63  }
0x1c9: {  	s13 =	sadd.s32 $0x2398, s18;
	s16 =	sadd.s32 $0x30, s0  }
0x1ca: {  	[hbm4b:s16+s3] =	stream.linear.scatter [tilespmem:s13], [sflag:s28], $0x80, $0x38;
	[tilespmem:$0x14B00] =	vst v63  }
0x1cb: {  	s13 =	sadd.s32 $0x2420, s18;
	s16 =	sadd.s32 $0x40, s0  }
0x1cc: {  	[hbm4b:s16+s3] =	stream.linear.scatter [tilespmem:s13], [sflag:s28], $0x80, $0x38;
	[tilespmem:$0x14B00] =	vst v63  }
0x1cd: {  	s13 =	sadd.s32 $0x24A8, s18;
	s16 =	sadd.s32 $0x50, s0  }
0x1ce: {  	[hbm4b:s16+s3] =	stream.linear.scatter [tilespmem:s13], [sflag:s28], $0x80, $0x38;
	[tilespmem:$0x14B00] =	vst v63  }
.Ltmp2:
0x1cf: {  	_ = 	snop;
	(pc) =	sbr.rel @p1 .LBB2_7-.Ltmp2, $4  }
0x1d0: {  	s13 =	sadd.s32 $0x2530, s18;
	s16 =	sadd.s32 $0x60, s0  }
0x1d1: {  	[hbm4b:s16+s3] =	stream.linear.scatter [tilespmem:s13], [sflag:s28], $0x80, $0x38;
	[tilespmem:$0x14B00] =	vst v63  }
0x1d2: {  	s16 =	sadd.s32 $0x25B8, s18  }
0x1d3: {  	s18 =	sadd.s32 $0x70, s0;
	s0 =	sadd.s32 $0x4000, s0;
	s13 =	smov.u32 s19  }
0x1d4: {  	[hbm4b:s18+s3] =	stream.linear.scatter [tilespmem:s16], [sflag:s28], $0x80, $0x38;
	[tilespmem:$0x14B00] =	vst v63  }
0x1d5: {  	s1 =	sadd.s32 s1, s29  }
0x1d6: {  	s13 =	sadd.s32 $0x2200, s1  }
0x1d7: {  	[hbm4b:s0+s3] =	stream.linear.scatter [tilespmem:s13], [sflag:s28], $0x80, $0x38;
	[tilespmem:$0x14B00] =	vst v63  }
0x1d8: {  	s31 =	sadd.s32 $0x10, s0;
	s30 =	sadd.s32 $0x2288, s1  }
0x1d9: {  	[hbm4b:s31+s3] =	stream.linear.scatter [tilespmem:s30], [sflag:s28], $0x80, $0x38;
	[tilespmem:$0x14B00] =	vst v63  }
0x1da: {  	s18 =	sadd.s32 $0x20, s0;
	s29 =	sadd.s32 $0x30, s0;
	s16 =	sadd.s32 $0x2310, s1  }
0x1db: {  	[hbm4b:s18+s3] =	stream.linear.scatter [tilespmem:s16], [sflag:s28], $0x80, $0x38;
	[tilespmem:$0x14B00] =	vst v63  }
0x1dc: {  	p1 =	sgt.u32 s25, $0x60;
	s19 =	sadd.s32 $0x2398, s1;
	s30 =	sadd.s32 $0x2420, s1  }
0x1dd: {  	[hbm4b:s29+s3] =	stream.linear.scatter [tilespmem:s19], [sflag:s28], $0x80, $0x38;
	[tilespmem:$0x14B00] =	vst v63  }
0x1de: {  	s31 =	sadd.s32 $0x40, s0;
	s18 =	sadd.s32 $0x24A8, s1;
	s19 =	sadd.s32 $0x50, s0  }
0x1df: {  	[hbm4b:s31+s3] =	stream.linear.scatter [tilespmem:s30], [sflag:s28], $0x80, $0x38;
	[tilespmem:$0x14B00] =	vst v63  }
0x1e0: {  	s30 =	sadd.s32 $0x60, s0;
	s31 =	sadd.s32 $0x70, s0;
	s0 =	sadd.s32 @!p1 s25, s10  }
0x1e1: {  	[hbm4b:s19+s3] =	stream.linear.scatter [tilespmem:s18], [sflag:s28], $0x80, $0x38;
	[tilespmem:$0x14B00] =	vst v63  }
0x1e2: {  	s13 =	sadd.s32 @!p1 $0x6, s26;
	s29 =	sadd.s32 $0x2530, s1;
	s0 =	sshll.u32 @!p1 s0, $0x5  }
0x1e3: {  	[hbm4b:s30+s3] =	stream.linear.scatter [tilespmem:s29], [sflag:s28], $0x80, $0x38;
	[tilespmem:$0x14B00] =	vst v63  }
0x1e4: {  	s16 =	simm.s32 @!p1 $0x0;
	s1 =	sadd.s32 $0x25B8, s1;
	s0 =	sand.u32 @!p1 $0x1FFFFFE0, s0  }
0x1e5: {  	[hbm4b:s31+s3] =	stream.linear.scatter [tilespmem:s1], [sflag:s28], $0x80, $0x38;
	[tilespmem:$0x14B00] =	vst v63  }
0x1e6: {  	s25 =	sadd.s32 $0x1, s25;
	s0 =	sadd.s32 @!p1 s4, s0;
	s1 =	sshll.u32 @!p1 s26, $0x8  }
0x1e7: {  	[tilespmem:s1], [sflag:s13] =	stream.linear.gather @!p1 [hbm4b:s0+s16], $0x100, $0x38;
	[tilespmem:$0x14B00] =	vst v63  }
0x1e8: {  	p1 =	sne.s32 s25, $0x64  }
.Ltmp3:
0x1e9: {  	_ = 	snop;
	(pc) =	sbr.rel @p1 .LBB2_2-.Ltmp3, $2  }
0x1ea: {  	_ =	sdelay $0x2  }
0x1eb: {  	s24 =	sadd.s32 $0x4000, s24;
	p0 =	por !p0, !p0  }
0x1ec: {  	_ =	swait.ge [sflag:s21], $0x2000  }
0x1ed: {  	[sflag:s21] =	ssyncset.done $0x0  }
0x1ee: {  	[sflag:s21] =	ssyncadd.s32 $0xFFFFE000  }
0x1ef: {  	_ =	swait.ge [sflag:s21], $0x2000  }
0x1f0: {  	[sflag:s21] =	ssyncset.done $0x0  }
0x1f1: {  	s23 =	sadd.s32 $0x1, s23;
	[sflag:s21] =	ssyncadd.s32 $0xFFFFE000  }
0x1f2: {  	p0 =	sne.s32 s23, s11;
	_ =	swait.ge [sflag:s22], $0x2000  }
.Ltmp4:
0x1f3: {  	[sflag:s22] =	ssyncset.done $0x0;
	(pc) =	sbr.rel @p0 .LBB2_1-.Ltmp4, $4  }
0x1f4: {  	[sflag:s22] =	ssyncadd.s32 $0xFFFFE000  }
0x1f5: {  	_ =	swait.ge [sflag:s22], $0x2000  }
0x1f6: {  	[sflag:s22] =	ssyncset.done $0x0  }
0x1f7: {  	[sflag:s22] =	ssyncadd.s32 $0xFFFFE000  }
0x1f8: {  	_ =	sfence.sel $0x180000  }
0x1f9: {  	[bflag:$0x0] =	sbarrier.arrive $0xFFFF  }
0x1fa: {  	_ =	strace $0x90000047  }
0x1fb: {  	s0 =	stileid.u32;
	[bflag:$0x2] =	sbarrier.arrive $0xFFFF  }
0x1fc: {  	p0 =	sne.s32 s0, $0x0;
	s0 =	rddreg [dreg:$0x2]  }
0x1fd: {  	s0 =	sadd.s32 @!p0 $0x100000, s0  }
0x1fe: {  	[sflag:s0] =	ssyncadd.tile.s32 @!p0 $0x1;
	_ =	shalt  }
.Lfunc_end2:
_tile_overlayer_lowered:
.L_overlay_start_2:
0x1ff: {  	(tag) =	ssettag $0x2  }
0x200: {  	s0 =	rddreg [dreg:$0x0];
	s2 =	stileid.u32  }
0x201: {  	s1 =	rddreg [dreg:$0x1];
	p0 =	sne.s32 s2, $0x0  }
0x202: {  	s3 =	rddreg [dreg:$0x2];
	[bflag:$0x3] =	sbarrier.arrive $0xFFFF;
	s2 =	simm.s32 @!p0 $0x1C09  }
0x203: {  	[timem:s3], [sflag:s2] =	dma.local @!p0 [hbm:s0], s1  }
0x204: {  	s0 =	simm.s32 @!p0 $0x9  }
0x205: {  	_ =	swait.ge @!p0 [sflag:s0], s1  }
0x206: {  	s1 =	ssub.s32 @!p0 $0x0, s1;
	[sflag:s0] =	ssyncset.done @!p0 $0x0  }
0x207: {  	[sflag:s0] =	ssyncadd.s32 @!p0 s1  }
0x208: {  	[bflag:$0x3] =	sbarrier.arrive $0xFFFF  }
0x209: {  	_ =	shalt  }

</sc_bundles>
